<compile_context>
chip_gen: v7x
topology: tpu7x:2x2x1
jax: 0.10.2.dev20260603
libtpu: 0.0.44.dev20260713+nightly
codegen_flags: <defaults>
</compile_context>

<pallas_src>
import functools

import jax
import jax.numpy as jnp
from jax import lax
from jax.experimental import pallas as pl
from jax.experimental.pallas import tpu as pltpu
from jax.experimental.pallas import tpu_sc as plsc

D_MODEL = 64
SCALE = 8.0

NC = 2
NS = 16
NW = NC * NS

CR = 4
NBUF = 4


def _build(seq, rows_w, n_chunks):
    mesh = plsc.VectorSubcoreMesh(core_axis_name="c", subcore_axis_name="s")

    @functools.partial(
        pl.kernel,
        out_type=jax.ShapeDtypeStruct((rows_w * NW, seq, D_MODEL), jnp.float32),
        mesh=mesh,
        compiler_params=pltpu.CompilerParams(use_tc_tiling_on_sc=False),
        scratch_types=[
            pltpu.VMEM((rows_w, seq), jnp.int32),
            pltpu.VMEM((NBUF, CR, seq, D_MODEL), jnp.float32),
            pltpu.SemaphoreType.DMA((NBUF,)),
            pltpu.SemaphoreType.DMA((NBUF,)),
        ],
    )
    def emb(x_hbm, tab_hbm, out_hbm, idx_v, rows_v, gsem, osem):
        wid = lax.axis_index("s") * NC + lax.axis_index("c")
        rbase = wid * rows_w
        pltpu.sync_copy(x_hbm.at[pl.ds(rbase, rows_w)], idx_v)

        def fire_gather(g, b):
            for j in range(CR):
                pltpu.async_copy(
                    tab_hbm.at[idx_v.at[g * CR + j]],
                    rows_v.at[b, j],
                    gsem.at[b],
                )

        def drain_gather(b):
            for j in range(CR):
                pltpu.make_async_copy(
                    tab_hbm.at[idx_v.at[j]], rows_v.at[b, j], gsem.at[b]
                ).wait()

        def fire_out(g, b):
            pltpu.async_copy(
                rows_v.at[b],
                out_hbm.at[pl.ds(rbase + g * CR, CR)],
                osem.at[b],
            )

        def wait_out(b):
            pltpu.make_async_copy(
                rows_v.at[b], out_hbm.at[pl.ds(0, CR)], osem.at[b]
            ).wait()

        for g in range(NBUF - 1):
            fire_gather(g, g)

        def chunk_iter(t, carry):
            for b in range(NBUF):
                g = t * NBUF + b
                drain_gather(b)

                def scale_row(r, c):
                    for j in range(CR):
                        for k in range(D_MODEL // 16):
                            sl = pl.ds(16 * k, 16)
                            rows_v[b, j, r, sl] = rows_v[b, j, r, sl] * SCALE
                    return c

                lax.fori_loop(0, seq, scale_row, 0)
                fire_out(g, b)
                nb = (b + NBUF - 1) % NBUF

                @pl.when(g + NBUF - 1 < n_chunks)
                def _prep():
                    @pl.when(g >= 1)
                    def _w():
                        wait_out(nb)

                    fire_gather(g + NBUF - 1, nb)

            return carry

        lax.fori_loop(0, n_chunks // NBUF, chunk_iter, 0)
        for b in range(NBUF):
            wait_out(b)

    return emb


def kernel(x, table):
    nrows, seq = x.shape
    assert nrows % NW == 0
    rows_w = nrows // NW
    assert rows_w % CR == 0
    n_chunks = rows_w // CR
    assert n_chunks % NBUF == 0
    return _build(seq, rows_w, n_chunks)(x.astype(jnp.int32), table)

# --- scband reference (transcript-rebuilt; emitter-appended) ---
"""Pipeline reference for scband-input-embeddings-31533649887514 (READ-ONLY COPY).

The authoritative reference and input builder live on the scoring server;
editing this copy changes nothing except your own understanding.
"""

import jax, jax.numpy as jnp
import numpy as np
import math

VOCAB = 1000000
D_MODEL = 64

def setup_inputs(seed: int = 0) -> dict:
    key = jax.random.key(seed)
    k1, k2 = jax.random.split(key)
    x = jax.random.randint(k1, (16384, 50), 0, VOCAB, dtype=jnp.int64 if jax.config.jax_enable_x64 else jnp.int32)
    table = jax.random.normal(k2, (VOCAB, D_MODEL), dtype=jnp.float32)
    return {"x": x, "table": table}

def reference(x, table):
    # InputEmbeddings.forward: embedding(x) * sqrt(d_model)
    emb = jnp.take(table, x, axis=0)
    return emb * math.sqrt(D_MODEL)

if __name__ == "__main__":
    import jax
    _d = setup_inputs()
    print(jax.jit(kernel)(*tuple(_d.values())))

</pallas_src>

<mosaic_0001>
#map = affine_map<(d0, d1) -> (0, 0)>
#map1 = affine_map<(d0, d1) -> (0, 0, 0)>
module attributes {stable_mosaic.version = 14 : i64} {
  func.func @emb(%arg0: i32, %arg1: i32, %arg2: memref<16384x50xi32, #tpu.memory_space<hbm>>, %arg3: memref<1000000x64xf32, #tpu.memory_space<hbm>>, %arg4: memref<16384x50x64xf32, #tpu.memory_space<hbm>>, %arg5: memref<512x50xi32, #tpu.memory_space<vmem>>, %arg6: memref<4x4x50x64xf32, #tpu.memory_space<vmem>>, %arg7: memref<4x!tpu.dma_semaphore, #tpu.memory_space<semaphore_mem>>, %arg8: memref<4x!tpu.dma_semaphore, #tpu.memory_space<semaphore_mem>>) attributes {dimension_semantics = [#tpu.dimension_semantics<core_parallel>, #tpu.dimension_semantics<subcore_parallel>], iteration_bounds = array<i64: 2, 16>, scalar_prefetch = 0 : i64, scratch_operands = 4 : i64, tpu.core_type = #tpu.core_type<sc_vector_subcore>, window_params = [{transform_indices = #map}, {transform_indices = #map}, {transform_indices = #map1}]} {
    %mul3A = arith.constant 2 : i32
    %mul3A_0 = arith.muli %arg1, %mul3A : i32
    %add3A = arith.addi %mul3A_0, %arg0 : i32
    %mul3A_1 = arith.constant 512 : i32
    %mul3A_2 = arith.muli %add3A, %mul3A_1 : i32
    "tpu.region"() ({
      %run_scoped3A = tpu.sem_alloc : memref<!tpu.dma_semaphore, #tpu.memory_space<semaphore_mem>>
      %dma_start3A_286 = arith.constant 0 : i32
      %dma_start3A_287 = tpu.memref_slice %arg2[%mul3A_2, %dma_start3A_286] : memref<16384x50xi32, #tpu.memory_space<hbm>> -> memref<512x50xi32, #tpu.memory_space<hbm>>
      %dma_start3A_288 = arith.constant 0 : i32
      %dma_start3A_289 = tpu.memref_slice %arg2[%mul3A_2, %dma_start3A_288] : memref<16384x50xi32, #tpu.memory_space<hbm>> -> memref<512x50xi32, #tpu.memory_space<hbm>>
      tpu.enqueue_dma source(%dma_start3A_289 : memref<512x50xi32, #tpu.memory_space<hbm>>) target(%arg5 : memref<512x50xi32, #tpu.memory_space<vmem>>) target_semaphore(%run_scoped3A : memref<!tpu.dma_semaphore, #tpu.memory_space<semaphore_mem>>)
      %dma_wait3A_290 = arith.constant 0 : i32
      %dma_wait3A_291 = tpu.memref_slice %arg2[%mul3A_2, %dma_wait3A_290] : memref<16384x50xi32, #tpu.memory_space<hbm>> -> memref<512x50xi32, #tpu.memory_space<hbm>>
      %dma_wait3A_292 = arith.constant 0 : i32
      %dma_wait3A_293 = tpu.memref_slice %arg2[%mul3A_2, %dma_wait3A_292] : memref<16384x50xi32, #tpu.memory_space<hbm>> -> memref<512x50xi32, #tpu.memory_space<hbm>>
      tpu.wait_dma2 semaphore(%run_scoped3A : memref<!tpu.dma_semaphore, #tpu.memory_space<semaphore_mem>>) src(%dma_wait3A_293 : memref<512x50xi32, #tpu.memory_space<hbm>>) dst(%arg5 : memref<512x50xi32, #tpu.memory_space<vmem>>)
      tpu.yield
    }) : () -> ()
    %dma_start3A = arith.constant 0 : i32
    %dma_start3A_3 = arith.constant 0 : i32
    %dma_start3A_4 = arith.constant 0 : i32
    %dma_start3A_5 = arith.constant 0 : i32
    %dma_start3A_6 = arith.constant 0 : i32
    %dma_start3A_7 = arith.constant 0 : i32
    %dma_start3A_8 = tpu.memref_slice %arg6[%dma_start3A_3, %dma_start3A_4, %dma_start3A_6, %dma_start3A_7] : memref<4x4x50x64xf32, #tpu.memory_space<vmem>> -> memref<1x1x50x64xf32, #tpu.memory_space<vmem>>
    %dma_start3A_9 = tpu.memref_squeeze %dma_start3A_8 : memref<1x1x50x64xf32, #tpu.memory_space<vmem>> -> memref<50x64xf32, #tpu.memory_space<vmem>>
    %dma_start3A_10 = arith.constant 0 : i32
    %dma_start3A_11 = tpu.memref_slice %arg5[%dma_start3A, %dma_start3A_10] : memref<512x50xi32, #tpu.memory_space<vmem>> -> memref<1x50xi32, #tpu.memory_space<vmem>>
    %dma_start3A_12 = tpu.memref_squeeze %dma_start3A_11 : memref<1x50xi32, #tpu.memory_space<vmem>> -> memref<50xi32, #tpu.memory_space<vmem>>
    %dma_start3A_13 = arith.constant 0 : i32
    %dma_start3A_14 = arith.constant 0 : i32
    %dma_start3A_15 = tpu.memref_slice %arg3[%dma_start3A_13, %dma_start3A_14] : memref<1000000x64xf32, #tpu.memory_space<hbm>> -> memref<1000000x64xf32, #tpu.memory_space<hbm>>
    %dma_start3A_16 = tpu.memref_slice %arg7[%dma_start3A_5] : memref<4x!tpu.dma_semaphore, #tpu.memory_space<semaphore_mem>> -> memref<1x!tpu.dma_semaphore, #tpu.memory_space<semaphore_mem>>
    %dma_start3A_17 = tpu.memref_squeeze %dma_start3A_16 : memref<1x!tpu.dma_semaphore, #tpu.memory_space<semaphore_mem>> -> memref<!tpu.dma_semaphore, #tpu.memory_space<semaphore_mem>>
    tpu.enqueue_indirect_dma source(%dma_start3A_15 : memref<1000000x64xf32, #tpu.memory_space<hbm>>) target(%dma_start3A_9 : memref<50x64xf32, #tpu.memory_space<vmem>>) offsets(%dma_start3A_12 : memref<50xi32, #tpu.memory_space<vmem>>) semaphore(%dma_start3A_17 : memref<!tpu.dma_semaphore, #tpu.memory_space<semaphore_mem>>)
    %dma_start3A_18 = arith.constant 1 : i32
    %dma_start3A_19 = arith.constant 0 : i32
    %dma_start3A_20 = arith.constant 1 : i32
    %dma_start3A_21 = arith.constant 0 : i32
    %dma_start3A_22 = arith.constant 0 : i32
    %dma_start3A_23 = arith.constant 0 : i32
    %dma_start3A_24 = tpu.memref_slice %arg6[%dma_start3A_19, %dma_start3A_20, %dma_start3A_22, %dma_start3A_23] : memref<4x4x50x64xf32, #tpu.memory_space<vmem>> -> memref<1x1x50x64xf32, #tpu.memory_space<vmem>>
    %dma_start3A_25 = tpu.memref_squeeze %dma_start3A_24 : memref<1x1x50x64xf32, #tpu.memory_space<vmem>> -> memref<50x64xf32, #tpu.memory_space<vmem>>
    %dma_start3A_26 = arith.constant 0 : i32
    %dma_start3A_27 = tpu.memref_slice %arg5[%dma_start3A_18, %dma_start3A_26] : memref<512x50xi32, #tpu.memory_space<vmem>> -> memref<1x50xi32, #tpu.memory_space<vmem>>
    %dma_start3A_28 = tpu.memref_squeeze %dma_start3A_27 : memref<1x50xi32, #tpu.memory_space<vmem>> -> memref<50xi32, #tpu.memory_space<vmem>>
    %dma_start3A_29 = arith.constant 0 : i32
    %dma_start3A_30 = arith.constant 0 : i32
    %dma_start3A_31 = tpu.memref_slice %arg3[%dma_start3A_29, %dma_start3A_30] : memref<1000000x64xf32, #tpu.memory_space<hbm>> -> memref<1000000x64xf32, #tpu.memory_space<hbm>>
    %dma_start3A_32 = tpu.memref_slice %arg7[%dma_start3A_21] : memref<4x!tpu.dma_semaphore, #tpu.memory_space<semaphore_mem>> -> memref<1x!tpu.dma_semaphore, #tpu.memory_space<semaphore_mem>>
    %dma_start3A_33 = tpu.memref_squeeze %dma_start3A_32 : memref<1x!tpu.dma_semaphore, #tpu.memory_space<semaphore_mem>> -> memref<!tpu.dma_semaphore, #tpu.memory_space<semaphore_mem>>
    tpu.enqueue_indirect_dma source(%dma_start3A_31 : memref<1000000x64xf32, #tpu.memory_space<hbm>>) target(%dma_start3A_25 : memref<50x64xf32, #tpu.memory_space<vmem>>) offsets(%dma_start3A_28 : memref<50xi32, #tpu.memory_space<vmem>>) semaphore(%dma_start3A_33 : memref<!tpu.dma_semaphore, #tpu.memory_space<semaphore_mem>>)
    %dma_start3A_34 = arith.constant 2 : i32
    %dma_start3A_35 = arith.constant 0 : i32
    %dma_start3A_36 = arith.constant 2 : i32
    %dma_start3A_37 = arith.constant 0 : i32
    %dma_start3A_38 = arith.constant 0 : i32
    %dma_start3A_39 = arith.constant 0 : i32
    %dma_start3A_40 = tpu.memref_slice %arg6[%dma_start3A_35, %dma_start3A_36, %dma_start3A_38, %dma_start3A_39] : memref<4x4x50x64xf32, #tpu.memory_space<vmem>> -> memref<1x1x50x64xf32, #tpu.memory_space<vmem>>
    %dma_start3A_41 = tpu.memref_squeeze %dma_start3A_40 : memref<1x1x50x64xf32, #tpu.memory_space<vmem>> -> memref<50x64xf32, #tpu.memory_space<vmem>>
    %dma_start3A_42 = arith.constant 0 : i32
    %dma_start3A_43 = tpu.memref_slice %arg5[%dma_start3A_34, %dma_start3A_42] : memref<512x50xi32, #tpu.memory_space<vmem>> -> memref<1x50xi32, #tpu.memory_space<vmem>>
    %dma_start3A_44 = tpu.memref_squeeze %dma_start3A_43 : memref<1x50xi32, #tpu.memory_space<vmem>> -> memref<50xi32, #tpu.memory_space<vmem>>
    %dma_start3A_45 = arith.constant 0 : i32
    %dma_start3A_46 = arith.constant 0 : i32
    %dma_start3A_47 = tpu.memref_slice %arg3[%dma_start3A_45, %dma_start3A_46] : memref<1000000x64xf32, #tpu.memory_space<hbm>> -> memref<1000000x64xf32, #tpu.memory_space<hbm>>
    %dma_start3A_48 = tpu.memref_slice %arg7[%dma_start3A_37] : memref<4x!tpu.dma_semaphore, #tpu.memory_space<semaphore_mem>> -> memref<1x!tpu.dma_semaphore, #tpu.memory_space<semaphore_mem>>
    %dma_start3A_49 = tpu.memref_squeeze %dma_start3A_48 : memref<1x!tpu.dma_semaphore, #tpu.memory_space<semaphore_mem>> -> memref<!tpu.dma_semaphore, #tpu.memory_space<semaphore_mem>>
    tpu.enqueue_indirect_dma source(%dma_start3A_47 : memref<1000000x64xf32, #tpu.memory_space<hbm>>) target(%dma_start3A_41 : memref<50x64xf32, #tpu.memory_space<vmem>>) offsets(%dma_start3A_44 : memref<50xi32, #tpu.memory_space<vmem>>) semaphore(%dma_start3A_49 : memref<!tpu.dma_semaphore, #tpu.memory_space<semaphore_mem>>)
    %dma_start3A_50 = arith.constant 3 : i32
    %dma_start3A_51 = arith.constant 0 : i32
    %dma_start3A_52 = arith.constant 3 : i32
    %dma_start3A_53 = arith.constant 0 : i32
    %dma_start3A_54 = arith.constant 0 : i32
    %dma_start3A_55 = arith.constant 0 : i32
    %dma_start3A_56 = tpu.memref_slice %arg6[%dma_start3A_51, %dma_start3A_52, %dma_start3A_54, %dma_start3A_55] : memref<4x4x50x64xf32, #tpu.memory_space<vmem>> -> memref<1x1x50x64xf32, #tpu.memory_space<vmem>>
    %dma_start3A_57 = tpu.memref_squeeze %dma_start3A_56 : memref<1x1x50x64xf32, #tpu.memory_space<vmem>> -> memref<50x64xf32, #tpu.memory_space<vmem>>
    %dma_start3A_58 = arith.constant 0 : i32
    %dma_start3A_59 = tpu.memref_slice %arg5[%dma_start3A_50, %dma_start3A_58] : memref<512x50xi32, #tpu.memory_space<vmem>> -> memref<1x50xi32, #tpu.memory_space<vmem>>
    %dma_start3A_60 = tpu.memref_squeeze %dma_start3A_59 : memref<1x50xi32, #tpu.memory_space<vmem>> -> memref<50xi32, #tpu.memory_space<vmem>>
    %dma_start3A_61 = arith.constant 0 : i32
    %dma_start3A_62 = arith.constant 0 : i32
    %dma_start3A_63 = tpu.memref_slice %arg3[%dma_start3A_61, %dma_start3A_62] : memref<1000000x64xf32, #tpu.memory_space<hbm>> -> memref<1000000x64xf32, #tpu.memory_space<hbm>>
    %dma_start3A_64 = tpu.memref_slice %arg7[%dma_start3A_53] : memref<4x!tpu.dma_semaphore, #tpu.memory_space<semaphore_mem>> -> memref<1x!tpu.dma_semaphore, #tpu.memory_space<semaphore_mem>>
    %dma_start3A_65 = tpu.memref_squeeze %dma_start3A_64 : memref<1x!tpu.dma_semaphore, #tpu.memory_space<semaphore_mem>> -> memref<!tpu.dma_semaphore, #tpu.memory_space<semaphore_mem>>
    tpu.enqueue_indirect_dma source(%dma_start3A_63 : memref<1000000x64xf32, #tpu.memory_space<hbm>>) target(%dma_start3A_57 : memref<50x64xf32, #tpu.memory_space<vmem>>) offsets(%dma_start3A_60 : memref<50xi32, #tpu.memory_space<vmem>>) semaphore(%dma_start3A_65 : memref<!tpu.dma_semaphore, #tpu.memory_space<semaphore_mem>>)
    %dma_start3A_66 = arith.constant 4 : i32
    %dma_start3A_67 = arith.constant 1 : i32
    %dma_start3A_68 = arith.constant 0 : i32
    %dma_start3A_69 = arith.constant 1 : i32
    %dma_start3A_70 = arith.constant 0 : i32
    %dma_start3A_71 = arith.constant 0 : i32
    %dma_start3A_72 = tpu.memref_slice %arg6[%dma_start3A_67, %dma_start3A_68, %dma_start3A_70, %dma_start3A_71] : memref<4x4x50x64xf32, #tpu.memory_space<vmem>> -> memref<1x1x50x64xf32, #tpu.memory_space<vmem>>
    %dma_start3A_73 = tpu.memref_squeeze %dma_start3A_72 : memref<1x1x50x64xf32, #tpu.memory_space<vmem>> -> memref<50x64xf32, #tpu.memory_space<vmem>>
    %dma_start3A_74 = arith.constant 0 : i32
    %dma_start3A_75 = tpu.memref_slice %arg5[%dma_start3A_66, %dma_start3A_74] : memref<512x50xi32, #tpu.memory_space<vmem>> -> memref<1x50xi32, #tpu.memory_space<vmem>>
    %dma_start3A_76 = tpu.memref_squeeze %dma_start3A_75 : memref<1x50xi32, #tpu.memory_space<vmem>> -> memref<50xi32, #tpu.memory_space<vmem>>
    %dma_start3A_77 = arith.constant 0 : i32
    %dma_start3A_78 = arith.constant 0 : i32
    %dma_start3A_79 = tpu.memref_slice %arg3[%dma_start3A_77, %dma_start3A_78] : memref<1000000x64xf32, #tpu.memory_space<hbm>> -> memref<1000000x64xf32, #tpu.memory_space<hbm>>
    %dma_start3A_80 = tpu.memref_slice %arg7[%dma_start3A_69] : memref<4x!tpu.dma_semaphore, #tpu.memory_space<semaphore_mem>> -> memref<1x!tpu.dma_semaphore, #tpu.memory_space<semaphore_mem>>
    %dma_start3A_81 = tpu.memref_squeeze %dma_start3A_80 : memref<1x!tpu.dma_semaphore, #tpu.memory_space<semaphore_mem>> -> memref<!tpu.dma_semaphore, #tpu.memory_space<semaphore_mem>>
    tpu.enqueue_indirect_dma source(%dma_start3A_79 : memref<1000000x64xf32, #tpu.memory_space<hbm>>) target(%dma_start3A_73 : memref<50x64xf32, #tpu.memory_space<vmem>>) offsets(%dma_start3A_76 : memref<50xi32, #tpu.memory_space<vmem>>) semaphore(%dma_start3A_81 : memref<!tpu.dma_semaphore, #tpu.memory_space<semaphore_mem>>)
    %dma_start3A_82 = arith.constant 5 : i32
    %dma_start3A_83 = arith.constant 1 : i32
    %dma_start3A_84 = arith.constant 1 : i32
    %dma_start3A_85 = arith.constant 1 : i32
    %dma_start3A_86 = arith.constant 0 : i32
    %dma_start3A_87 = arith.constant 0 : i32
    %dma_start3A_88 = tpu.memref_slice %arg6[%dma_start3A_83, %dma_start3A_84, %dma_start3A_86, %dma_start3A_87] : memref<4x4x50x64xf32, #tpu.memory_space<vmem>> -> memref<1x1x50x64xf32, #tpu.memory_space<vmem>>
    %dma_start3A_89 = tpu.memref_squeeze %dma_start3A_88 : memref<1x1x50x64xf32, #tpu.memory_space<vmem>> -> memref<50x64xf32, #tpu.memory_space<vmem>>
    %dma_start3A_90 = arith.constant 0 : i32
    %dma_start3A_91 = tpu.memref_slice %arg5[%dma_start3A_82, %dma_start3A_90] : memref<512x50xi32, #tpu.memory_space<vmem>> -> memref<1x50xi32, #tpu.memory_space<vmem>>
    %dma_start3A_92 = tpu.memref_squeeze %dma_start3A_91 : memref<1x50xi32, #tpu.memory_space<vmem>> -> memref<50xi32, #tpu.memory_space<vmem>>
    %dma_start3A_93 = arith.constant 0 : i32
    %dma_start3A_94 = arith.constant 0 : i32
    %dma_start3A_95 = tpu.memref_slice %arg3[%dma_start3A_93, %dma_start3A_94] : memref<1000000x64xf32, #tpu.memory_space<hbm>> -> memref<1000000x64xf32, #tpu.memory_space<hbm>>
    %dma_start3A_96 = tpu.memref_slice %arg7[%dma_start3A_85] : memref<4x!tpu.dma_semaphore, #tpu.memory_space<semaphore_mem>> -> memref<1x!tpu.dma_semaphore, #tpu.memory_space<semaphore_mem>>
    %dma_start3A_97 = tpu.memref_squeeze %dma_start3A_96 : memref<1x!tpu.dma_semaphore, #tpu.memory_space<semaphore_mem>> -> memref<!tpu.dma_semaphore, #tpu.memory_space<semaphore_mem>>
    tpu.enqueue_indirect_dma source(%dma_start3A_95 : memref<1000000x64xf32, #tpu.memory_space<hbm>>) target(%dma_start3A_89 : memref<50x64xf32, #tpu.memory_space<vmem>>) offsets(%dma_start3A_92 : memref<50xi32, #tpu.memory_space<vmem>>) semaphore(%dma_start3A_97 : memref<!tpu.dma_semaphore, #tpu.memory_space<semaphore_mem>>)
    %dma_start3A_98 = arith.constant 6 : i32
    %dma_start3A_99 = arith.constant 1 : i32
    %dma_start3A_100 = arith.constant 2 : i32
    %dma_start3A_101 = arith.constant 1 : i32
    %dma_start3A_102 = arith.constant 0 : i32
    %dma_start3A_103 = arith.constant 0 : i32
    %dma_start3A_104 = tpu.memref_slice %arg6[%dma_start3A_99, %dma_start3A_100, %dma_start3A_102, %dma_start3A_103] : memref<4x4x50x64xf32, #tpu.memory_space<vmem>> -> memref<1x1x50x64xf32, #tpu.memory_space<vmem>>
    %dma_start3A_105 = tpu.memref_squeeze %dma_start3A_104 : memref<1x1x50x64xf32, #tpu.memory_space<vmem>> -> memref<50x64xf32, #tpu.memory_space<vmem>>
    %dma_start3A_106 = arith.constant 0 : i32
    %dma_start3A_107 = tpu.memref_slice %arg5[%dma_start3A_98, %dma_start3A_106] : memref<512x50xi32, #tpu.memory_space<vmem>> -> memref<1x50xi32, #tpu.memory_space<vmem>>
    %dma_start3A_108 = tpu.memref_squeeze %dma_start3A_107 : memref<1x50xi32, #tpu.memory_space<vmem>> -> memref<50xi32, #tpu.memory_space<vmem>>
    %dma_start3A_109 = arith.constant 0 : i32
    %dma_start3A_110 = arith.constant 0 : i32
    %dma_start3A_111 = tpu.memref_slice %arg3[%dma_start3A_109, %dma_start3A_110] : memref<1000000x64xf32, #tpu.memory_space<hbm>> -> memref<1000000x64xf32, #tpu.memory_space<hbm>>
    %dma_start3A_112 = tpu.memref_slice %arg7[%dma_start3A_101] : memref<4x!tpu.dma_semaphore, #tpu.memory_space<semaphore_mem>> -> memref<1x!tpu.dma_semaphore, #tpu.memory_space<semaphore_mem>>
    %dma_start3A_113 = tpu.memref_squeeze %dma_start3A_112 : memref<1x!tpu.dma_semaphore, #tpu.memory_space<semaphore_mem>> -> memref<!tpu.dma_semaphore, #tpu.memory_space<semaphore_mem>>
    tpu.enqueue_indirect_dma source(%dma_start3A_111 : memref<1000000x64xf32, #tpu.memory_space<hbm>>) target(%dma_start3A_105 : memref<50x64xf32, #tpu.memory_space<vmem>>) offsets(%dma_start3A_108 : memref<50xi32, #tpu.memory_space<vmem>>) semaphore(%dma_start3A_113 : memref<!tpu.dma_semaphore, #tpu.memory_space<semaphore_mem>>)
    %dma_start3A_114 = arith.constant 7 : i32
    %dma_start3A_115 = arith.constant 1 : i32
    %dma_start3A_116 = arith.constant 3 : i32
    %dma_start3A_117 = arith.constant 1 : i32
    %dma_start3A_118 = arith.constant 0 : i32
    %dma_start3A_119 = arith.constant 0 : i32
    %dma_start3A_120 = tpu.memref_slice %arg6[%dma_start3A_115, %dma_start3A_116, %dma_start3A_118, %dma_start3A_119] : memref<4x4x50x64xf32, #tpu.memory_space<vmem>> -> memref<1x1x50x64xf32, #tpu.memory_space<vmem>>
    %dma_start3A_121 = tpu.memref_squeeze %dma_start3A_120 : memref<1x1x50x64xf32, #tpu.memory_space<vmem>> -> memref<50x64xf32, #tpu.memory_space<vmem>>
    %dma_start3A_122 = arith.constant 0 : i32
    %dma_start3A_123 = tpu.memref_slice %arg5[%dma_start3A_114, %dma_start3A_122] : memref<512x50xi32, #tpu.memory_space<vmem>> -> memref<1x50xi32, #tpu.memory_space<vmem>>
    %dma_start3A_124 = tpu.memref_squeeze %dma_start3A_123 : memref<1x50xi32, #tpu.memory_space<vmem>> -> memref<50xi32, #tpu.memory_space<vmem>>
    %dma_start3A_125 = arith.constant 0 : i32
    %dma_start3A_126 = arith.constant 0 : i32
    %dma_start3A_127 = tpu.memref_slice %arg3[%dma_start3A_125, %dma_start3A_126] : memref<1000000x64xf32, #tpu.memory_space<hbm>> -> memref<1000000x64xf32, #tpu.memory_space<hbm>>
    %dma_start3A_128 = tpu.memref_slice %arg7[%dma_start3A_117] : memref<4x!tpu.dma_semaphore, #tpu.memory_space<semaphore_mem>> -> memref<1x!tpu.dma_semaphore, #tpu.memory_space<semaphore_mem>>
    %dma_start3A_129 = tpu.memref_squeeze %dma_start3A_128 : memref<1x!tpu.dma_semaphore, #tpu.memory_space<semaphore_mem>> -> memref<!tpu.dma_semaphore, #tpu.memory_space<semaphore_mem>>
    tpu.enqueue_indirect_dma source(%dma_start3A_127 : memref<1000000x64xf32, #tpu.memory_space<hbm>>) target(%dma_start3A_121 : memref<50x64xf32, #tpu.memory_space<vmem>>) offsets(%dma_start3A_124 : memref<50xi32, #tpu.memory_space<vmem>>) semaphore(%dma_start3A_129 : memref<!tpu.dma_semaphore, #tpu.memory_space<semaphore_mem>>)
    %dma_start3A_130 = arith.constant 8 : i32
    %dma_start3A_131 = arith.constant 2 : i32
    %dma_start3A_132 = arith.constant 0 : i32
    %dma_start3A_133 = arith.constant 2 : i32
    %dma_start3A_134 = arith.constant 0 : i32
    %dma_start3A_135 = arith.constant 0 : i32
    %dma_start3A_136 = tpu.memref_slice %arg6[%dma_start3A_131, %dma_start3A_132, %dma_start3A_134, %dma_start3A_135] : memref<4x4x50x64xf32, #tpu.memory_space<vmem>> -> memref<1x1x50x64xf32, #tpu.memory_space<vmem>>
    %dma_start3A_137 = tpu.memref_squeeze %dma_start3A_136 : memref<1x1x50x64xf32, #tpu.memory_space<vmem>> -> memref<50x64xf32, #tpu.memory_space<vmem>>
    %dma_start3A_138 = arith.constant 0 : i32
    %dma_start3A_139 = tpu.memref_slice %arg5[%dma_start3A_130, %dma_start3A_138] : memref<512x50xi32, #tpu.memory_space<vmem>> -> memref<1x50xi32, #tpu.memory_space<vmem>>
    %dma_start3A_140 = tpu.memref_squeeze %dma_start3A_139 : memref<1x50xi32, #tpu.memory_space<vmem>> -> memref<50xi32, #tpu.memory_space<vmem>>
    %dma_start3A_141 = arith.constant 0 : i32
    %dma_start3A_142 = arith.constant 0 : i32
    %dma_start3A_143 = tpu.memref_slice %arg3[%dma_start3A_141, %dma_start3A_142] : memref<1000000x64xf32, #tpu.memory_space<hbm>> -> memref<1000000x64xf32, #tpu.memory_space<hbm>>
    %dma_start3A_144 = tpu.memref_slice %arg7[%dma_start3A_133] : memref<4x!tpu.dma_semaphore, #tpu.memory_space<semaphore_mem>> -> memref<1x!tpu.dma_semaphore, #tpu.memory_space<semaphore_mem>>
    %dma_start3A_145 = tpu.memref_squeeze %dma_start3A_144 : memref<1x!tpu.dma_semaphore, #tpu.memory_space<semaphore_mem>> -> memref<!tpu.dma_semaphore, #tpu.memory_space<semaphore_mem>>
    tpu.enqueue_indirect_dma source(%dma_start3A_143 : memref<1000000x64xf32, #tpu.memory_space<hbm>>) target(%dma_start3A_137 : memref<50x64xf32, #tpu.memory_space<vmem>>) offsets(%dma_start3A_140 : memref<50xi32, #tpu.memory_space<vmem>>) semaphore(%dma_start3A_145 : memref<!tpu.dma_semaphore, #tpu.memory_space<semaphore_mem>>)
    %dma_start3A_146 = arith.constant 9 : i32
    %dma_start3A_147 = arith.constant 2 : i32
    %dma_start3A_148 = arith.constant 1 : i32
    %dma_start3A_149 = arith.constant 2 : i32
    %dma_start3A_150 = arith.constant 0 : i32
    %dma_start3A_151 = arith.constant 0 : i32
    %dma_start3A_152 = tpu.memref_slice %arg6[%dma_start3A_147, %dma_start3A_148, %dma_start3A_150, %dma_start3A_151] : memref<4x4x50x64xf32, #tpu.memory_space<vmem>> -> memref<1x1x50x64xf32, #tpu.memory_space<vmem>>
    %dma_start3A_153 = tpu.memref_squeeze %dma_start3A_152 : memref<1x1x50x64xf32, #tpu.memory_space<vmem>> -> memref<50x64xf32, #tpu.memory_space<vmem>>
    %dma_start3A_154 = arith.constant 0 : i32
    %dma_start3A_155 = tpu.memref_slice %arg5[%dma_start3A_146, %dma_start3A_154] : memref<512x50xi32, #tpu.memory_space<vmem>> -> memref<1x50xi32, #tpu.memory_space<vmem>>
    %dma_start3A_156 = tpu.memref_squeeze %dma_start3A_155 : memref<1x50xi32, #tpu.memory_space<vmem>> -> memref<50xi32, #tpu.memory_space<vmem>>
    %dma_start3A_157 = arith.constant 0 : i32
    %dma_start3A_158 = arith.constant 0 : i32
    %dma_start3A_159 = tpu.memref_slice %arg3[%dma_start3A_157, %dma_start3A_158] : memref<1000000x64xf32, #tpu.memory_space<hbm>> -> memref<1000000x64xf32, #tpu.memory_space<hbm>>
    %dma_start3A_160 = tpu.memref_slice %arg7[%dma_start3A_149] : memref<4x!tpu.dma_semaphore, #tpu.memory_space<semaphore_mem>> -> memref<1x!tpu.dma_semaphore, #tpu.memory_space<semaphore_mem>>
    %dma_start3A_161 = tpu.memref_squeeze %dma_start3A_160 : memref<1x!tpu.dma_semaphore, #tpu.memory_space<semaphore_mem>> -> memref<!tpu.dma_semaphore, #tpu.memory_space<semaphore_mem>>
    tpu.enqueue_indirect_dma source(%dma_start3A_159 : memref<1000000x64xf32, #tpu.memory_space<hbm>>) target(%dma_start3A_153 : memref<50x64xf32, #tpu.memory_space<vmem>>) offsets(%dma_start3A_156 : memref<50xi32, #tpu.memory_space<vmem>>) semaphore(%dma_start3A_161 : memref<!tpu.dma_semaphore, #tpu.memory_space<semaphore_mem>>)
    %dma_start3A_162 = arith.constant 10 : i32
    %dma_start3A_163 = arith.constant 2 : i32
    %dma_start3A_164 = arith.constant 2 : i32
    %dma_start3A_165 = arith.constant 2 : i32
    %dma_start3A_166 = arith.constant 0 : i32
    %dma_start3A_167 = arith.constant 0 : i32
    %dma_start3A_168 = tpu.memref_slice %arg6[%dma_start3A_163, %dma_start3A_164, %dma_start3A_166, %dma_start3A_167] : memref<4x4x50x64xf32, #tpu.memory_space<vmem>> -> memref<1x1x50x64xf32, #tpu.memory_space<vmem>>
    %dma_start3A_169 = tpu.memref_squeeze %dma_start3A_168 : memref<1x1x50x64xf32, #tpu.memory_space<vmem>> -> memref<50x64xf32, #tpu.memory_space<vmem>>
    %dma_start3A_170 = arith.constant 0 : i32
    %dma_start3A_171 = tpu.memref_slice %arg5[%dma_start3A_162, %dma_start3A_170] : memref<512x50xi32, #tpu.memory_space<vmem>> -> memref<1x50xi32, #tpu.memory_space<vmem>>
    %dma_start3A_172 = tpu.memref_squeeze %dma_start3A_171 : memref<1x50xi32, #tpu.memory_space<vmem>> -> memref<50xi32, #tpu.memory_space<vmem>>
    %dma_start3A_173 = arith.constant 0 : i32
    %dma_start3A_174 = arith.constant 0 : i32
    %dma_start3A_175 = tpu.memref_slice %arg3[%dma_start3A_173, %dma_start3A_174] : memref<1000000x64xf32, #tpu.memory_space<hbm>> -> memref<1000000x64xf32, #tpu.memory_space<hbm>>
    %dma_start3A_176 = tpu.memref_slice %arg7[%dma_start3A_165] : memref<4x!tpu.dma_semaphore, #tpu.memory_space<semaphore_mem>> -> memref<1x!tpu.dma_semaphore, #tpu.memory_space<semaphore_mem>>
    %dma_start3A_177 = tpu.memref_squeeze %dma_start3A_176 : memref<1x!tpu.dma_semaphore, #tpu.memory_space<semaphore_mem>> -> memref<!tpu.dma_semaphore, #tpu.memory_space<semaphore_mem>>
    tpu.enqueue_indirect_dma source(%dma_start3A_175 : memref<1000000x64xf32, #tpu.memory_space<hbm>>) target(%dma_start3A_169 : memref<50x64xf32, #tpu.memory_space<vmem>>) offsets(%dma_start3A_172 : memref<50xi32, #tpu.memory_space<vmem>>) semaphore(%dma_start3A_177 : memref<!tpu.dma_semaphore, #tpu.memory_space<semaphore_mem>>)
    %dma_start3A_178 = arith.constant 11 : i32
    %dma_start3A_179 = arith.constant 2 : i32
    %dma_start3A_180 = arith.constant 3 : i32
    %dma_start3A_181 = arith.constant 2 : i32
    %dma_start3A_182 = arith.constant 0 : i32
    %dma_start3A_183 = arith.constant 0 : i32
    %dma_start3A_184 = tpu.memref_slice %arg6[%dma_start3A_179, %dma_start3A_180, %dma_start3A_182, %dma_start3A_183] : memref<4x4x50x64xf32, #tpu.memory_space<vmem>> -> memref<1x1x50x64xf32, #tpu.memory_space<vmem>>
    %dma_start3A_185 = tpu.memref_squeeze %dma_start3A_184 : memref<1x1x50x64xf32, #tpu.memory_space<vmem>> -> memref<50x64xf32, #tpu.memory_space<vmem>>
    %dma_start3A_186 = arith.constant 0 : i32
    %dma_start3A_187 = tpu.memref_slice %arg5[%dma_start3A_178, %dma_start3A_186] : memref<512x50xi32, #tpu.memory_space<vmem>> -> memref<1x50xi32, #tpu.memory_space<vmem>>
    %dma_start3A_188 = tpu.memref_squeeze %dma_start3A_187 : memref<1x50xi32, #tpu.memory_space<vmem>> -> memref<50xi32, #tpu.memory_space<vmem>>
    %dma_start3A_189 = arith.constant 0 : i32
    %dma_start3A_190 = arith.constant 0 : i32
    %dma_start3A_191 = tpu.memref_slice %arg3[%dma_start3A_189, %dma_start3A_190] : memref<1000000x64xf32, #tpu.memory_space<hbm>> -> memref<1000000x64xf32, #tpu.memory_space<hbm>>
    %dma_start3A_192 = tpu.memref_slice %arg7[%dma_start3A_181] : memref<4x!tpu.dma_semaphore, #tpu.memory_space<semaphore_mem>> -> memref<1x!tpu.dma_semaphore, #tpu.memory_space<semaphore_mem>>
    %dma_start3A_193 = tpu.memref_squeeze %dma_start3A_192 : memref<1x!tpu.dma_semaphore, #tpu.memory_space<semaphore_mem>> -> memref<!tpu.dma_semaphore, #tpu.memory_space<semaphore_mem>>
    tpu.enqueue_indirect_dma source(%dma_start3A_191 : memref<1000000x64xf32, #tpu.memory_space<hbm>>) target(%dma_start3A_185 : memref<50x64xf32, #tpu.memory_space<vmem>>) offsets(%dma_start3A_188 : memref<50xi32, #tpu.memory_space<vmem>>) semaphore(%dma_start3A_193 : memref<!tpu.dma_semaphore, #tpu.memory_space<semaphore_mem>>)
    %scan3A = arith.constant 0 : i32
    %scan3A_194 = arith.constant 0 : i32
    %scan3A_195 = arith.constant 32 : i32
    %scan3A_196 = arith.addi %scan3A_194, %scan3A_195 : i32
    %scan3A_197 = arith.constant 1 : i32
    scf.for %scan3A_286 = %scan3A_194 to %scan3A_196 step %scan3A_197  : i32 {
      %mul3A_287 = arith.constant 4 : i32
      %mul3A_288 = arith.muli %scan3A_286, %mul3A_287 : i32
      %add3A_289 = arith.constant 0 : i32
      %add3A_290 = arith.addi %mul3A_288, %add3A_289 : i32
      %dma_wait3A_291 = arith.constant 0 : i32
      %dma_wait3A_292 = arith.constant 0 : i32
      %dma_wait3A_293 = arith.constant 0 : i32
      %dma_wait3A_294 = arith.constant 0 : i32
      %dma_wait3A_295 = arith.constant 0 : i32
      %dma_wait3A_296 = arith.constant 0 : i32
      %dma_wait3A_297 = tpu.memref_slice %arg6[%dma_wait3A_292, %dma_wait3A_293, %dma_wait3A_295, %dma_wait3A_296] : memref<4x4x50x64xf32, #tpu.memory_space<vmem>> -> memref<1x1x50x64xf32, #tpu.memory_space<vmem>>
      %dma_wait3A_298 = tpu.memref_squeeze %dma_wait3A_297 : memref<1x1x50x64xf32, #tpu.memory_space<vmem>> -> memref<50x64xf32, #tpu.memory_space<vmem>>
      %dma_wait3A_299 = arith.constant 0 : i32
      %dma_wait3A_300 = tpu.memref_slice %arg5[%dma_wait3A_291, %dma_wait3A_299] : memref<512x50xi32, #tpu.memory_space<vmem>> -> memref<1x50xi32, #tpu.memory_space<vmem>>
      %dma_wait3A_301 = tpu.memref_squeeze %dma_wait3A_300 : memref<1x50xi32, #tpu.memory_space<vmem>> -> memref<50xi32, #tpu.memory_space<vmem>>
      %dma_wait3A_302 = arith.constant 0 : i32
      %dma_wait3A_303 = arith.constant 0 : i32
      %dma_wait3A_304 = tpu.memref_slice %arg3[%dma_wait3A_302, %dma_wait3A_303] : memref<1000000x64xf32, #tpu.memory_space<hbm>> -> memref<1000000x64xf32, #tpu.memory_space<hbm>>
      %dma_wait3A_305 = tpu.memref_slice %arg7[%dma_wait3A_294] : memref<4x!tpu.dma_semaphore, #tpu.memory_space<semaphore_mem>> -> memref<1x!tpu.dma_semaphore, #tpu.memory_space<semaphore_mem>>
      %dma_wait3A_306 = tpu.memref_squeeze %dma_wait3A_305 : memref<1x!tpu.dma_semaphore, #tpu.memory_space<semaphore_mem>> -> memref<!tpu.dma_semaphore, #tpu.memory_space<semaphore_mem>>
      tpu.wait_indirect_dma semaphore(%dma_wait3A_306 : memref<!tpu.dma_semaphore, #tpu.memory_space<semaphore_mem>>) src(%dma_wait3A_304 : memref<1000000x64xf32, #tpu.memory_space<hbm>>) dst(%dma_wait3A_298 : memref<50x64xf32, #tpu.memory_space<vmem>>)
      %dma_wait3A_307 = arith.constant 1 : i32
      %dma_wait3A_308 = arith.constant 0 : i32
      %dma_wait3A_309 = arith.constant 1 : i32
      %dma_wait3A_310 = arith.constant 0 : i32
      %dma_wait3A_311 = arith.constant 0 : i32
      %dma_wait3A_312 = arith.constant 0 : i32
      %dma_wait3A_313 = tpu.memref_slice %arg6[%dma_wait3A_308, %dma_wait3A_309, %dma_wait3A_311, %dma_wait3A_312] : memref<4x4x50x64xf32, #tpu.memory_space<vmem>> -> memref<1x1x50x64xf32, #tpu.memory_space<vmem>>
      %dma_wait3A_314 = tpu.memref_squeeze %dma_wait3A_313 : memref<1x1x50x64xf32, #tpu.memory_space<vmem>> -> memref<50x64xf32, #tpu.memory_space<vmem>>
      %dma_wait3A_315 = arith.constant 0 : i32
      %dma_wait3A_316 = tpu.memref_slice %arg5[%dma_wait3A_307, %dma_wait3A_315] : memref<512x50xi32, #tpu.memory_space<vmem>> -> memref<1x50xi32, #tpu.memory_space<vmem>>
      %dma_wait3A_317 = tpu.memref_squeeze %dma_wait3A_316 : memref<1x50xi32, #tpu.memory_space<vmem>> -> memref<50xi32, #tpu.memory_space<vmem>>
      %dma_wait3A_318 = arith.constant 0 : i32
      %dma_wait3A_319 = arith.constant 0 : i32
      %dma_wait3A_320 = tpu.memref_slice %arg3[%dma_wait3A_318, %dma_wait3A_319] : memref<1000000x64xf32, #tpu.memory_space<hbm>> -> memref<1000000x64xf32, #tpu.memory_space<hbm>>
      %dma_wait3A_321 = tpu.memref_slice %arg7[%dma_wait3A_310] : memref<4x!tpu.dma_semaphore, #tpu.memory_space<semaphore_mem>> -> memref<1x!tpu.dma_semaphore, #tpu.memory_space<semaphore_mem>>
      %dma_wait3A_322 = tpu.memref_squeeze %dma_wait3A_321 : memref<1x!tpu.dma_semaphore, #tpu.memory_space<semaphore_mem>> -> memref<!tpu.dma_semaphore, #tpu.memory_space<semaphore_mem>>
      tpu.wait_indirect_dma semaphore(%dma_wait3A_322 : memref<!tpu.dma_semaphore, #tpu.memory_space<semaphore_mem>>) src(%dma_wait3A_320 : memref<1000000x64xf32, #tpu.memory_space<hbm>>) dst(%dma_wait3A_314 : memref<50x64xf32, #tpu.memory_space<vmem>>)
      %dma_wait3A_323 = arith.constant 2 : i32
      %dma_wait3A_324 = arith.constant 0 : i32
      %dma_wait3A_325 = arith.constant 2 : i32
      %dma_wait3A_326 = arith.constant 0 : i32
      %dma_wait3A_327 = arith.constant 0 : i32
      %dma_wait3A_328 = arith.constant 0 : i32
      %dma_wait3A_329 = tpu.memref_slice %arg6[%dma_wait3A_324, %dma_wait3A_325, %dma_wait3A_327, %dma_wait3A_328] : memref<4x4x50x64xf32, #tpu.memory_space<vmem>> -> memref<1x1x50x64xf32, #tpu.memory_space<vmem>>
      %dma_wait3A_330 = tpu.memref_squeeze %dma_wait3A_329 : memref<1x1x50x64xf32, #tpu.memory_space<vmem>> -> memref<50x64xf32, #tpu.memory_space<vmem>>
      %dma_wait3A_331 = arith.constant 0 : i32
      %dma_wait3A_332 = tpu.memref_slice %arg5[%dma_wait3A_323, %dma_wait3A_331] : memref<512x50xi32, #tpu.memory_space<vmem>> -> memref<1x50xi32, #tpu.memory_space<vmem>>
      %dma_wait3A_333 = tpu.memref_squeeze %dma_wait3A_332 : memref<1x50xi32, #tpu.memory_space<vmem>> -> memref<50xi32, #tpu.memory_space<vmem>>
      %dma_wait3A_334 = arith.constant 0 : i32
      %dma_wait3A_335 = arith.constant 0 : i32
      %dma_wait3A_336 = tpu.memref_slice %arg3[%dma_wait3A_334, %dma_wait3A_335] : memref<1000000x64xf32, #tpu.memory_space<hbm>> -> memref<1000000x64xf32, #tpu.memory_space<hbm>>
      %dma_wait3A_337 = tpu.memref_slice %arg7[%dma_wait3A_326] : memref<4x!tpu.dma_semaphore, #tpu.memory_space<semaphore_mem>> -> memref<1x!tpu.dma_semaphore, #tpu.memory_space<semaphore_mem>>
      %dma_wait3A_338 = tpu.memref_squeeze %dma_wait3A_337 : memref<1x!tpu.dma_semaphore, #tpu.memory_space<semaphore_mem>> -> memref<!tpu.dma_semaphore, #tpu.memory_space<semaphore_mem>>
      tpu.wait_indirect_dma semaphore(%dma_wait3A_338 : memref<!tpu.dma_semaphore, #tpu.memory_space<semaphore_mem>>) src(%dma_wait3A_336 : memref<1000000x64xf32, #tpu.memory_space<hbm>>) dst(%dma_wait3A_330 : memref<50x64xf32, #tpu.memory_space<vmem>>)
      %dma_wait3A_339 = arith.constant 3 : i32
      %dma_wait3A_340 = arith.constant 0 : i32
      %dma_wait3A_341 = arith.constant 3 : i32
      %dma_wait3A_342 = arith.constant 0 : i32
      %dma_wait3A_343 = arith.constant 0 : i32
      %dma_wait3A_344 = arith.constant 0 : i32
      %dma_wait3A_345 = tpu.memref_slice %arg6[%dma_wait3A_340, %dma_wait3A_341, %dma_wait3A_343, %dma_wait3A_344] : memref<4x4x50x64xf32, #tpu.memory_space<vmem>> -> memref<1x1x50x64xf32, #tpu.memory_space<vmem>>
      %dma_wait3A_346 = tpu.memref_squeeze %dma_wait3A_345 : memref<1x1x50x64xf32, #tpu.memory_space<vmem>> -> memref<50x64xf32, #tpu.memory_space<vmem>>
      %dma_wait3A_347 = arith.constant 0 : i32
      %dma_wait3A_348 = tpu.memref_slice %arg5[%dma_wait3A_339, %dma_wait3A_347] : memref<512x50xi32, #tpu.memory_space<vmem>> -> memref<1x50xi32, #tpu.memory_space<vmem>>
      %dma_wait3A_349 = tpu.memref_squeeze %dma_wait3A_348 : memref<1x50xi32, #tpu.memory_space<vmem>> -> memref<50xi32, #tpu.memory_space<vmem>>
      %dma_wait3A_350 = arith.constant 0 : i32
      %dma_wait3A_351 = arith.constant 0 : i32
      %dma_wait3A_352 = tpu.memref_slice %arg3[%dma_wait3A_350, %dma_wait3A_351] : memref<1000000x64xf32, #tpu.memory_space<hbm>> -> memref<1000000x64xf32, #tpu.memory_space<hbm>>
      %dma_wait3A_353 = tpu.memref_slice %arg7[%dma_wait3A_342] : memref<4x!tpu.dma_semaphore, #tpu.memory_space<semaphore_mem>> -> memref<1x!tpu.dma_semaphore, #tpu.memory_space<semaphore_mem>>
      %dma_wait3A_354 = tpu.memref_squeeze %dma_wait3A_353 : memref<1x!tpu.dma_semaphore, #tpu.memory_space<semaphore_mem>> -> memref<!tpu.dma_semaphore, #tpu.memory_space<semaphore_mem>>
      tpu.wait_indirect_dma semaphore(%dma_wait3A_354 : memref<!tpu.dma_semaphore, #tpu.memory_space<semaphore_mem>>) src(%dma_wait3A_352 : memref<1000000x64xf32, #tpu.memory_space<hbm>>) dst(%dma_wait3A_346 : memref<50x64xf32, #tpu.memory_space<vmem>>)
      %scan3A_355 = arith.constant 0 : i32
      %scan3A_356 = arith.constant 0 : i32
      %scan3A_357 = arith.constant 50 : i32
      %scan3A_358 = arith.addi %scan3A_356, %scan3A_357 : i32
      %scan3A_359 = arith.constant 1 : i32
      scf.for %scan3A_707 = %scan3A_356 to %scan3A_358 step %scan3A_359  : i32 {
        %get3A = arith.constant 0 : i32
        %get3A_708 = arith.constant 0 : i32
        %get3A_709 = arith.index_cast %get3A : i32 to index
        %get3A_710 = arith.index_cast %get3A_708 : i32 to index
        %get3A_711 = arith.index_cast %scan3A_707 : i32 to index
        %get3A_712 = arith.constant 0 : index
        %get3A_713 = tpu.vector_load %arg6[%get3A_709, %get3A_710, %get3A_711, %get3A_712] {strides = array<i32>} : memref<4x4x50x64xf32, #tpu.memory_space<vmem>>, vector<1x1x1x16xf32>,
        %get3A_714 = vector.shape_cast %get3A_713 : vector<1x1x1x16xf32> to vector<16xf32>
        %mul3A_715 = arith.constant 8.000000e+00 : f32
        %mul3A_716 = vector.broadcast %mul3A_715 : f32 to vector<16xf32>
        %mul3A_717 = arith.mulf %get3A_714, %mul3A_716 : vector<16xf32>
        %swap3A = arith.constant 0 : i32
        %swap3A_718 = arith.constant 0 : i32
        %swap3A_719 = arith.index_cast %swap3A : i32 to index
        %swap3A_720 = arith.index_cast %swap3A_718 : i32 to index
        %swap3A_721 = arith.index_cast %scan3A_707 : i32 to index
        %swap3A_722 = arith.constant 0 : index
        %swap3A_723 = tpu.vector_load %arg6[%swap3A_719, %swap3A_720, %swap3A_721, %swap3A_722] {strides = array<i32>} : memref<4x4x50x64xf32, #tpu.memory_space<vmem>>, vector<1x1x1x16xf32>,
        %swap3A_724 = vector.shape_cast %swap3A_723 : vector<1x1x1x16xf32> to vector<16xf32>
        %swap3A_725 = vector.shape_cast %mul3A_717 : vector<16xf32> to vector<1x1x1x16xf32>
        tpu.vector_store %arg6[%swap3A_719, %swap3A_720, %swap3A_721, %swap3A_722], %swap3A_725 {strides = array<i32>} : memref<4x4x50x64xf32, #tpu.memory_space<vmem>>, vector<1x1x1x16xf32>,
        %get3A_726 = arith.constant 0 : i32
        %get3A_727 = arith.constant 0 : i32
        %get3A_728 = arith.index_cast %get3A_726 : i32 to index
        %get3A_729 = arith.index_cast %get3A_727 : i32 to index
        %get3A_730 = arith.index_cast %scan3A_707 : i32 to index
        %get3A_731 = arith.constant 16 : index
        %get3A_732 = tpu.vector_load %arg6[%get3A_728, %get3A_729, %get3A_730, %get3A_731] {strides = array<i32>} : memref<4x4x50x64xf32, #tpu.memory_space<vmem>>, vector<1x1x1x16xf32>,
        %get3A_733 = vector.shape_cast %get3A_732 : vector<1x1x1x16xf32> to vector<16xf32>
        %mul3A_734 = arith.constant 8.000000e+00 : f32
        %mul3A_735 = vector.broadcast %mul3A_734 : f32 to vector<16xf32>
        %mul3A_736 = arith.mulf %get3A_733, %mul3A_735 : vector<16xf32>
        %swap3A_737 = arith.constant 0 : i32
        %swap3A_738 = arith.constant 0 : i32
        %swap3A_739 = arith.index_cast %swap3A_737 : i32 to index
        %swap3A_740 = arith.index_cast %swap3A_738 : i32 to index
        %swap3A_741 = arith.index_cast %scan3A_707 : i32 to index
        %swap3A_742 = arith.constant 16 : index
        %swap3A_743 = tpu.vector_load %arg6[%swap3A_739, %swap3A_740, %swap3A_741, %swap3A_742] {strides = array<i32>} : memref<4x4x50x64xf32, #tpu.memory_space<vmem>>, vector<1x1x1x16xf32>,
        %swap3A_744 = vector.shape_cast %swap3A_743 : vector<1x1x1x16xf32> to vector<16xf32>
        %swap3A_745 = vector.shape_cast %mul3A_736 : vector<16xf32> to vector<1x1x1x16xf32>
        tpu.vector_store %arg6[%swap3A_739, %swap3A_740, %swap3A_741, %swap3A_742], %swap3A_745 {strides = array<i32>} : memref<4x4x50x64xf32, #tpu.memory_space<vmem>>, vector<1x1x1x16xf32>,
        %get3A_746 = arith.constant 0 : i32
        %get3A_747 = arith.constant 0 : i32
        %get3A_748 = arith.index_cast %get3A_746 : i32 to index
        %get3A_749 = arith.index_cast %get3A_747 : i32 to index
        %get3A_750 = arith.index_cast %scan3A_707 : i32 to index
        %get3A_751 = arith.constant 32 : index
        %get3A_752 = tpu.vector_load %arg6[%get3A_748, %get3A_749, %get3A_750, %get3A_751] {strides = array<i32>} : memref<4x4x50x64xf32, #tpu.memory_space<vmem>>, vector<1x1x1x16xf32>,
        %get3A_753 = vector.shape_cast %get3A_752 : vector<1x1x1x16xf32> to vector<16xf32>
        %mul3A_754 = arith.constant 8.000000e+00 : f32
        %mul3A_755 = vector.broadcast %mul3A_754 : f32 to vector<16xf32>
        %mul3A_756 = arith.mulf %get3A_753, %mul3A_755 : vector<16xf32>
        %swap3A_757 = arith.constant 0 : i32
        %swap3A_758 = arith.constant 0 : i32
        %swap3A_759 = arith.index_cast %swap3A_757 : i32 to index
        %swap3A_760 = arith.index_cast %swap3A_758 : i32 to index
        %swap3A_761 = arith.index_cast %scan3A_707 : i32 to index
        %swap3A_762 = arith.constant 32 : index
        %swap3A_763 = tpu.vector_load %arg6[%swap3A_759, %swap3A_760, %swap3A_761, %swap3A_762] {strides = array<i32>} : memref<4x4x50x64xf32, #tpu.memory_space<vmem>>, vector<1x1x1x16xf32>,
        %swap3A_764 = vector.shape_cast %swap3A_763 : vector<1x1x1x16xf32> to vector<16xf32>
        %swap3A_765 = vector.shape_cast %mul3A_756 : vector<16xf32> to vector<1x1x1x16xf32>
        tpu.vector_store %arg6[%swap3A_759, %swap3A_760, %swap3A_761, %swap3A_762], %swap3A_765 {strides = array<i32>} : memref<4x4x50x64xf32, #tpu.memory_space<vmem>>, vector<1x1x1x16xf32>,
        %get3A_766 = arith.constant 0 : i32
        %get3A_767 = arith.constant 0 : i32
        %get3A_768 = arith.index_cast %get3A_766 : i32 to index
        %get3A_769 = arith.index_cast %get3A_767 : i32 to index
        %get3A_770 = arith.index_cast %scan3A_707 : i32 to index
        %get3A_771 = arith.constant 48 : index
        %get3A_772 = tpu.vector_load %arg6[%get3A_768, %get3A_769, %get3A_770, %get3A_771] {strides = array<i32>} : memref<4x4x50x64xf32, #tpu.memory_space<vmem>>, vector<1x1x1x16xf32>,
        %get3A_773 = vector.shape_cast %get3A_772 : vector<1x1x1x16xf32> to vector<16xf32>
        %mul3A_774 = arith.constant 8.000000e+00 : f32
        %mul3A_775 = vector.broadcast %mul3A_774 : f32 to vector<16xf32>
        %mul3A_776 = arith.mulf %get3A_773, %mul3A_775 : vector<16xf32>
        %swap3A_777 = arith.constant 0 : i32
        %swap3A_778 = arith.constant 0 : i32
        %swap3A_779 = arith.index_cast %swap3A_777 : i32 to index
        %swap3A_780 = arith.index_cast %swap3A_778 : i32 to index
        %swap3A_781 = arith.index_cast %scan3A_707 : i32 to index
        %swap3A_782 = arith.constant 48 : index
        %swap3A_783 = tpu.vector_load %arg6[%swap3A_779, %swap3A_780, %swap3A_781, %swap3A_782] {strides = array<i32>} : memref<4x4x50x64xf32, #tpu.memory_space<vmem>>, vector<1x1x1x16xf32>,
        %swap3A_784 = vector.shape_cast %swap3A_783 : vector<1x1x1x16xf32> to vector<16xf32>
        %swap3A_785 = vector.shape_cast %mul3A_776 : vector<16xf32> to vector<1x1x1x16xf32>
        tpu.vector_store %arg6[%swap3A_779, %swap3A_780, %swap3A_781, %swap3A_782], %swap3A_785 {strides = array<i32>} : memref<4x4x50x64xf32, #tpu.memory_space<vmem>>, vector<1x1x1x16xf32>,
        %get3A_786 = arith.constant 0 : i32
        %get3A_787 = arith.constant 1 : i32
        %get3A_788 = arith.index_cast %get3A_786 : i32 to index
        %get3A_789 = arith.index_cast %get3A_787 : i32 to index
        %get3A_790 = arith.index_cast %scan3A_707 : i32 to index
        %get3A_791 = arith.constant 0 : index
        %get3A_792 = tpu.vector_load %arg6[%get3A_788, %get3A_789, %get3A_790, %get3A_791] {strides = array<i32>} : memref<4x4x50x64xf32, #tpu.memory_space<vmem>>, vector<1x1x1x16xf32>,
        %get3A_793 = vector.shape_cast %get3A_792 : vector<1x1x1x16xf32> to vector<16xf32>
        %mul3A_794 = arith.constant 8.000000e+00 : f32
        %mul3A_795 = vector.broadcast %mul3A_794 : f32 to vector<16xf32>
        %mul3A_796 = arith.mulf %get3A_793, %mul3A_795 : vector<16xf32>
        %swap3A_797 = arith.constant 0 : i32
        %swap3A_798 = arith.constant 1 : i32
        %swap3A_799 = arith.index_cast %swap3A_797 : i32 to index
        %swap3A_800 = arith.index_cast %swap3A_798 : i32 to index
        %swap3A_801 = arith.index_cast %scan3A_707 : i32 to index
        %swap3A_802 = arith.constant 0 : index
        %swap3A_803 = tpu.vector_load %arg6[%swap3A_799, %swap3A_800, %swap3A_801, %swap3A_802] {strides = array<i32>} : memref<4x4x50x64xf32, #tpu.memory_space<vmem>>, vector<1x1x1x16xf32>,
        %swap3A_804 = vector.shape_cast %swap3A_803 : vector<1x1x1x16xf32> to vector<16xf32>
        %swap3A_805 = vector.shape_cast %mul3A_796 : vector<16xf32> to vector<1x1x1x16xf32>
        tpu.vector_store %arg6[%swap3A_799, %swap3A_800, %swap3A_801, %swap3A_802], %swap3A_805 {strides = array<i32>} : memref<4x4x50x64xf32, #tpu.memory_space<vmem>>, vector<1x1x1x16xf32>,
        %get3A_806 = arith.constant 0 : i32
        %get3A_807 = arith.constant 1 : i32
        %get3A_808 = arith.index_cast %get3A_806 : i32 to index
        %get3A_809 = arith.index_cast %get3A_807 : i32 to index
        %get3A_810 = arith.index_cast %scan3A_707 : i32 to index
        %get3A_811 = arith.constant 16 : index
        %get3A_812 = tpu.vector_load %arg6[%get3A_808, %get3A_809, %get3A_810, %get3A_811] {strides = array<i32>} : memref<4x4x50x64xf32, #tpu.memory_space<vmem>>, vector<1x1x1x16xf32>,
        %get3A_813 = vector.shape_cast %get3A_812 : vector<1x1x1x16xf32> to vector<16xf32>
        %mul3A_814 = arith.constant 8.000000e+00 : f32
        %mul3A_815 = vector.broadcast %mul3A_814 : f32 to vector<16xf32>
        %mul3A_816 = arith.mulf %get3A_813, %mul3A_815 : vector<16xf32>
        %swap3A_817 = arith.constant 0 : i32
        %swap3A_818 = arith.constant 1 : i32
        %swap3A_819 = arith.index_cast %swap3A_817 : i32 to index
        %swap3A_820 = arith.index_cast %swap3A_818 : i32 to index
        %swap3A_821 = arith.index_cast %scan3A_707 : i32 to index
        %swap3A_822 = arith.constant 16 : index
        %swap3A_823 = tpu.vector_load %arg6[%swap3A_819, %swap3A_820, %swap3A_821, %swap3A_822] {strides = array<i32>} : memref<4x4x50x64xf32, #tpu.memory_space<vmem>>, vector<1x1x1x16xf32>,
        %swap3A_824 = vector.shape_cast %swap3A_823 : vector<1x1x1x16xf32> to vector<16xf32>
        %swap3A_825 = vector.shape_cast %mul3A_816 : vector<16xf32> to vector<1x1x1x16xf32>
        tpu.vector_store %arg6[%swap3A_819, %swap3A_820, %swap3A_821, %swap3A_822], %swap3A_825 {strides = array<i32>} : memref<4x4x50x64xf32, #tpu.memory_space<vmem>>, vector<1x1x1x16xf32>,
        %get3A_826 = arith.constant 0 : i32
        %get3A_827 = arith.constant 1 : i32
        %get3A_828 = arith.index_cast %get3A_826 : i32 to index
        %get3A_829 = arith.index_cast %get3A_827 : i32 to index
        %get3A_830 = arith.index_cast %scan3A_707 : i32 to index
        %get3A_831 = arith.constant 32 : index
        %get3A_832 = tpu.vector_load %arg6[%get3A_828, %get3A_829, %get3A_830, %get3A_831] {strides = array<i32>} : memref<4x4x50x64xf32, #tpu.memory_space<vmem>>, vector<1x1x1x16xf32>,
        %get3A_833 = vector.shape_cast %get3A_832 : vector<1x1x1x16xf32> to vector<16xf32>
        %mul3A_834 = arith.constant 8.000000e+00 : f32
        %mul3A_835 = vector.broadcast %mul3A_834 : f32 to vector<16xf32>
        %mul3A_836 = arith.mulf %get3A_833, %mul3A_835 : vector<16xf32>
        %swap3A_837 = arith.constant 0 : i32
        %swap3A_838 = arith.constant 1 : i32
        %swap3A_839 = arith.index_cast %swap3A_837 : i32 to index
        %swap3A_840 = arith.index_cast %swap3A_838 : i32 to index
        %swap3A_841 = arith.index_cast %scan3A_707 : i32 to index
        %swap3A_842 = arith.constant 32 : index
        %swap3A_843 = tpu.vector_load %arg6[%swap3A_839, %swap3A_840, %swap3A_841, %swap3A_842] {strides = array<i32>} : memref<4x4x50x64xf32, #tpu.memory_space<vmem>>, vector<1x1x1x16xf32>,
        %swap3A_844 = vector.shape_cast %swap3A_843 : vector<1x1x1x16xf32> to vector<16xf32>
        %swap3A_845 = vector.shape_cast %mul3A_836 : vector<16xf32> to vector<1x1x1x16xf32>
        tpu.vector_store %arg6[%swap3A_839, %swap3A_840, %swap3A_841, %swap3A_842], %swap3A_845 {strides = array<i32>} : memref<4x4x50x64xf32, #tpu.memory_space<vmem>>, vector<1x1x1x16xf32>,
        %get3A_846 = arith.constant 0 : i32
        %get3A_847 = arith.constant 1 : i32
        %get3A_848 = arith.index_cast %get3A_846 : i32 to index
        %get3A_849 = arith.index_cast %get3A_847 : i32 to index
        %get3A_850 = arith.index_cast %scan3A_707 : i32 to index
        %get3A_851 = arith.constant 48 : index
        %get3A_852 = tpu.vector_load %arg6[%get3A_848, %get3A_849, %get3A_850, %get3A_851] {strides = array<i32>} : memref<4x4x50x64xf32, #tpu.memory_space<vmem>>, vector<1x1x1x16xf32>,
        %get3A_853 = vector.shape_cast %get3A_852 : vector<1x1x1x16xf32> to vector<16xf32>
        %mul3A_854 = arith.constant 8.000000e+00 : f32
        %mul3A_855 = vector.broadcast %mul3A_854 : f32 to vector<16xf32>
        %mul3A_856 = arith.mulf %get3A_853, %mul3A_855 : vector<16xf32>
        %swap3A_857 = arith.constant 0 : i32
        %swap3A_858 = arith.constant 1 : i32
        %swap3A_859 = arith.index_cast %swap3A_857 : i32 to index
        %swap3A_860 = arith.index_cast %swap3A_858 : i32 to index
        %swap3A_861 = arith.index_cast %scan3A_707 : i32 to index
        %swap3A_862 = arith.constant 48 : index
        %swap3A_863 = tpu.vector_load %arg6[%swap3A_859, %swap3A_860, %swap3A_861, %swap3A_862] {strides = array<i32>} : memref<4x4x50x64xf32, #tpu.memory_space<vmem>>, vector<1x1x1x16xf32>,
        %swap3A_864 = vector.shape_cast %swap3A_863 : vector<1x1x1x16xf32> to vector<16xf32>
        %swap3A_865 = vector.shape_cast %mul3A_856 : vector<16xf32> to vector<1x1x1x16xf32>
        tpu.vector_store %arg6[%swap3A_859, %swap3A_860, %swap3A_861, %swap3A_862], %swap3A_865 {strides = array<i32>} : memref<4x4x50x64xf32, #tpu.memory_space<vmem>>, vector<1x1x1x16xf32>,
        %get3A_866 = arith.constant 0 : i32
        %get3A_867 = arith.constant 2 : i32
        %get3A_868 = arith.index_cast %get3A_866 : i32 to index
        %get3A_869 = arith.index_cast %get3A_867 : i32 to index
        %get3A_870 = arith.index_cast %scan3A_707 : i32 to index
        %get3A_871 = arith.constant 0 : index
        %get3A_872 = tpu.vector_load %arg6[%get3A_868, %get3A_869, %get3A_870, %get3A_871] {strides = array<i32>} : memref<4x4x50x64xf32, #tpu.memory_space<vmem>>, vector<1x1x1x16xf32>,
        %get3A_873 = vector.shape_cast %get3A_872 : vector<1x1x1x16xf32> to vector<16xf32>
        %mul3A_874 = arith.constant 8.000000e+00 : f32
        %mul3A_875 = vector.broadcast %mul3A_874 : f32 to vector<16xf32>
        %mul3A_876 = arith.mulf %get3A_873, %mul3A_875 : vector<16xf32>
        %swap3A_877 = arith.constant 0 : i32
        %swap3A_878 = arith.constant 2 : i32
        %swap3A_879 = arith.index_cast %swap3A_877 : i32 to index
        %swap3A_880 = arith.index_cast %swap3A_878 : i32 to index
        %swap3A_881 = arith.index_cast %scan3A_707 : i32 to index
        %swap3A_882 = arith.constant 0 : index
        %swap3A_883 = tpu.vector_load %arg6[%swap3A_879, %swap3A_880, %swap3A_881, %swap3A_882] {strides = array<i32>} : memref<4x4x50x64xf32, #tpu.memory_space<vmem>>, vector<1x1x1x16xf32>,
        %swap3A_884 = vector.shape_cast %swap3A_883 : vector<1x1x1x16xf32> to vector<16xf32>
        %swap3A_885 = vector.shape_cast %mul3A_876 : vector<16xf32> to vector<1x1x1x16xf32>
        tpu.vector_store %arg6[%swap3A_879, %swap3A_880, %swap3A_881, %swap3A_882], %swap3A_885 {strides = array<i32>} : memref<4x4x50x64xf32, #tpu.memory_space<vmem>>, vector<1x1x1x16xf32>,
        %get3A_886 = arith.constant 0 : i32
        %get3A_887 = arith.constant 2 : i32
        %get3A_888 = arith.index_cast %get3A_886 : i32 to index
        %get3A_889 = arith.index_cast %get3A_887 : i32 to index
        %get3A_890 = arith.index_cast %scan3A_707 : i32 to index
        %get3A_891 = arith.constant 16 : index
        %get3A_892 = tpu.vector_load %arg6[%get3A_888, %get3A_889, %get3A_890, %get3A_891] {strides = array<i32>} : memref<4x4x50x64xf32, #tpu.memory_space<vmem>>, vector<1x1x1x16xf32>,
        %get3A_893 = vector.shape_cast %get3A_892 : vector<1x1x1x16xf32> to vector<16xf32>
        %mul3A_894 = arith.constant 8.000000e+00 : f32
        %mul3A_895 = vector.broadcast %mul3A_894 : f32 to vector<16xf32>
        %mul3A_896 = arith.mulf %get3A_893, %mul3A_895 : vector<16xf32>
        %swap3A_897 = arith.constant 0 : i32
        %swap3A_898 = arith.constant 2 : i32
        %swap3A_899 = arith.index_cast %swap3A_897 : i32 to index
        %swap3A_900 = arith.index_cast %swap3A_898 : i32 to index
        %swap3A_901 = arith.index_cast %scan3A_707 : i32 to index
        %swap3A_902 = arith.constant 16 : index
        %swap3A_903 = tpu.vector_load %arg6[%swap3A_899, %swap3A_900, %swap3A_901, %swap3A_902] {strides = array<i32>} : memref<4x4x50x64xf32, #tpu.memory_space<vmem>>, vector<1x1x1x16xf32>,
        %swap3A_904 = vector.shape_cast %swap3A_903 : vector<1x1x1x16xf32> to vector<16xf32>
        %swap3A_905 = vector.shape_cast %mul3A_896 : vector<16xf32> to vector<1x1x1x16xf32>
        tpu.vector_store %arg6[%swap3A_899, %swap3A_900, %swap3A_901, %swap3A_902], %swap3A_905 {strides = array<i32>} : memref<4x4x50x64xf32, #tpu.memory_space<vmem>>, vector<1x1x1x16xf32>,
        %get3A_906 = arith.constant 0 : i32
        %get3A_907 = arith.constant 2 : i32
        %get3A_908 = arith.index_cast %get3A_906 : i32 to index
        %get3A_909 = arith.index_cast %get3A_907 : i32 to index
        %get3A_910 = arith.index_cast %scan3A_707 : i32 to index
        %get3A_911 = arith.constant 32 : index
        %get3A_912 = tpu.vector_load %arg6[%get3A_908, %get3A_909, %get3A_910, %get3A_911] {strides = array<i32>} : memref<4x4x50x64xf32, #tpu.memory_space<vmem>>, vector<1x1x1x16xf32>,
        %get3A_913 = vector.shape_cast %get3A_912 : vector<1x1x1x16xf32> to vector<16xf32>
        %mul3A_914 = arith.constant 8.000000e+00 : f32
        %mul3A_915 = vector.broadcast %mul3A_914 : f32 to vector<16xf32>
        %mul3A_916 = arith.mulf %get3A_913, %mul3A_915 : vector<16xf32>
        %swap3A_917 = arith.constant 0 : i32
        %swap3A_918 = arith.constant 2 : i32
        %swap3A_919 = arith.index_cast %swap3A_917 : i32 to index
        %swap3A_920 = arith.index_cast %swap3A_918 : i32 to index
        %swap3A_921 = arith.index_cast %scan3A_707 : i32 to index
        %swap3A_922 = arith.constant 32 : index
        %swap3A_923 = tpu.vector_load %arg6[%swap3A_919, %swap3A_920, %swap3A_921, %swap3A_922] {strides = array<i32>} : memref<4x4x50x64xf32, #tpu.memory_space<vmem>>, vector<1x1x1x16xf32>,
        %swap3A_924 = vector.shape_cast %swap3A_923 : vector<1x1x1x16xf32> to vector<16xf32>
        %swap3A_925 = vector.shape_cast %mul3A_916 : vector<16xf32> to vector<1x1x1x16xf32>
        tpu.vector_store %arg6[%swap3A_919, %swap3A_920, %swap3A_921, %swap3A_922], %swap3A_925 {strides = array<i32>} : memref<4x4x50x64xf32, #tpu.memory_space<vmem>>, vector<1x1x1x16xf32>,
        %get3A_926 = arith.constant 0 : i32
        %get3A_927 = arith.constant 2 : i32
        %get3A_928 = arith.index_cast %get3A_926 : i32 to index
        %get3A_929 = arith.index_cast %get3A_927 : i32 to index
        %get3A_930 = arith.index_cast %scan3A_707 : i32 to index
        %get3A_931 = arith.constant 48 : index
        %get3A_932 = tpu.vector_load %arg6[%get3A_928, %get3A_929, %get3A_930, %get3A_931] {strides = array<i32>} : memref<4x4x50x64xf32, #tpu.memory_space<vmem>>, vector<1x1x1x16xf32>,
        %get3A_933 = vector.shape_cast %get3A_932 : vector<1x1x1x16xf32> to vector<16xf32>
        %mul3A_934 = arith.constant 8.000000e+00 : f32
        %mul3A_935 = vector.broadcast %mul3A_934 : f32 to vector<16xf32>
        %mul3A_936 = arith.mulf %get3A_933, %mul3A_935 : vector<16xf32>
        %swap3A_937 = arith.constant 0 : i32
        %swap3A_938 = arith.constant 2 : i32
        %swap3A_939 = arith.index_cast %swap3A_937 : i32 to index
        %swap3A_940 = arith.index_cast %swap3A_938 : i32 to index
        %swap3A_941 = arith.index_cast %scan3A_707 : i32 to index
        %swap3A_942 = arith.constant 48 : index
        %swap3A_943 = tpu.vector_load %arg6[%swap3A_939, %swap3A_940, %swap3A_941, %swap3A_942] {strides = array<i32>} : memref<4x4x50x64xf32, #tpu.memory_space<vmem>>, vector<1x1x1x16xf32>,
        %swap3A_944 = vector.shape_cast %swap3A_943 : vector<1x1x1x16xf32> to vector<16xf32>
        %swap3A_945 = vector.shape_cast %mul3A_936 : vector<16xf32> to vector<1x1x1x16xf32>
        tpu.vector_store %arg6[%swap3A_939, %swap3A_940, %swap3A_941, %swap3A_942], %swap3A_945 {strides = array<i32>} : memref<4x4x50x64xf32, #tpu.memory_space<vmem>>, vector<1x1x1x16xf32>,
        %get3A_946 = arith.constant 0 : i32
        %get3A_947 = arith.constant 3 : i32
        %get3A_948 = arith.index_cast %get3A_946 : i32 to index
        %get3A_949 = arith.index_cast %get3A_947 : i32 to index
        %get3A_950 = arith.index_cast %scan3A_707 : i32 to index
        %get3A_951 = arith.constant 0 : index
        %get3A_952 = tpu.vector_load %arg6[%get3A_948, %get3A_949, %get3A_950, %get3A_951] {strides = array<i32>} : memref<4x4x50x64xf32, #tpu.memory_space<vmem>>, vector<1x1x1x16xf32>,
        %get3A_953 = vector.shape_cast %get3A_952 : vector<1x1x1x16xf32> to vector<16xf32>
        %mul3A_954 = arith.constant 8.000000e+00 : f32
        %mul3A_955 = vector.broadcast %mul3A_954 : f32 to vector<16xf32>
        %mul3A_956 = arith.mulf %get3A_953, %mul3A_955 : vector<16xf32>
        %swap3A_957 = arith.constant 0 : i32
        %swap3A_958 = arith.constant 3 : i32
        %swap3A_959 = arith.index_cast %swap3A_957 : i32 to index
        %swap3A_960 = arith.index_cast %swap3A_958 : i32 to index
        %swap3A_961 = arith.index_cast %scan3A_707 : i32 to index
        %swap3A_962 = arith.constant 0 : index
        %swap3A_963 = tpu.vector_load %arg6[%swap3A_959, %swap3A_960, %swap3A_961, %swap3A_962] {strides = array<i32>} : memref<4x4x50x64xf32, #tpu.memory_space<vmem>>, vector<1x1x1x16xf32>,
        %swap3A_964 = vector.shape_cast %swap3A_963 : vector<1x1x1x16xf32> to vector<16xf32>
        %swap3A_965 = vector.shape_cast %mul3A_956 : vector<16xf32> to vector<1x1x1x16xf32>
        tpu.vector_store %arg6[%swap3A_959, %swap3A_960, %swap3A_961, %swap3A_962], %swap3A_965 {strides = array<i32>} : memref<4x4x50x64xf32, #tpu.memory_space<vmem>>, vector<1x1x1x16xf32>,
        %get3A_966 = arith.constant 0 : i32
        %get3A_967 = arith.constant 3 : i32
        %get3A_968 = arith.index_cast %get3A_966 : i32 to index
        %get3A_969 = arith.index_cast %get3A_967 : i32 to index
        %get3A_970 = arith.index_cast %scan3A_707 : i32 to index
        %get3A_971 = arith.constant 16 : index
        %get3A_972 = tpu.vector_load %arg6[%get3A_968, %get3A_969, %get3A_970, %get3A_971] {strides = array<i32>} : memref<4x4x50x64xf32, #tpu.memory_space<vmem>>, vector<1x1x1x16xf32>,
        %get3A_973 = vector.shape_cast %get3A_972 : vector<1x1x1x16xf32> to vector<16xf32>
        %mul3A_974 = arith.constant 8.000000e+00 : f32
        %mul3A_975 = vector.broadcast %mul3A_974 : f32 to vector<16xf32>
        %mul3A_976 = arith.mulf %get3A_973, %mul3A_975 : vector<16xf32>
        %swap3A_977 = arith.constant 0 : i32
        %swap3A_978 = arith.constant 3 : i32
        %swap3A_979 = arith.index_cast %swap3A_977 : i32 to index
        %swap3A_980 = arith.index_cast %swap3A_978 : i32 to index
        %swap3A_981 = arith.index_cast %scan3A_707 : i32 to index
        %swap3A_982 = arith.constant 16 : index
        %swap3A_983 = tpu.vector_load %arg6[%swap3A_979, %swap3A_980, %swap3A_981, %swap3A_982] {strides = array<i32>} : memref<4x4x50x64xf32, #tpu.memory_space<vmem>>, vector<1x1x1x16xf32>,
        %swap3A_984 = vector.shape_cast %swap3A_983 : vector<1x1x1x16xf32> to vector<16xf32>
        %swap3A_985 = vector.shape_cast %mul3A_976 : vector<16xf32> to vector<1x1x1x16xf32>
        tpu.vector_store %arg6[%swap3A_979, %swap3A_980, %swap3A_981, %swap3A_982], %swap3A_985 {strides = array<i32>} : memref<4x4x50x64xf32, #tpu.memory_space<vmem>>, vector<1x1x1x16xf32>,
        %get3A_986 = arith.constant 0 : i32
        %get3A_987 = arith.constant 3 : i32
        %get3A_988 = arith.index_cast %get3A_986 : i32 to index
        %get3A_989 = arith.index_cast %get3A_987 : i32 to index
        %get3A_990 = arith.index_cast %scan3A_707 : i32 to index
        %get3A_991 = arith.constant 32 : index
        %get3A_992 = tpu.vector_load %arg6[%get3A_988, %get3A_989, %get3A_990, %get3A_991] {strides = array<i32>} : memref<4x4x50x64xf32, #tpu.memory_space<vmem>>, vector<1x1x1x16xf32>,
        %get3A_993 = vector.shape_cast %get3A_992 : vector<1x1x1x16xf32> to vector<16xf32>
        %mul3A_994 = arith.constant 8.000000e+00 : f32
        %mul3A_995 = vector.broadcast %mul3A_994 : f32 to vector<16xf32>
        %mul3A_996 = arith.mulf %get3A_993, %mul3A_995 : vector<16xf32>
        %swap3A_997 = arith.constant 0 : i32
        %swap3A_998 = arith.constant 3 : i32
        %swap3A_999 = arith.index_cast %swap3A_997 : i32 to index
        %swap3A_1000 = arith.index_cast %swap3A_998 : i32 to index
        %swap3A_1001 = arith.index_cast %scan3A_707 : i32 to index
        %swap3A_1002 = arith.constant 32 : index
        %swap3A_1003 = tpu.vector_load %arg6[%swap3A_999, %swap3A_1000, %swap3A_1001, %swap3A_1002] {strides = array<i32>} : memref<4x4x50x64xf32, #tpu.memory_space<vmem>>, vector<1x1x1x16xf32>,
        %swap3A_1004 = vector.shape_cast %swap3A_1003 : vector<1x1x1x16xf32> to vector<16xf32>
        %swap3A_1005 = vector.shape_cast %mul3A_996 : vector<16xf32> to vector<1x1x1x16xf32>
        tpu.vector_store %arg6[%swap3A_999, %swap3A_1000, %swap3A_1001, %swap3A_1002], %swap3A_1005 {strides = array<i32>} : memref<4x4x50x64xf32, #tpu.memory_space<vmem>>, vector<1x1x1x16xf32>,
        %get3A_1006 = arith.constant 0 : i32
        %get3A_1007 = arith.constant 3 : i32
        %get3A_1008 = arith.index_cast %get3A_1006 : i32 to index
        %get3A_1009 = arith.index_cast %get3A_1007 : i32 to index
        %get3A_1010 = arith.index_cast %scan3A_707 : i32 to index
        %get3A_1011 = arith.constant 48 : index
        %get3A_1012 = tpu.vector_load %arg6[%get3A_1008, %get3A_1009, %get3A_1010, %get3A_1011] {strides = array<i32>} : memref<4x4x50x64xf32, #tpu.memory_space<vmem>>, vector<1x1x1x16xf32>,
        %get3A_1013 = vector.shape_cast %get3A_1012 : vector<1x1x1x16xf32> to vector<16xf32>
        %mul3A_1014 = arith.constant 8.000000e+00 : f32
        %mul3A_1015 = vector.broadcast %mul3A_1014 : f32 to vector<16xf32>
        %mul3A_1016 = arith.mulf %get3A_1013, %mul3A_1015 : vector<16xf32>
        %swap3A_1017 = arith.constant 0 : i32
        %swap3A_1018 = arith.constant 3 : i32
        %swap3A_1019 = arith.index_cast %swap3A_1017 : i32 to index
        %swap3A_1020 = arith.index_cast %swap3A_1018 : i32 to index
        %swap3A_1021 = arith.index_cast %scan3A_707 : i32 to index
        %swap3A_1022 = arith.constant 48 : index
        %swap3A_1023 = tpu.vector_load %arg6[%swap3A_1019, %swap3A_1020, %swap3A_1021, %swap3A_1022] {strides = array<i32>} : memref<4x4x50x64xf32, #tpu.memory_space<vmem>>, vector<1x1x1x16xf32>,
        %swap3A_1024 = vector.shape_cast %swap3A_1023 : vector<1x1x1x16xf32> to vector<16xf32>
        %swap3A_1025 = vector.shape_cast %mul3A_1016 : vector<16xf32> to vector<1x1x1x16xf32>
        tpu.vector_store %arg6[%swap3A_1019, %swap3A_1020, %swap3A_1021, %swap3A_1022], %swap3A_1025 {strides = array<i32>} : memref<4x4x50x64xf32, #tpu.memory_space<vmem>>, vector<1x1x1x16xf32>,
      }
      %scan3A_360 = arith.constant 50 : i32
      %mul3A_361 = arith.constant 4 : i32
      %mul3A_362 = arith.muli %add3A_290, %mul3A_361 : i32
      %add3A_363 = arith.addi %mul3A_2, %mul3A_362 : i32
      %dma_start3A_364 = arith.constant 0 : i32
      %dma_start3A_365 = arith.constant 0 : i32
      %dma_start3A_366 = arith.constant 0 : i32
      %dma_start3A_367 = arith.constant 0 : i32
      %dma_start3A_368 = arith.constant 0 : i32
      %dma_start3A_369 = tpu.memref_slice %arg6[%dma_start3A_364, %dma_start3A_366, %dma_start3A_367, %dma_start3A_368] : memref<4x4x50x64xf32, #tpu.memory_space<vmem>> -> memref<1x4x50x64xf32, #tpu.memory_space<vmem>>
      %dma_start3A_370 = tpu.memref_squeeze %dma_start3A_369 : memref<1x4x50x64xf32, #tpu.memory_space<vmem>> -> memref<4x50x64xf32, #tpu.memory_space<vmem>>
      %dma_start3A_371 = arith.constant 0 : i32
      %dma_start3A_372 = arith.constant 0 : i32
      %dma_start3A_373 = tpu.memref_slice %arg4[%add3A_363, %dma_start3A_371, %dma_start3A_372] : memref<16384x50x64xf32, #tpu.memory_space<hbm>> -> memref<4x50x64xf32, #tpu.memory_space<hbm>>
      %dma_start3A_374 = tpu.memref_slice %arg8[%dma_start3A_365] : memref<4x!tpu.dma_semaphore, #tpu.memory_space<semaphore_mem>> -> memref<1x!tpu.dma_semaphore, #tpu.memory_space<semaphore_mem>>
      %dma_start3A_375 = tpu.memref_squeeze %dma_start3A_374 : memref<1x!tpu.dma_semaphore, #tpu.memory_space<semaphore_mem>> -> memref<!tpu.dma_semaphore, #tpu.memory_space<semaphore_mem>>
      %dma_start3A_376 = arith.constant 0 : i32
      %dma_start3A_377 = arith.constant 0 : i32
      %dma_start3A_378 = tpu.memref_slice %arg4[%add3A_363, %dma_start3A_376, %dma_start3A_377] : memref<16384x50x64xf32, #tpu.memory_space<hbm>> -> memref<4x50x64xf32, #tpu.memory_space<hbm>>
      %dma_start3A_379 = arith.constant 0 : i32
      %dma_start3A_380 = arith.constant 0 : i32
      %dma_start3A_381 = arith.constant 0 : i32
      %dma_start3A_382 = tpu.memref_slice %arg6[%dma_start3A_364, %dma_start3A_379, %dma_start3A_380, %dma_start3A_381] : memref<4x4x50x64xf32, #tpu.memory_space<vmem>> -> memref<1x4x50x64xf32, #tpu.memory_space<vmem>>
      %dma_start3A_383 = tpu.memref_squeeze %dma_start3A_382 : memref<1x4x50x64xf32, #tpu.memory_space<vmem>> -> memref<4x50x64xf32, #tpu.memory_space<vmem>>
      tpu.enqueue_dma source(%dma_start3A_383 : memref<4x50x64xf32, #tpu.memory_space<vmem>>) target(%dma_start3A_378 : memref<4x50x64xf32, #tpu.memory_space<hbm>>) target_semaphore(%dma_start3A_375 : memref<!tpu.dma_semaphore, #tpu.memory_space<semaphore_mem>>)
      %add3A_384 = arith.constant 4 : i32
      %add3A_385 = arith.addi %add3A_290, %add3A_384 : i32
      %sub3A = arith.constant 1 : i32
      %sub3A_386 = arith.subi %add3A_385, %sub3A : i32
      %lt3A = arith.constant 128 : i32
      %lt3A_387 = arith.cmpi slt, %sub3A_386, %lt3A : i32
      %convert_element_type3A = arith.extui %lt3A_387 : i1 to i32
      %cond3A = arith.constant 0 : i32
      %cond3A_388 = arith.cmpi ne, %convert_element_type3A, %cond3A : i32
      scf.if %cond3A_388 {
        %ge3A = arith.constant 1 : i32
        %ge3A_707 = arith.cmpi sge, %add3A_290, %ge3A : i32
        %convert_element_type3A_708 = arith.extui %ge3A_707 : i1 to i32
        %cond3A_709 = arith.constant 0 : i32
        %cond3A_710 = arith.cmpi ne, %convert_element_type3A_708, %cond3A_709 : i32
        scf.if %cond3A_710 {
          %dma_wait3A_791 = arith.constant 3 : i32
          %dma_wait3A_792 = arith.constant 3 : i32
          %dma_wait3A_793 = arith.constant 0 : i32
          %dma_wait3A_794 = arith.constant 0 : i32
          %dma_wait3A_795 = arith.constant 0 : i32
          %dma_wait3A_796 = tpu.memref_slice %arg6[%dma_wait3A_791, %dma_wait3A_793, %dma_wait3A_794, %dma_wait3A_795] : memref<4x4x50x64xf32, #tpu.memory_space<vmem>> -> memref<1x4x50x64xf32, #tpu.memory_space<vmem>>
          %dma_wait3A_797 = tpu.memref_squeeze %dma_wait3A_796 : memref<1x4x50x64xf32, #tpu.memory_space<vmem>> -> memref<4x50x64xf32, #tpu.memory_space<vmem>>
          %dma_wait3A_798 = arith.constant 0 : i32
          %dma_wait3A_799 = arith.constant 0 : i32
          %dma_wait3A_800 = arith.constant 0 : i32
          %dma_wait3A_801 = tpu.memref_slice %arg4[%dma_wait3A_798, %dma_wait3A_799, %dma_wait3A_800] : memref<16384x50x64xf32, #tpu.memory_space<hbm>> -> memref<4x50x64xf32, #tpu.memory_space<hbm>>
          %dma_wait3A_802 = tpu.memref_slice %arg8[%dma_wait3A_792] : memref<4x!tpu.dma_semaphore, #tpu.memory_space<semaphore_mem>> -> memref<1x!tpu.dma_semaphore, #tpu.memory_space<semaphore_mem>>
          %dma_wait3A_803 = tpu.memref_squeeze %dma_wait3A_802 : memref<1x!tpu.dma_semaphore, #tpu.memory_space<semaphore_mem>> -> memref<!tpu.dma_semaphore, #tpu.memory_space<semaphore_mem>>
          %dma_wait3A_804 = arith.constant 0 : i32
          %dma_wait3A_805 = arith.constant 0 : i32
          %dma_wait3A_806 = arith.constant 0 : i32
          %dma_wait3A_807 = tpu.memref_slice %arg4[%dma_wait3A_804, %dma_wait3A_805, %dma_wait3A_806] : memref<16384x50x64xf32, #tpu.memory_space<hbm>> -> memref<4x50x64xf32, #tpu.memory_space<hbm>>
          %dma_wait3A_808 = arith.constant 0 : i32
          %dma_wait3A_809 = arith.constant 0 : i32
          %dma_wait3A_810 = arith.constant 0 : i32
          %dma_wait3A_811 = tpu.memref_slice %arg6[%dma_wait3A_791, %dma_wait3A_808, %dma_wait3A_809, %dma_wait3A_810] : memref<4x4x50x64xf32, #tpu.memory_space<vmem>> -> memref<1x4x50x64xf32, #tpu.memory_space<vmem>>
          %dma_wait3A_812 = tpu.memref_squeeze %dma_wait3A_811 : memref<1x4x50x64xf32, #tpu.memory_space<vmem>> -> memref<4x50x64xf32, #tpu.memory_space<vmem>>
          tpu.wait_dma2 semaphore(%dma_wait3A_803 : memref<!tpu.dma_semaphore, #tpu.memory_space<semaphore_mem>>) src(%dma_wait3A_812 : memref<4x50x64xf32, #tpu.memory_space<vmem>>) dst(%dma_wait3A_807 : memref<4x50x64xf32, #tpu.memory_space<hbm>>)
        } else {
        }
        %add3A_711 = arith.constant 4 : i32
        %add3A_712 = arith.addi %add3A_290, %add3A_711 : i32
        %sub3A_713 = arith.constant 1 : i32
        %sub3A_714 = arith.subi %add3A_712, %sub3A_713 : i32
        %mul3A_715 = arith.constant 4 : i32
        %mul3A_716 = arith.muli %sub3A_714, %mul3A_715 : i32
        %add3A_717 = arith.constant 0 : i32
        %add3A_718 = arith.addi %mul3A_716, %add3A_717 : i32
        %dma_start3A_719 = arith.constant 3 : i32
        %dma_start3A_720 = arith.constant 0 : i32
        %dma_start3A_721 = arith.constant 3 : i32
        %dma_start3A_722 = arith.constant 0 : i32
        %dma_start3A_723 = arith.constant 0 : i32
        %dma_start3A_724 = tpu.memref_slice %arg6[%dma_start3A_719, %dma_start3A_720, %dma_start3A_722, %dma_start3A_723] : memref<4x4x50x64xf32, #tpu.memory_space<vmem>> -> memref<1x1x50x64xf32, #tpu.memory_space<vmem>>
        %dma_start3A_725 = tpu.memref_squeeze %dma_start3A_724 : memref<1x1x50x64xf32, #tpu.memory_space<vmem>> -> memref<50x64xf32, #tpu.memory_space<vmem>>
        %dma_start3A_726 = arith.constant 0 : i32
        %dma_start3A_727 = tpu.memref_slice %arg5[%add3A_718, %dma_start3A_726] : memref<512x50xi32, #tpu.memory_space<vmem>> -> memref<1x50xi32, #tpu.memory_space<vmem>>
        %dma_start3A_728 = tpu.memref_squeeze %dma_start3A_727 : memref<1x50xi32, #tpu.memory_space<vmem>> -> memref<50xi32, #tpu.memory_space<vmem>>
        %dma_start3A_729 = arith.constant 0 : i32
        %dma_start3A_730 = arith.constant 0 : i32
        %dma_start3A_731 = tpu.memref_slice %arg3[%dma_start3A_729, %dma_start3A_730] : memref<1000000x64xf32, #tpu.memory_space<hbm>> -> memref<1000000x64xf32, #tpu.memory_space<hbm>>
        %dma_start3A_732 = tpu.memref_slice %arg7[%dma_start3A_721] : memref<4x!tpu.dma_semaphore, #tpu.memory_space<semaphore_mem>> -> memref<1x!tpu.dma_semaphore, #tpu.memory_space<semaphore_mem>>
        %dma_start3A_733 = tpu.memref_squeeze %dma_start3A_732 : memref<1x!tpu.dma_semaphore, #tpu.memory_space<semaphore_mem>> -> memref<!tpu.dma_semaphore, #tpu.memory_space<semaphore_mem>>
        tpu.enqueue_indirect_dma source(%dma_start3A_731 : memref<1000000x64xf32, #tpu.memory_space<hbm>>) target(%dma_start3A_725 : memref<50x64xf32, #tpu.memory_space<vmem>>) offsets(%dma_start3A_728 : memref<50xi32, #tpu.memory_space<vmem>>) semaphore(%dma_start3A_733 : memref<!tpu.dma_semaphore, #tpu.memory_space<semaphore_mem>>)
        %mul3A_734 = arith.constant 4 : i32
        %mul3A_735 = arith.muli %sub3A_714, %mul3A_734 : i32
        %add3A_736 = arith.constant 1 : i32
        %add3A_737 = arith.addi %mul3A_735, %add3A_736 : i32
        %dma_start3A_738 = arith.constant 3 : i32
        %dma_start3A_739 = arith.constant 1 : i32
        %dma_start3A_740 = arith.constant 3 : i32
        %dma_start3A_741 = arith.constant 0 : i32
        %dma_start3A_742 = arith.constant 0 : i32
        %dma_start3A_743 = tpu.memref_slice %arg6[%dma_start3A_738, %dma_start3A_739, %dma_start3A_741, %dma_start3A_742] : memref<4x4x50x64xf32, #tpu.memory_space<vmem>> -> memref<1x1x50x64xf32, #tpu.memory_space<vmem>>
        %dma_start3A_744 = tpu.memref_squeeze %dma_start3A_743 : memref<1x1x50x64xf32, #tpu.memory_space<vmem>> -> memref<50x64xf32, #tpu.memory_space<vmem>>
        %dma_start3A_745 = arith.constant 0 : i32
        %dma_start3A_746 = tpu.memref_slice %arg5[%add3A_737, %dma_start3A_745] : memref<512x50xi32, #tpu.memory_space<vmem>> -> memref<1x50xi32, #tpu.memory_space<vmem>>
        %dma_start3A_747 = tpu.memref_squeeze %dma_start3A_746 : memref<1x50xi32, #tpu.memory_space<vmem>> -> memref<50xi32, #tpu.memory_space<vmem>>
        %dma_start3A_748 = arith.constant 0 : i32
        %dma_start3A_749 = arith.constant 0 : i32
        %dma_start3A_750 = tpu.memref_slice %arg3[%dma_start3A_748, %dma_start3A_749] : memref<1000000x64xf32, #tpu.memory_space<hbm>> -> memref<1000000x64xf32, #tpu.memory_space<hbm>>
        %dma_start3A_751 = tpu.memref_slice %arg7[%dma_start3A_740] : memref<4x!tpu.dma_semaphore, #tpu.memory_space<semaphore_mem>> -> memref<1x!tpu.dma_semaphore, #tpu.memory_space<semaphore_mem>>
        %dma_start3A_752 = tpu.memref_squeeze %dma_start3A_751 : memref<1x!tpu.dma_semaphore, #tpu.memory_space<semaphore_mem>> -> memref<!tpu.dma_semaphore, #tpu.memory_space<semaphore_mem>>
        tpu.enqueue_indirect_dma source(%dma_start3A_750 : memref<1000000x64xf32, #tpu.memory_space<hbm>>) target(%dma_start3A_744 : memref<50x64xf32, #tpu.memory_space<vmem>>) offsets(%dma_start3A_747 : memref<50xi32, #tpu.memory_space<vmem>>) semaphore(%dma_start3A_752 : memref<!tpu.dma_semaphore, #tpu.memory_space<semaphore_mem>>)
        %mul3A_753 = arith.constant 4 : i32
        %mul3A_754 = arith.muli %sub3A_714, %mul3A_753 : i32
        %add3A_755 = arith.constant 2 : i32
        %add3A_756 = arith.addi %mul3A_754, %add3A_755 : i32
        %dma_start3A_757 = arith.constant 3 : i32
        %dma_start3A_758 = arith.constant 2 : i32
        %dma_start3A_759 = arith.constant 3 : i32
        %dma_start3A_760 = arith.constant 0 : i32
        %dma_start3A_761 = arith.constant 0 : i32
        %dma_start3A_762 = tpu.memref_slice %arg6[%dma_start3A_757, %dma_start3A_758, %dma_start3A_760, %dma_start3A_761] : memref<4x4x50x64xf32, #tpu.memory_space<vmem>> -> memref<1x1x50x64xf32, #tpu.memory_space<vmem>>
        %dma_start3A_763 = tpu.memref_squeeze %dma_start3A_762 : memref<1x1x50x64xf32, #tpu.memory_space<vmem>> -> memref<50x64xf32, #tpu.memory_space<vmem>>
        %dma_start3A_764 = arith.constant 0 : i32
        %dma_start3A_765 = tpu.memref_slice %arg5[%add3A_756, %dma_start3A_764] : memref<512x50xi32, #tpu.memory_space<vmem>> -> memref<1x50xi32, #tpu.memory_space<vmem>>
        %dma_start3A_766 = tpu.memref_squeeze %dma_start3A_765 : memref<1x50xi32, #tpu.memory_space<vmem>> -> memref<50xi32, #tpu.memory_space<vmem>>
        %dma_start3A_767 = arith.constant 0 : i32
        %dma_start3A_768 = arith.constant 0 : i32
        %dma_start3A_769 = tpu.memref_slice %arg3[%dma_start3A_767, %dma_start3A_768] : memref<1000000x64xf32, #tpu.memory_space<hbm>> -> memref<1000000x64xf32, #tpu.memory_space<hbm>>
        %dma_start3A_770 = tpu.memref_slice %arg7[%dma_start3A_759] : memref<4x!tpu.dma_semaphore, #tpu.memory_space<semaphore_mem>> -> memref<1x!tpu.dma_semaphore, #tpu.memory_space<semaphore_mem>>
        %dma_start3A_771 = tpu.memref_squeeze %dma_start3A_770 : memref<1x!tpu.dma_semaphore, #tpu.memory_space<semaphore_mem>> -> memref<!tpu.dma_semaphore, #tpu.memory_space<semaphore_mem>>
        tpu.enqueue_indirect_dma source(%dma_start3A_769 : memref<1000000x64xf32, #tpu.memory_space<hbm>>) target(%dma_start3A_763 : memref<50x64xf32, #tpu.memory_space<vmem>>) offsets(%dma_start3A_766 : memref<50xi32, #tpu.memory_space<vmem>>) semaphore(%dma_start3A_771 : memref<!tpu.dma_semaphore, #tpu.memory_space<semaphore_mem>>)
        %mul3A_772 = arith.constant 4 : i32
        %mul3A_773 = arith.muli %sub3A_714, %mul3A_772 : i32
        %add3A_774 = arith.constant 3 : i32
        %add3A_775 = arith.addi %mul3A_773, %add3A_774 : i32
        %dma_start3A_776 = arith.constant 3 : i32
        %dma_start3A_777 = arith.constant 3 : i32
        %dma_start3A_778 = arith.constant 3 : i32
        %dma_start3A_779 = arith.constant 0 : i32
        %dma_start3A_780 = arith.constant 0 : i32
        %dma_start3A_781 = tpu.memref_slice %arg6[%dma_start3A_776, %dma_start3A_777, %dma_start3A_779, %dma_start3A_780] : memref<4x4x50x64xf32, #tpu.memory_space<vmem>> -> memref<1x1x50x64xf32, #tpu.memory_space<vmem>>
        %dma_start3A_782 = tpu.memref_squeeze %dma_start3A_781 : memref<1x1x50x64xf32, #tpu.memory_space<vmem>> -> memref<50x64xf32, #tpu.memory_space<vmem>>
        %dma_start3A_783 = arith.constant 0 : i32
        %dma_start3A_784 = tpu.memref_slice %arg5[%add3A_775, %dma_start3A_783] : memref<512x50xi32, #tpu.memory_space<vmem>> -> memref<1x50xi32, #tpu.memory_space<vmem>>
        %dma_start3A_785 = tpu.memref_squeeze %dma_start3A_784 : memref<1x50xi32, #tpu.memory_space<vmem>> -> memref<50xi32, #tpu.memory_space<vmem>>
        %dma_start3A_786 = arith.constant 0 : i32
        %dma_start3A_787 = arith.constant 0 : i32
        %dma_start3A_788 = tpu.memref_slice %arg3[%dma_start3A_786, %dma_start3A_787] : memref<1000000x64xf32, #tpu.memory_space<hbm>> -> memref<1000000x64xf32, #tpu.memory_space<hbm>>
        %dma_start3A_789 = tpu.memref_slice %arg7[%dma_start3A_778] : memref<4x!tpu.dma_semaphore, #tpu.memory_space<semaphore_mem>> -> memref<1x!tpu.dma_semaphore, #tpu.memory_space<semaphore_mem>>
        %dma_start3A_790 = tpu.memref_squeeze %dma_start3A_789 : memref<1x!tpu.dma_semaphore, #tpu.memory_space<semaphore_mem>> -> memref<!tpu.dma_semaphore, #tpu.memory_space<semaphore_mem>>
        tpu.enqueue_indirect_dma source(%dma_start3A_788 : memref<1000000x64xf32, #tpu.memory_space<hbm>>) target(%dma_start3A_782 : memref<50x64xf32, #tpu.memory_space<vmem>>) offsets(%dma_start3A_785 : memref<50xi32, #tpu.memory_space<vmem>>) semaphore(%dma_start3A_790 : memref<!tpu.dma_semaphore, #tpu.memory_space<semaphore_mem>>)
      } else {
      }
      %mul3A_389 = arith.constant 4 : i32
      %mul3A_390 = arith.muli %scan3A_286, %mul3A_389 : i32
      %add3A_391 = arith.constant 1 : i32
      %add3A_392 = arith.addi %mul3A_390, %add3A_391 : i32
      %dma_wait3A_393 = arith.constant 0 : i32
      %dma_wait3A_394 = arith.constant 1 : i32
      %dma_wait3A_395 = arith.constant 0 : i32
      %dma_wait3A_396 = arith.constant 1 : i32
      %dma_wait3A_397 = arith.constant 0 : i32
      %dma_wait3A_398 = arith.constant 0 : i32
      %dma_wait3A_399 = tpu.memref_slice %arg6[%dma_wait3A_394, %dma_wait3A_395, %dma_wait3A_397, %dma_wait3A_398] : memref<4x4x50x64xf32, #tpu.memory_space<vmem>> -> memref<1x1x50x64xf32, #tpu.memory_space<vmem>>
      %dma_wait3A_400 = tpu.memref_squeeze %dma_wait3A_399 : memref<1x1x50x64xf32, #tpu.memory_space<vmem>> -> memref<50x64xf32, #tpu.memory_space<vmem>>
      %dma_wait3A_401 = arith.constant 0 : i32
      %dma_wait3A_402 = tpu.memref_slice %arg5[%dma_wait3A_393, %dma_wait3A_401] : memref<512x50xi32, #tpu.memory_space<vmem>> -> memref<1x50xi32, #tpu.memory_space<vmem>>
      %dma_wait3A_403 = tpu.memref_squeeze %dma_wait3A_402 : memref<1x50xi32, #tpu.memory_space<vmem>> -> memref<50xi32, #tpu.memory_space<vmem>>
      %dma_wait3A_404 = arith.constant 0 : i32
      %dma_wait3A_405 = arith.constant 0 : i32
      %dma_wait3A_406 = tpu.memref_slice %arg3[%dma_wait3A_404, %dma_wait3A_405] : memref<1000000x64xf32, #tpu.memory_space<hbm>> -> memref<1000000x64xf32, #tpu.memory_space<hbm>>
      %dma_wait3A_407 = tpu.memref_slice %arg7[%dma_wait3A_396] : memref<4x!tpu.dma_semaphore, #tpu.memory_space<semaphore_mem>> -> memref<1x!tpu.dma_semaphore, #tpu.memory_space<semaphore_mem>>
      %dma_wait3A_408 = tpu.memref_squeeze %dma_wait3A_407 : memref<1x!tpu.dma_semaphore, #tpu.memory_space<semaphore_mem>> -> memref<!tpu.dma_semaphore, #tpu.memory_space<semaphore_mem>>
      tpu.wait_indirect_dma semaphore(%dma_wait3A_408 : memref<!tpu.dma_semaphore, #tpu.memory_space<semaphore_mem>>) src(%dma_wait3A_406 : memref<1000000x64xf32, #tpu.memory_space<hbm>>) dst(%dma_wait3A_400 : memref<50x64xf32, #tpu.memory_space<vmem>>)
      %dma_wait3A_409 = arith.constant 1 : i32
      %dma_wait3A_410 = arith.constant 1 : i32
      %dma_wait3A_411 = arith.constant 1 : i32
      %dma_wait3A_412 = arith.constant 1 : i32
      %dma_wait3A_413 = arith.constant 0 : i32
      %dma_wait3A_414 = arith.constant 0 : i32
      %dma_wait3A_415 = tpu.memref_slice %arg6[%dma_wait3A_410, %dma_wait3A_411, %dma_wait3A_413, %dma_wait3A_414] : memref<4x4x50x64xf32, #tpu.memory_space<vmem>> -> memref<1x1x50x64xf32, #tpu.memory_space<vmem>>
      %dma_wait3A_416 = tpu.memref_squeeze %dma_wait3A_415 : memref<1x1x50x64xf32, #tpu.memory_space<vmem>> -> memref<50x64xf32, #tpu.memory_space<vmem>>
      %dma_wait3A_417 = arith.constant 0 : i32
      %dma_wait3A_418 = tpu.memref_slice %arg5[%dma_wait3A_409, %dma_wait3A_417] : memref<512x50xi32, #tpu.memory_space<vmem>> -> memref<1x50xi32, #tpu.memory_space<vmem>>
      %dma_wait3A_419 = tpu.memref_squeeze %dma_wait3A_418 : memref<1x50xi32, #tpu.memory_space<vmem>> -> memref<50xi32, #tpu.memory_space<vmem>>
      %dma_wait3A_420 = arith.constant 0 : i32
      %dma_wait3A_421 = arith.constant 0 : i32
      %dma_wait3A_422 = tpu.memref_slice %arg3[%dma_wait3A_420, %dma_wait3A_421] : memref<1000000x64xf32, #tpu.memory_space<hbm>> -> memref<1000000x64xf32, #tpu.memory_space<hbm>>
      %dma_wait3A_423 = tpu.memref_slice %arg7[%dma_wait3A_412] : memref<4x!tpu.dma_semaphore, #tpu.memory_space<semaphore_mem>> -> memref<1x!tpu.dma_semaphore, #tpu.memory_space<semaphore_mem>>
      %dma_wait3A_424 = tpu.memref_squeeze %dma_wait3A_423 : memref<1x!tpu.dma_semaphore, #tpu.memory_space<semaphore_mem>> -> memref<!tpu.dma_semaphore, #tpu.memory_space<semaphore_mem>>
      tpu.wait_indirect_dma semaphore(%dma_wait3A_424 : memref<!tpu.dma_semaphore, #tpu.memory_space<semaphore_mem>>) src(%dma_wait3A_422 : memref<1000000x64xf32, #tpu.memory_space<hbm>>) dst(%dma_wait3A_416 : memref<50x64xf32, #tpu.memory_space<vmem>>)
      %dma_wait3A_425 = arith.constant 2 : i32
      %dma_wait3A_426 = arith.constant 1 : i32
      %dma_wait3A_427 = arith.constant 2 : i32
      %dma_wait3A_428 = arith.constant 1 : i32
      %dma_wait3A_429 = arith.constant 0 : i32
      %dma_wait3A_430 = arith.constant 0 : i32
      %dma_wait3A_431 = tpu.memref_slice %arg6[%dma_wait3A_426, %dma_wait3A_427, %dma_wait3A_429, %dma_wait3A_430] : memref<4x4x50x64xf32, #tpu.memory_space<vmem>> -> memref<1x1x50x64xf32, #tpu.memory_space<vmem>>
      %dma_wait3A_432 = tpu.memref_squeeze %dma_wait3A_431 : memref<1x1x50x64xf32, #tpu.memory_space<vmem>> -> memref<50x64xf32, #tpu.memory_space<vmem>>
      %dma_wait3A_433 = arith.constant 0 : i32
      %dma_wait3A_434 = tpu.memref_slice %arg5[%dma_wait3A_425, %dma_wait3A_433] : memref<512x50xi32, #tpu.memory_space<vmem>> -> memref<1x50xi32, #tpu.memory_space<vmem>>
      %dma_wait3A_435 = tpu.memref_squeeze %dma_wait3A_434 : memref<1x50xi32, #tpu.memory_space<vmem>> -> memref<50xi32, #tpu.memory_space<vmem>>
      %dma_wait3A_436 = arith.constant 0 : i32
      %dma_wait3A_437 = arith.constant 0 : i32
      %dma_wait3A_438 = tpu.memref_slice %arg3[%dma_wait3A_436, %dma_wait3A_437] : memref<1000000x64xf32, #tpu.memory_space<hbm>> -> memref<1000000x64xf32, #tpu.memory_space<hbm>>
      %dma_wait3A_439 = tpu.memref_slice %arg7[%dma_wait3A_428] : memref<4x!tpu.dma_semaphore, #tpu.memory_space<semaphore_mem>> -> memref<1x!tpu.dma_semaphore, #tpu.memory_space<semaphore_mem>>
      %dma_wait3A_440 = tpu.memref_squeeze %dma_wait3A_439 : memref<1x!tpu.dma_semaphore, #tpu.memory_space<semaphore_mem>> -> memref<!tpu.dma_semaphore, #tpu.memory_space<semaphore_mem>>
      tpu.wait_indirect_dma semaphore(%dma_wait3A_440 : memref<!tpu.dma_semaphore, #tpu.memory_space<semaphore_mem>>) src(%dma_wait3A_438 : memref<1000000x64xf32, #tpu.memory_space<hbm>>) dst(%dma_wait3A_432 : memref<50x64xf32, #tpu.memory_space<vmem>>)
      %dma_wait3A_441 = arith.constant 3 : i32
      %dma_wait3A_442 = arith.constant 1 : i32
      %dma_wait3A_443 = arith.constant 3 : i32
      %dma_wait3A_444 = arith.constant 1 : i32
      %dma_wait3A_445 = arith.constant 0 : i32
      %dma_wait3A_446 = arith.constant 0 : i32
      %dma_wait3A_447 = tpu.memref_slice %arg6[%dma_wait3A_442, %dma_wait3A_443, %dma_wait3A_445, %dma_wait3A_446] : memref<4x4x50x64xf32, #tpu.memory_space<vmem>> -> memref<1x1x50x64xf32, #tpu.memory_space<vmem>>
      %dma_wait3A_448 = tpu.memref_squeeze %dma_wait3A_447 : memref<1x1x50x64xf32, #tpu.memory_space<vmem>> -> memref<50x64xf32, #tpu.memory_space<vmem>>
      %dma_wait3A_449 = arith.constant 0 : i32
      %dma_wait3A_450 = tpu.memref_slice %arg5[%dma_wait3A_441, %dma_wait3A_449] : memref<512x50xi32, #tpu.memory_space<vmem>> -> memref<1x50xi32, #tpu.memory_space<vmem>>
      %dma_wait3A_451 = tpu.memref_squeeze %dma_wait3A_450 : memref<1x50xi32, #tpu.memory_space<vmem>> -> memref<50xi32, #tpu.memory_space<vmem>>
      %dma_wait3A_452 = arith.constant 0 : i32
      %dma_wait3A_453 = arith.constant 0 : i32
      %dma_wait3A_454 = tpu.memref_slice %arg3[%dma_wait3A_452, %dma_wait3A_453] : memref<1000000x64xf32, #tpu.memory_space<hbm>> -> memref<1000000x64xf32, #tpu.memory_space<hbm>>
      %dma_wait3A_455 = tpu.memref_slice %arg7[%dma_wait3A_444] : memref<4x!tpu.dma_semaphore, #tpu.memory_space<semaphore_mem>> -> memref<1x!tpu.dma_semaphore, #tpu.memory_space<semaphore_mem>>
      %dma_wait3A_456 = tpu.memref_squeeze %dma_wait3A_455 : memref<1x!tpu.dma_semaphore, #tpu.memory_space<semaphore_mem>> -> memref<!tpu.dma_semaphore, #tpu.memory_space<semaphore_mem>>
      tpu.wait_indirect_dma semaphore(%dma_wait3A_456 : memref<!tpu.dma_semaphore, #tpu.memory_space<semaphore_mem>>) src(%dma_wait3A_454 : memref<1000000x64xf32, #tpu.memory_space<hbm>>) dst(%dma_wait3A_448 : memref<50x64xf32, #tpu.memory_space<vmem>>)
      %scan3A_457 = arith.constant 0 : i32
      %scan3A_458 = arith.constant 0 : i32
      %scan3A_459 = arith.constant 50 : i32
      %scan3A_460 = arith.addi %scan3A_458, %scan3A_459 : i32
      %scan3A_461 = arith.constant 1 : i32
      scf.for %scan3A_707 = %scan3A_458 to %scan3A_460 step %scan3A_461  : i32 {
        %get3A = arith.constant 1 : i32
        %get3A_708 = arith.constant 0 : i32
        %get3A_709 = arith.index_cast %get3A : i32 to index
        %get3A_710 = arith.index_cast %get3A_708 : i32 to index
        %get3A_711 = arith.index_cast %scan3A_707 : i32 to index
        %get3A_712 = arith.constant 0 : index
        %get3A_713 = tpu.vector_load %arg6[%get3A_709, %get3A_710, %get3A_711, %get3A_712] {strides = array<i32>} : memref<4x4x50x64xf32, #tpu.memory_space<vmem>>, vector<1x1x1x16xf32>,
        %get3A_714 = vector.shape_cast %get3A_713 : vector<1x1x1x16xf32> to vector<16xf32>
        %mul3A_715 = arith.constant 8.000000e+00 : f32
        %mul3A_716 = vector.broadcast %mul3A_715 : f32 to vector<16xf32>
        %mul3A_717 = arith.mulf %get3A_714, %mul3A_716 : vector<16xf32>
        %swap3A = arith.constant 1 : i32
        %swap3A_718 = arith.constant 0 : i32
        %swap3A_719 = arith.index_cast %swap3A : i32 to index
        %swap3A_720 = arith.index_cast %swap3A_718 : i32 to index
        %swap3A_721 = arith.index_cast %scan3A_707 : i32 to index
        %swap3A_722 = arith.constant 0 : index
        %swap3A_723 = tpu.vector_load %arg6[%swap3A_719, %swap3A_720, %swap3A_721, %swap3A_722] {strides = array<i32>} : memref<4x4x50x64xf32, #tpu.memory_space<vmem>>, vector<1x1x1x16xf32>,
        %swap3A_724 = vector.shape_cast %swap3A_723 : vector<1x1x1x16xf32> to vector<16xf32>
        %swap3A_725 = vector.shape_cast %mul3A_717 : vector<16xf32> to vector<1x1x1x16xf32>
        tpu.vector_store %arg6[%swap3A_719, %swap3A_720, %swap3A_721, %swap3A_722], %swap3A_725 {strides = array<i32>} : memref<4x4x50x64xf32, #tpu.memory_space<vmem>>, vector<1x1x1x16xf32>,
        %get3A_726 = arith.constant 1 : i32
        %get3A_727 = arith.constant 0 : i32
        %get3A_728 = arith.index_cast %get3A_726 : i32 to index
        %get3A_729 = arith.index_cast %get3A_727 : i32 to index
        %get3A_730 = arith.index_cast %scan3A_707 : i32 to index
        %get3A_731 = arith.constant 16 : index
        %get3A_732 = tpu.vector_load %arg6[%get3A_728, %get3A_729, %get3A_730, %get3A_731] {strides = array<i32>} : memref<4x4x50x64xf32, #tpu.memory_space<vmem>>, vector<1x1x1x16xf32>,
        %get3A_733 = vector.shape_cast %get3A_732 : vector<1x1x1x16xf32> to vector<16xf32>
        %mul3A_734 = arith.constant 8.000000e+00 : f32
        %mul3A_735 = vector.broadcast %mul3A_734 : f32 to vector<16xf32>
        %mul3A_736 = arith.mulf %get3A_733, %mul3A_735 : vector<16xf32>
        %swap3A_737 = arith.constant 1 : i32
        %swap3A_738 = arith.constant 0 : i32
        %swap3A_739 = arith.index_cast %swap3A_737 : i32 to index
        %swap3A_740 = arith.index_cast %swap3A_738 : i32 to index
        %swap3A_741 = arith.index_cast %scan3A_707 : i32 to index
        %swap3A_742 = arith.constant 16 : index
        %swap3A_743 = tpu.vector_load %arg6[%swap3A_739, %swap3A_740, %swap3A_741, %swap3A_742] {strides = array<i32>} : memref<4x4x50x64xf32, #tpu.memory_space<vmem>>, vector<1x1x1x16xf32>,
        %swap3A_744 = vector.shape_cast %swap3A_743 : vector<1x1x1x16xf32> to vector<16xf32>
        %swap3A_745 = vector.shape_cast %mul3A_736 : vector<16xf32> to vector<1x1x1x16xf32>
        tpu.vector_store %arg6[%swap3A_739, %swap3A_740, %swap3A_741, %swap3A_742], %swap3A_745 {strides = array<i32>} : memref<4x4x50x64xf32, #tpu.memory_space<vmem>>, vector<1x1x1x16xf32>,
        %get3A_746 = arith.constant 1 : i32
        %get3A_747 = arith.constant 0 : i32
        %get3A_748 = arith.index_cast %get3A_746 : i32 to index
        %get3A_749 = arith.index_cast %get3A_747 : i32 to index
        %get3A_750 = arith.index_cast %scan3A_707 : i32 to index
        %get3A_751 = arith.constant 32 : index
        %get3A_752 = tpu.vector_load %arg6[%get3A_748, %get3A_749, %get3A_750, %get3A_751] {strides = array<i32>} : memref<4x4x50x64xf32, #tpu.memory_space<vmem>>, vector<1x1x1x16xf32>,
        %get3A_753 = vector.shape_cast %get3A_752 : vector<1x1x1x16xf32> to vector<16xf32>
        %mul3A_754 = arith.constant 8.000000e+00 : f32
        %mul3A_755 = vector.broadcast %mul3A_754 : f32 to vector<16xf32>
        %mul3A_756 = arith.mulf %get3A_753, %mul3A_755 : vector<16xf32>
        %swap3A_757 = arith.constant 1 : i32
        %swap3A_758 = arith.constant 0 : i32
        %swap3A_759 = arith.index_cast %swap3A_757 : i32 to index
        %swap3A_760 = arith.index_cast %swap3A_758 : i32 to index
        %swap3A_761 = arith.index_cast %scan3A_707 : i32 to index
        %swap3A_762 = arith.constant 32 : index
        %swap3A_763 = tpu.vector_load %arg6[%swap3A_759, %swap3A_760, %swap3A_761, %swap3A_762] {strides = array<i32>} : memref<4x4x50x64xf32, #tpu.memory_space<vmem>>, vector<1x1x1x16xf32>,
        %swap3A_764 = vector.shape_cast %swap3A_763 : vector<1x1x1x16xf32> to vector<16xf32>
        %swap3A_765 = vector.shape_cast %mul3A_756 : vector<16xf32> to vector<1x1x1x16xf32>
        tpu.vector_store %arg6[%swap3A_759, %swap3A_760, %swap3A_761, %swap3A_762], %swap3A_765 {strides = array<i32>} : memref<4x4x50x64xf32, #tpu.memory_space<vmem>>, vector<1x1x1x16xf32>,
        %get3A_766 = arith.constant 1 : i32
        %get3A_767 = arith.constant 0 : i32
        %get3A_768 = arith.index_cast %get3A_766 : i32 to index
        %get3A_769 = arith.index_cast %get3A_767 : i32 to index
        %get3A_770 = arith.index_cast %scan3A_707 : i32 to index
        %get3A_771 = arith.constant 48 : index
        %get3A_772 = tpu.vector_load %arg6[%get3A_768, %get3A_769, %get3A_770, %get3A_771] {strides = array<i32>} : memref<4x4x50x64xf32, #tpu.memory_space<vmem>>, vector<1x1x1x16xf32>,
        %get3A_773 = vector.shape_cast %get3A_772 : vector<1x1x1x16xf32> to vector<16xf32>
        %mul3A_774 = arith.constant 8.000000e+00 : f32
        %mul3A_775 = vector.broadcast %mul3A_774 : f32 to vector<16xf32>
        %mul3A_776 = arith.mulf %get3A_773, %mul3A_775 : vector<16xf32>
        %swap3A_777 = arith.constant 1 : i32
        %swap3A_778 = arith.constant 0 : i32
        %swap3A_779 = arith.index_cast %swap3A_777 : i32 to index
        %swap3A_780 = arith.index_cast %swap3A_778 : i32 to index
        %swap3A_781 = arith.index_cast %scan3A_707 : i32 to index
        %swap3A_782 = arith.constant 48 : index
        %swap3A_783 = tpu.vector_load %arg6[%swap3A_779, %swap3A_780, %swap3A_781, %swap3A_782] {strides = array<i32>} : memref<4x4x50x64xf32, #tpu.memory_space<vmem>>, vector<1x1x1x16xf32>,
        %swap3A_784 = vector.shape_cast %swap3A_783 : vector<1x1x1x16xf32> to vector<16xf32>
        %swap3A_785 = vector.shape_cast %mul3A_776 : vector<16xf32> to vector<1x1x1x16xf32>
        tpu.vector_store %arg6[%swap3A_779, %swap3A_780, %swap3A_781, %swap3A_782], %swap3A_785 {strides = array<i32>} : memref<4x4x50x64xf32, #tpu.memory_space<vmem>>, vector<1x1x1x16xf32>,
        %get3A_786 = arith.constant 1 : i32
        %get3A_787 = arith.constant 1 : i32
        %get3A_788 = arith.index_cast %get3A_786 : i32 to index
        %get3A_789 = arith.index_cast %get3A_787 : i32 to index
        %get3A_790 = arith.index_cast %scan3A_707 : i32 to index
        %get3A_791 = arith.constant 0 : index
        %get3A_792 = tpu.vector_load %arg6[%get3A_788, %get3A_789, %get3A_790, %get3A_791] {strides = array<i32>} : memref<4x4x50x64xf32, #tpu.memory_space<vmem>>, vector<1x1x1x16xf32>,
        %get3A_793 = vector.shape_cast %get3A_792 : vector<1x1x1x16xf32> to vector<16xf32>
        %mul3A_794 = arith.constant 8.000000e+00 : f32
        %mul3A_795 = vector.broadcast %mul3A_794 : f32 to vector<16xf32>
        %mul3A_796 = arith.mulf %get3A_793, %mul3A_795 : vector<16xf32>
        %swap3A_797 = arith.constant 1 : i32
        %swap3A_798 = arith.constant 1 : i32
        %swap3A_799 = arith.index_cast %swap3A_797 : i32 to index
        %swap3A_800 = arith.index_cast %swap3A_798 : i32 to index
        %swap3A_801 = arith.index_cast %scan3A_707 : i32 to index
        %swap3A_802 = arith.constant 0 : index
        %swap3A_803 = tpu.vector_load %arg6[%swap3A_799, %swap3A_800, %swap3A_801, %swap3A_802] {strides = array<i32>} : memref<4x4x50x64xf32, #tpu.memory_space<vmem>>, vector<1x1x1x16xf32>,
        %swap3A_804 = vector.shape_cast %swap3A_803 : vector<1x1x1x16xf32> to vector<16xf32>
        %swap3A_805 = vector.shape_cast %mul3A_796 : vector<16xf32> to vector<1x1x1x16xf32>
        tpu.vector_store %arg6[%swap3A_799, %swap3A_800, %swap3A_801, %swap3A_802], %swap3A_805 {strides = array<i32>} : memref<4x4x50x64xf32, #tpu.memory_space<vmem>>, vector<1x1x1x16xf32>,
        %get3A_806 = arith.constant 1 : i32
        %get3A_807 = arith.constant 1 : i32
        %get3A_808 = arith.index_cast %get3A_806 : i32 to index
        %get3A_809 = arith.index_cast %get3A_807 : i32 to index
        %get3A_810 = arith.index_cast %scan3A_707 : i32 to index
        %get3A_811 = arith.constant 16 : index
        %get3A_812 = tpu.vector_load %arg6[%get3A_808, %get3A_809, %get3A_810, %get3A_811] {strides = array<i32>} : memref<4x4x50x64xf32, #tpu.memory_space<vmem>>, vector<1x1x1x16xf32>,
        %get3A_813 = vector.shape_cast %get3A_812 : vector<1x1x1x16xf32> to vector<16xf32>
        %mul3A_814 = arith.constant 8.000000e+00 : f32
        %mul3A_815 = vector.broadcast %mul3A_814 : f32 to vector<16xf32>
        %mul3A_816 = arith.mulf %get3A_813, %mul3A_815 : vector<16xf32>
        %swap3A_817 = arith.constant 1 : i32
        %swap3A_818 = arith.constant 1 : i32
        %swap3A_819 = arith.index_cast %swap3A_817 : i32 to index
        %swap3A_820 = arith.index_cast %swap3A_818 : i32 to index
        %swap3A_821 = arith.index_cast %scan3A_707 : i32 to index
        %swap3A_822 = arith.constant 16 : index
        %swap3A_823 = tpu.vector_load %arg6[%swap3A_819, %swap3A_820, %swap3A_821, %swap3A_822] {strides = array<i32>} : memref<4x4x50x64xf32, #tpu.memory_space<vmem>>, vector<1x1x1x16xf32>,
        %swap3A_824 = vector.shape_cast %swap3A_823 : vector<1x1x1x16xf32> to vector<16xf32>
        %swap3A_825 = vector.shape_cast %mul3A_816 : vector<16xf32> to vector<1x1x1x16xf32>
        tpu.vector_store %arg6[%swap3A_819, %swap3A_820, %swap3A_821, %swap3A_822], %swap3A_825 {strides = array<i32>} : memref<4x4x50x64xf32, #tpu.memory_space<vmem>>, vector<1x1x1x16xf32>,
        %get3A_826 = arith.constant 1 : i32
        %get3A_827 = arith.constant 1 : i32
        %get3A_828 = arith.index_cast %get3A_826 : i32 to index
        %get3A_829 = arith.index_cast %get3A_827 : i32 to index
        %get3A_830 = arith.index_cast %scan3A_707 : i32 to index
        %get3A_831 = arith.constant 32 : index
        %get3A_832 = tpu.vector_load %arg6[%get3A_828, %get3A_829, %get3A_830, %get3A_831] {strides = array<i32>} : memref<4x4x50x64xf32, #tpu.memory_space<vmem>>, vector<1x1x1x16xf32>,
        %get3A_833 = vector.shape_cast %get3A_832 : vector<1x1x1x16xf32> to vector<16xf32>
        %mul3A_834 = arith.constant 8.000000e+00 : f32
        %mul3A_835 = vector.broadcast %mul3A_834 : f32 to vector<16xf32>
        %mul3A_836 = arith.mulf %get3A_833, %mul3A_835 : vector<16xf32>
        %swap3A_837 = arith.constant 1 : i32
        %swap3A_838 = arith.constant 1 : i32
        %swap3A_839 = arith.index_cast %swap3A_837 : i32 to index
        %swap3A_840 = arith.index_cast %swap3A_838 : i32 to index
        %swap3A_841 = arith.index_cast %scan3A_707 : i32 to index
        %swap3A_842 = arith.constant 32 : index
        %swap3A_843 = tpu.vector_load %arg6[%swap3A_839, %swap3A_840, %swap3A_841, %swap3A_842] {strides = array<i32>} : memref<4x4x50x64xf32, #tpu.memory_space<vmem>>, vector<1x1x1x16xf32>,
        %swap3A_844 = vector.shape_cast %swap3A_843 : vector<1x1x1x16xf32> to vector<16xf32>
        %swap3A_845 = vector.shape_cast %mul3A_836 : vector<16xf32> to vector<1x1x1x16xf32>
        tpu.vector_store %arg6[%swap3A_839, %swap3A_840, %swap3A_841, %swap3A_842], %swap3A_845 {strides = array<i32>} : memref<4x4x50x64xf32, #tpu.memory_space<vmem>>, vector<1x1x1x16xf32>,
        %get3A_846 = arith.constant 1 : i32
        %get3A_847 = arith.constant 1 : i32
        %get3A_848 = arith.index_cast %get3A_846 : i32 to index
        %get3A_849 = arith.index_cast %get3A_847 : i32 to index
        %get3A_850 = arith.index_cast %scan3A_707 : i32 to index
        %get3A_851 = arith.constant 48 : index
        %get3A_852 = tpu.vector_load %arg6[%get3A_848, %get3A_849, %get3A_850, %get3A_851] {strides = array<i32>} : memref<4x4x50x64xf32, #tpu.memory_space<vmem>>, vector<1x1x1x16xf32>,
        %get3A_853 = vector.shape_cast %get3A_852 : vector<1x1x1x16xf32> to vector<16xf32>
        %mul3A_854 = arith.constant 8.000000e+00 : f32
        %mul3A_855 = vector.broadcast %mul3A_854 : f32 to vector<16xf32>
        %mul3A_856 = arith.mulf %get3A_853, %mul3A_855 : vector<16xf32>
        %swap3A_857 = arith.constant 1 : i32
        %swap3A_858 = arith.constant 1 : i32
        %swap3A_859 = arith.index_cast %swap3A_857 : i32 to index
        %swap3A_860 = arith.index_cast %swap3A_858 : i32 to index
        %swap3A_861 = arith.index_cast %scan3A_707 : i32 to index
        %swap3A_862 = arith.constant 48 : index
        %swap3A_863 = tpu.vector_load %arg6[%swap3A_859, %swap3A_860, %swap3A_861, %swap3A_862] {strides = array<i32>} : memref<4x4x50x64xf32, #tpu.memory_space<vmem>>, vector<1x1x1x16xf32>,
        %swap3A_864 = vector.shape_cast %swap3A_863 : vector<1x1x1x16xf32> to vector<16xf32>
        %swap3A_865 = vector.shape_cast %mul3A_856 : vector<16xf32> to vector<1x1x1x16xf32>
        tpu.vector_store %arg6[%swap3A_859, %swap3A_860, %swap3A_861, %swap3A_862], %swap3A_865 {strides = array<i32>} : memref<4x4x50x64xf32, #tpu.memory_space<vmem>>, vector<1x1x1x16xf32>,
        %get3A_866 = arith.constant 1 : i32
        %get3A_867 = arith.constant 2 : i32
        %get3A_868 = arith.index_cast %get3A_866 : i32 to index
        %get3A_869 = arith.index_cast %get3A_867 : i32 to index
        %get3A_870 = arith.index_cast %scan3A_707 : i32 to index
        %get3A_871 = arith.constant 0 : index
        %get3A_872 = tpu.vector_load %arg6[%get3A_868, %get3A_869, %get3A_870, %get3A_871] {strides = array<i32>} : memref<4x4x50x64xf32, #tpu.memory_space<vmem>>, vector<1x1x1x16xf32>,
        %get3A_873 = vector.shape_cast %get3A_872 : vector<1x1x1x16xf32> to vector<16xf32>
        %mul3A_874 = arith.constant 8.000000e+00 : f32
        %mul3A_875 = vector.broadcast %mul3A_874 : f32 to vector<16xf32>
        %mul3A_876 = arith.mulf %get3A_873, %mul3A_875 : vector<16xf32>
        %swap3A_877 = arith.constant 1 : i32
        %swap3A_878 = arith.constant 2 : i32
        %swap3A_879 = arith.index_cast %swap3A_877 : i32 to index
        %swap3A_880 = arith.index_cast %swap3A_878 : i32 to index
        %swap3A_881 = arith.index_cast %scan3A_707 : i32 to index
        %swap3A_882 = arith.constant 0 : index
        %swap3A_883 = tpu.vector_load %arg6[%swap3A_879, %swap3A_880, %swap3A_881, %swap3A_882] {strides = array<i32>} : memref<4x4x50x64xf32, #tpu.memory_space<vmem>>, vector<1x1x1x16xf32>,
        %swap3A_884 = vector.shape_cast %swap3A_883 : vector<1x1x1x16xf32> to vector<16xf32>
        %swap3A_885 = vector.shape_cast %mul3A_876 : vector<16xf32> to vector<1x1x1x16xf32>
        tpu.vector_store %arg6[%swap3A_879, %swap3A_880, %swap3A_881, %swap3A_882], %swap3A_885 {strides = array<i32>} : memref<4x4x50x64xf32, #tpu.memory_space<vmem>>, vector<1x1x1x16xf32>,
        %get3A_886 = arith.constant 1 : i32
        %get3A_887 = arith.constant 2 : i32
        %get3A_888 = arith.index_cast %get3A_886 : i32 to index
        %get3A_889 = arith.index_cast %get3A_887 : i32 to index
        %get3A_890 = arith.index_cast %scan3A_707 : i32 to index
        %get3A_891 = arith.constant 16 : index
        %get3A_892 = tpu.vector_load %arg6[%get3A_888, %get3A_889, %get3A_890, %get3A_891] {strides = array<i32>} : memref<4x4x50x64xf32, #tpu.memory_space<vmem>>, vector<1x1x1x16xf32>,
        %get3A_893 = vector.shape_cast %get3A_892 : vector<1x1x1x16xf32> to vector<16xf32>
        %mul3A_894 = arith.constant 8.000000e+00 : f32
        %mul3A_895 = vector.broadcast %mul3A_894 : f32 to vector<16xf32>
        %mul3A_896 = arith.mulf %get3A_893, %mul3A_895 : vector<16xf32>
        %swap3A_897 = arith.constant 1 : i32
        %swap3A_898 = arith.constant 2 : i32
        %swap3A_899 = arith.index_cast %swap3A_897 : i32 to index
        %swap3A_900 = arith.index_cast %swap3A_898 : i32 to index
        %swap3A_901 = arith.index_cast %scan3A_707 : i32 to index
        %swap3A_902 = arith.constant 16 : index
        %swap3A_903 = tpu.vector_load %arg6[%swap3A_899, %swap3A_900, %swap3A_901, %swap3A_902] {strides = array<i32>} : memref<4x4x50x64xf32, #tpu.memory_space<vmem>>, vector<1x1x1x16xf32>,
        %swap3A_904 = vector.shape_cast %swap3A_903 : vector<1x1x1x16xf32> to vector<16xf32>
        %swap3A_905 = vector.shape_cast %mul3A_896 : vector<16xf32> to vector<1x1x1x16xf32>
        tpu.vector_store %arg6[%swap3A_899, %swap3A_900, %swap3A_901, %swap3A_902], %swap3A_905 {strides = array<i32>} : memref<4x4x50x64xf32, #tpu.memory_space<vmem>>, vector<1x1x1x16xf32>,
        %get3A_906 = arith.constant 1 : i32
        %get3A_907 = arith.constant 2 : i32
        %get3A_908 = arith.index_cast %get3A_906 : i32 to index
        %get3A_909 = arith.index_cast %get3A_907 : i32 to index
        %get3A_910 = arith.index_cast %scan3A_707 : i32 to index
        %get3A_911 = arith.constant 32 : index
        %get3A_912 = tpu.vector_load %arg6[%get3A_908, %get3A_909, %get3A_910, %get3A_911] {strides = array<i32>} : memref<4x4x50x64xf32, #tpu.memory_space<vmem>>, vector<1x1x1x16xf32>,
        %get3A_913 = vector.shape_cast %get3A_912 : vector<1x1x1x16xf32> to vector<16xf32>
        %mul3A_914 = arith.constant 8.000000e+00 : f32
        %mul3A_915 = vector.broadcast %mul3A_914 : f32 to vector<16xf32>
        %mul3A_916 = arith.mulf %get3A_913, %mul3A_915 : vector<16xf32>
        %swap3A_917 = arith.constant 1 : i32
        %swap3A_918 = arith.constant 2 : i32
        %swap3A_919 = arith.index_cast %swap3A_917 : i32 to index
        %swap3A_920 = arith.index_cast %swap3A_918 : i32 to index
        %swap3A_921 = arith.index_cast %scan3A_707 : i32 to index
        %swap3A_922 = arith.constant 32 : index
        %swap3A_923 = tpu.vector_load %arg6[%swap3A_919, %swap3A_920, %swap3A_921, %swap3A_922] {strides = array<i32>} : memref<4x4x50x64xf32, #tpu.memory_space<vmem>>, vector<1x1x1x16xf32>,
        %swap3A_924 = vector.shape_cast %swap3A_923 : vector<1x1x1x16xf32> to vector<16xf32>
        %swap3A_925 = vector.shape_cast %mul3A_916 : vector<16xf32> to vector<1x1x1x16xf32>
        tpu.vector_store %arg6[%swap3A_919, %swap3A_920, %swap3A_921, %swap3A_922], %swap3A_925 {strides = array<i32>} : memref<4x4x50x64xf32, #tpu.memory_space<vmem>>, vector<1x1x1x16xf32>,
        %get3A_926 = arith.constant 1 : i32
        %get3A_927 = arith.constant 2 : i32
        %get3A_928 = arith.index_cast %get3A_926 : i32 to index
        %get3A_929 = arith.index_cast %get3A_927 : i32 to index
        %get3A_930 = arith.index_cast %scan3A_707 : i32 to index
        %get3A_931 = arith.constant 48 : index
        %get3A_932 = tpu.vector_load %arg6[%get3A_928, %get3A_929, %get3A_930, %get3A_931] {strides = array<i32>} : memref<4x4x50x64xf32, #tpu.memory_space<vmem>>, vector<1x1x1x16xf32>,
        %get3A_933 = vector.shape_cast %get3A_932 : vector<1x1x1x16xf32> to vector<16xf32>
        %mul3A_934 = arith.constant 8.000000e+00 : f32
        %mul3A_935 = vector.broadcast %mul3A_934 : f32 to vector<16xf32>
        %mul3A_936 = arith.mulf %get3A_933, %mul3A_935 : vector<16xf32>
        %swap3A_937 = arith.constant 1 : i32
        %swap3A_938 = arith.constant 2 : i32
        %swap3A_939 = arith.index_cast %swap3A_937 : i32 to index
        %swap3A_940 = arith.index_cast %swap3A_938 : i32 to index
        %swap3A_941 = arith.index_cast %scan3A_707 : i32 to index
        %swap3A_942 = arith.constant 48 : index
        %swap3A_943 = tpu.vector_load %arg6[%swap3A_939, %swap3A_940, %swap3A_941, %swap3A_942] {strides = array<i32>} : memref<4x4x50x64xf32, #tpu.memory_space<vmem>>, vector<1x1x1x16xf32>,
        %swap3A_944 = vector.shape_cast %swap3A_943 : vector<1x1x1x16xf32> to vector<16xf32>
        %swap3A_945 = vector.shape_cast %mul3A_936 : vector<16xf32> to vector<1x1x1x16xf32>
        tpu.vector_store %arg6[%swap3A_939, %swap3A_940, %swap3A_941, %swap3A_942], %swap3A_945 {strides = array<i32>} : memref<4x4x50x64xf32, #tpu.memory_space<vmem>>, vector<1x1x1x16xf32>,
        %get3A_946 = arith.constant 1 : i32
        %get3A_947 = arith.constant 3 : i32
        %get3A_948 = arith.index_cast %get3A_946 : i32 to index
        %get3A_949 = arith.index_cast %get3A_947 : i32 to index
        %get3A_950 = arith.index_cast %scan3A_707 : i32 to index
        %get3A_951 = arith.constant 0 : index
        %get3A_952 = tpu.vector_load %arg6[%get3A_948, %get3A_949, %get3A_950, %get3A_951] {strides = array<i32>} : memref<4x4x50x64xf32, #tpu.memory_space<vmem>>, vector<1x1x1x16xf32>,
        %get3A_953 = vector.shape_cast %get3A_952 : vector<1x1x1x16xf32> to vector<16xf32>
        %mul3A_954 = arith.constant 8.000000e+00 : f32
        %mul3A_955 = vector.broadcast %mul3A_954 : f32 to vector<16xf32>
        %mul3A_956 = arith.mulf %get3A_953, %mul3A_955 : vector<16xf32>
        %swap3A_957 = arith.constant 1 : i32
        %swap3A_958 = arith.constant 3 : i32
        %swap3A_959 = arith.index_cast %swap3A_957 : i32 to index
        %swap3A_960 = arith.index_cast %swap3A_958 : i32 to index
        %swap3A_961 = arith.index_cast %scan3A_707 : i32 to index
        %swap3A_962 = arith.constant 0 : index
        %swap3A_963 = tpu.vector_load %arg6[%swap3A_959, %swap3A_960, %swap3A_961, %swap3A_962] {strides = array<i32>} : memref<4x4x50x64xf32, #tpu.memory_space<vmem>>, vector<1x1x1x16xf32>,
        %swap3A_964 = vector.shape_cast %swap3A_963 : vector<1x1x1x16xf32> to vector<16xf32>
        %swap3A_965 = vector.shape_cast %mul3A_956 : vector<16xf32> to vector<1x1x1x16xf32>
        tpu.vector_store %arg6[%swap3A_959, %swap3A_960, %swap3A_961, %swap3A_962], %swap3A_965 {strides = array<i32>} : memref<4x4x50x64xf32, #tpu.memory_space<vmem>>, vector<1x1x1x16xf32>,
        %get3A_966 = arith.constant 1 : i32
        %get3A_967 = arith.constant 3 : i32
        %get3A_968 = arith.index_cast %get3A_966 : i32 to index
        %get3A_969 = arith.index_cast %get3A_967 : i32 to index
        %get3A_970 = arith.index_cast %scan3A_707 : i32 to index
        %get3A_971 = arith.constant 16 : index
        %get3A_972 = tpu.vector_load %arg6[%get3A_968, %get3A_969, %get3A_970, %get3A_971] {strides = array<i32>} : memref<4x4x50x64xf32, #tpu.memory_space<vmem>>, vector<1x1x1x16xf32>,
        %get3A_973 = vector.shape_cast %get3A_972 : vector<1x1x1x16xf32> to vector<16xf32>
        %mul3A_974 = arith.constant 8.000000e+00 : f32
        %mul3A_975 = vector.broadcast %mul3A_974 : f32 to vector<16xf32>
        %mul3A_976 = arith.mulf %get3A_973, %mul3A_975 : vector<16xf32>
        %swap3A_977 = arith.constant 1 : i32
        %swap3A_978 = arith.constant 3 : i32
        %swap3A_979 = arith.index_cast %swap3A_977 : i32 to index
        %swap3A_980 = arith.index_cast %swap3A_978 : i32 to index
        %swap3A_981 = arith.index_cast %scan3A_707 : i32 to index
        %swap3A_982 = arith.constant 16 : index
        %swap3A_983 = tpu.vector_load %arg6[%swap3A_979, %swap3A_980, %swap3A_981, %swap3A_982] {strides = array<i32>} : memref<4x4x50x64xf32, #tpu.memory_space<vmem>>, vector<1x1x1x16xf32>,
        %swap3A_984 = vector.shape_cast %swap3A_983 : vector<1x1x1x16xf32> to vector<16xf32>
        %swap3A_985 = vector.shape_cast %mul3A_976 : vector<16xf32> to vector<1x1x1x16xf32>
        tpu.vector_store %arg6[%swap3A_979, %swap3A_980, %swap3A_981, %swap3A_982], %swap3A_985 {strides = array<i32>} : memref<4x4x50x64xf32, #tpu.memory_space<vmem>>, vector<1x1x1x16xf32>,
        %get3A_986 = arith.constant 1 : i32
        %get3A_987 = arith.constant 3 : i32
        %get3A_988 = arith.index_cast %get3A_986 : i32 to index
        %get3A_989 = arith.index_cast %get3A_987 : i32 to index
        %get3A_990 = arith.index_cast %scan3A_707 : i32 to index
        %get3A_991 = arith.constant 32 : index
        %get3A_992 = tpu.vector_load %arg6[%get3A_988, %get3A_989, %get3A_990, %get3A_991] {strides = array<i32>} : memref<4x4x50x64xf32, #tpu.memory_space<vmem>>, vector<1x1x1x16xf32>,
        %get3A_993 = vector.shape_cast %get3A_992 : vector<1x1x1x16xf32> to vector<16xf32>
        %mul3A_994 = arith.constant 8.000000e+00 : f32
        %mul3A_995 = vector.broadcast %mul3A_994 : f32 to vector<16xf32>
        %mul3A_996 = arith.mulf %get3A_993, %mul3A_995 : vector<16xf32>
        %swap3A_997 = arith.constant 1 : i32
        %swap3A_998 = arith.constant 3 : i32
        %swap3A_999 = arith.index_cast %swap3A_997 : i32 to index
        %swap3A_1000 = arith.index_cast %swap3A_998 : i32 to index
        %swap3A_1001 = arith.index_cast %scan3A_707 : i32 to index
        %swap3A_1002 = arith.constant 32 : index
        %swap3A_1003 = tpu.vector_load %arg6[%swap3A_999, %swap3A_1000, %swap3A_1001, %swap3A_1002] {strides = array<i32>} : memref<4x4x50x64xf32, #tpu.memory_space<vmem>>, vector<1x1x1x16xf32>,
        %swap3A_1004 = vector.shape_cast %swap3A_1003 : vector<1x1x1x16xf32> to vector<16xf32>
        %swap3A_1005 = vector.shape_cast %mul3A_996 : vector<16xf32> to vector<1x1x1x16xf32>
        tpu.vector_store %arg6[%swap3A_999, %swap3A_1000, %swap3A_1001, %swap3A_1002], %swap3A_1005 {strides = array<i32>} : memref<4x4x50x64xf32, #tpu.memory_space<vmem>>, vector<1x1x1x16xf32>,
        %get3A_1006 = arith.constant 1 : i32
        %get3A_1007 = arith.constant 3 : i32
        %get3A_1008 = arith.index_cast %get3A_1006 : i32 to index
        %get3A_1009 = arith.index_cast %get3A_1007 : i32 to index
        %get3A_1010 = arith.index_cast %scan3A_707 : i32 to index
        %get3A_1011 = arith.constant 48 : index
        %get3A_1012 = tpu.vector_load %arg6[%get3A_1008, %get3A_1009, %get3A_1010, %get3A_1011] {strides = array<i32>} : memref<4x4x50x64xf32, #tpu.memory_space<vmem>>, vector<1x1x1x16xf32>,
        %get3A_1013 = vector.shape_cast %get3A_1012 : vector<1x1x1x16xf32> to vector<16xf32>
        %mul3A_1014 = arith.constant 8.000000e+00 : f32
        %mul3A_1015 = vector.broadcast %mul3A_1014 : f32 to vector<16xf32>
        %mul3A_1016 = arith.mulf %get3A_1013, %mul3A_1015 : vector<16xf32>
        %swap3A_1017 = arith.constant 1 : i32
        %swap3A_1018 = arith.constant 3 : i32
        %swap3A_1019 = arith.index_cast %swap3A_1017 : i32 to index
        %swap3A_1020 = arith.index_cast %swap3A_1018 : i32 to index
        %swap3A_1021 = arith.index_cast %scan3A_707 : i32 to index
        %swap3A_1022 = arith.constant 48 : index
        %swap3A_1023 = tpu.vector_load %arg6[%swap3A_1019, %swap3A_1020, %swap3A_1021, %swap3A_1022] {strides = array<i32>} : memref<4x4x50x64xf32, #tpu.memory_space<vmem>>, vector<1x1x1x16xf32>,
        %swap3A_1024 = vector.shape_cast %swap3A_1023 : vector<1x1x1x16xf32> to vector<16xf32>
        %swap3A_1025 = vector.shape_cast %mul3A_1016 : vector<16xf32> to vector<1x1x1x16xf32>
        tpu.vector_store %arg6[%swap3A_1019, %swap3A_1020, %swap3A_1021, %swap3A_1022], %swap3A_1025 {strides = array<i32>} : memref<4x4x50x64xf32, #tpu.memory_space<vmem>>, vector<1x1x1x16xf32>,
      }
      %scan3A_462 = arith.constant 50 : i32
      %mul3A_463 = arith.constant 4 : i32
      %mul3A_464 = arith.muli %add3A_392, %mul3A_463 : i32
      %add3A_465 = arith.addi %mul3A_2, %mul3A_464 : i32
      %dma_start3A_466 = arith.constant 1 : i32
      %dma_start3A_467 = arith.constant 1 : i32
      %dma_start3A_468 = arith.constant 0 : i32
      %dma_start3A_469 = arith.constant 0 : i32
      %dma_start3A_470 = arith.constant 0 : i32
      %dma_start3A_471 = tpu.memref_slice %arg6[%dma_start3A_466, %dma_start3A_468, %dma_start3A_469, %dma_start3A_470] : memref<4x4x50x64xf32, #tpu.memory_space<vmem>> -> memref<1x4x50x64xf32, #tpu.memory_space<vmem>>
      %dma_start3A_472 = tpu.memref_squeeze %dma_start3A_471 : memref<1x4x50x64xf32, #tpu.memory_space<vmem>> -> memref<4x50x64xf32, #tpu.memory_space<vmem>>
      %dma_start3A_473 = arith.constant 0 : i32
      %dma_start3A_474 = arith.constant 0 : i32
      %dma_start3A_475 = tpu.memref_slice %arg4[%add3A_465, %dma_start3A_473, %dma_start3A_474] : memref<16384x50x64xf32, #tpu.memory_space<hbm>> -> memref<4x50x64xf32, #tpu.memory_space<hbm>>
      %dma_start3A_476 = tpu.memref_slice %arg8[%dma_start3A_467] : memref<4x!tpu.dma_semaphore, #tpu.memory_space<semaphore_mem>> -> memref<1x!tpu.dma_semaphore, #tpu.memory_space<semaphore_mem>>
      %dma_start3A_477 = tpu.memref_squeeze %dma_start3A_476 : memref<1x!tpu.dma_semaphore, #tpu.memory_space<semaphore_mem>> -> memref<!tpu.dma_semaphore, #tpu.memory_space<semaphore_mem>>
      %dma_start3A_478 = arith.constant 0 : i32
      %dma_start3A_479 = arith.constant 0 : i32
      %dma_start3A_480 = tpu.memref_slice %arg4[%add3A_465, %dma_start3A_478, %dma_start3A_479] : memref<16384x50x64xf32, #tpu.memory_space<hbm>> -> memref<4x50x64xf32, #tpu.memory_space<hbm>>
      %dma_start3A_481 = arith.constant 0 : i32
      %dma_start3A_482 = arith.constant 0 : i32
      %dma_start3A_483 = arith.constant 0 : i32
      %dma_start3A_484 = tpu.memref_slice %arg6[%dma_start3A_466, %dma_start3A_481, %dma_start3A_482, %dma_start3A_483] : memref<4x4x50x64xf32, #tpu.memory_space<vmem>> -> memref<1x4x50x64xf32, #tpu.memory_space<vmem>>
      %dma_start3A_485 = tpu.memref_squeeze %dma_start3A_484 : memref<1x4x50x64xf32, #tpu.memory_space<vmem>> -> memref<4x50x64xf32, #tpu.memory_space<vmem>>
      tpu.enqueue_dma source(%dma_start3A_485 : memref<4x50x64xf32, #tpu.memory_space<vmem>>) target(%dma_start3A_480 : memref<4x50x64xf32, #tpu.memory_space<hbm>>) target_semaphore(%dma_start3A_477 : memref<!tpu.dma_semaphore, #tpu.memory_space<semaphore_mem>>)
      %add3A_486 = arith.constant 4 : i32
      %add3A_487 = arith.addi %add3A_392, %add3A_486 : i32
      %sub3A_488 = arith.constant 1 : i32
      %sub3A_489 = arith.subi %add3A_487, %sub3A_488 : i32
      %lt3A_490 = arith.constant 128 : i32
      %lt3A_491 = arith.cmpi slt, %sub3A_489, %lt3A_490 : i32
      %convert_element_type3A_492 = arith.extui %lt3A_491 : i1 to i32
      %cond3A_493 = arith.constant 0 : i32
      %cond3A_494 = arith.cmpi ne, %convert_element_type3A_492, %cond3A_493 : i32
      scf.if %cond3A_494 {
        %ge3A = arith.constant 1 : i32
        %ge3A_707 = arith.cmpi sge, %add3A_392, %ge3A : i32
        %convert_element_type3A_708 = arith.extui %ge3A_707 : i1 to i32
        %cond3A_709 = arith.constant 0 : i32
        %cond3A_710 = arith.cmpi ne, %convert_element_type3A_708, %cond3A_709 : i32
        scf.if %cond3A_710 {
          %dma_wait3A_791 = arith.constant 0 : i32
          %dma_wait3A_792 = arith.constant 0 : i32
          %dma_wait3A_793 = arith.constant 0 : i32
          %dma_wait3A_794 = arith.constant 0 : i32
          %dma_wait3A_795 = arith.constant 0 : i32
          %dma_wait3A_796 = tpu.memref_slice %arg6[%dma_wait3A_791, %dma_wait3A_793, %dma_wait3A_794, %dma_wait3A_795] : memref<4x4x50x64xf32, #tpu.memory_space<vmem>> -> memref<1x4x50x64xf32, #tpu.memory_space<vmem>>
          %dma_wait3A_797 = tpu.memref_squeeze %dma_wait3A_796 : memref<1x4x50x64xf32, #tpu.memory_space<vmem>> -> memref<4x50x64xf32, #tpu.memory_space<vmem>>
          %dma_wait3A_798 = arith.constant 0 : i32
          %dma_wait3A_799 = arith.constant 0 : i32
          %dma_wait3A_800 = arith.constant 0 : i32
          %dma_wait3A_801 = tpu.memref_slice %arg4[%dma_wait3A_798, %dma_wait3A_799, %dma_wait3A_800] : memref<16384x50x64xf32, #tpu.memory_space<hbm>> -> memref<4x50x64xf32, #tpu.memory_space<hbm>>
          %dma_wait3A_802 = tpu.memref_slice %arg8[%dma_wait3A_792] : memref<4x!tpu.dma_semaphore, #tpu.memory_space<semaphore_mem>> -> memref<1x!tpu.dma_semaphore, #tpu.memory_space<semaphore_mem>>
          %dma_wait3A_803 = tpu.memref_squeeze %dma_wait3A_802 : memref<1x!tpu.dma_semaphore, #tpu.memory_space<semaphore_mem>> -> memref<!tpu.dma_semaphore, #tpu.memory_space<semaphore_mem>>
          %dma_wait3A_804 = arith.constant 0 : i32
          %dma_wait3A_805 = arith.constant 0 : i32
          %dma_wait3A_806 = arith.constant 0 : i32
          %dma_wait3A_807 = tpu.memref_slice %arg4[%dma_wait3A_804, %dma_wait3A_805, %dma_wait3A_806] : memref<16384x50x64xf32, #tpu.memory_space<hbm>> -> memref<4x50x64xf32, #tpu.memory_space<hbm>>
          %dma_wait3A_808 = arith.constant 0 : i32
          %dma_wait3A_809 = arith.constant 0 : i32
          %dma_wait3A_810 = arith.constant 0 : i32
          %dma_wait3A_811 = tpu.memref_slice %arg6[%dma_wait3A_791, %dma_wait3A_808, %dma_wait3A_809, %dma_wait3A_810] : memref<4x4x50x64xf32, #tpu.memory_space<vmem>> -> memref<1x4x50x64xf32, #tpu.memory_space<vmem>>
          %dma_wait3A_812 = tpu.memref_squeeze %dma_wait3A_811 : memref<1x4x50x64xf32, #tpu.memory_space<vmem>> -> memref<4x50x64xf32, #tpu.memory_space<vmem>>
          tpu.wait_dma2 semaphore(%dma_wait3A_803 : memref<!tpu.dma_semaphore, #tpu.memory_space<semaphore_mem>>) src(%dma_wait3A_812 : memref<4x50x64xf32, #tpu.memory_space<vmem>>) dst(%dma_wait3A_807 : memref<4x50x64xf32, #tpu.memory_space<hbm>>)
        } else {
        }
        %add3A_711 = arith.constant 4 : i32
        %add3A_712 = arith.addi %add3A_392, %add3A_711 : i32
        %sub3A_713 = arith.constant 1 : i32
        %sub3A_714 = arith.subi %add3A_712, %sub3A_713 : i32
        %mul3A_715 = arith.constant 4 : i32
        %mul3A_716 = arith.muli %sub3A_714, %mul3A_715 : i32
        %add3A_717 = arith.constant 0 : i32
        %add3A_718 = arith.addi %mul3A_716, %add3A_717 : i32
        %dma_start3A_719 = arith.constant 0 : i32
        %dma_start3A_720 = arith.constant 0 : i32
        %dma_start3A_721 = arith.constant 0 : i32
        %dma_start3A_722 = arith.constant 0 : i32
        %dma_start3A_723 = arith.constant 0 : i32
        %dma_start3A_724 = tpu.memref_slice %arg6[%dma_start3A_719, %dma_start3A_720, %dma_start3A_722, %dma_start3A_723] : memref<4x4x50x64xf32, #tpu.memory_space<vmem>> -> memref<1x1x50x64xf32, #tpu.memory_space<vmem>>
        %dma_start3A_725 = tpu.memref_squeeze %dma_start3A_724 : memref<1x1x50x64xf32, #tpu.memory_space<vmem>> -> memref<50x64xf32, #tpu.memory_space<vmem>>
        %dma_start3A_726 = arith.constant 0 : i32
        %dma_start3A_727 = tpu.memref_slice %arg5[%add3A_718, %dma_start3A_726] : memref<512x50xi32, #tpu.memory_space<vmem>> -> memref<1x50xi32, #tpu.memory_space<vmem>>
        %dma_start3A_728 = tpu.memref_squeeze %dma_start3A_727 : memref<1x50xi32, #tpu.memory_space<vmem>> -> memref<50xi32, #tpu.memory_space<vmem>>
        %dma_start3A_729 = arith.constant 0 : i32
        %dma_start3A_730 = arith.constant 0 : i32
        %dma_start3A_731 = tpu.memref_slice %arg3[%dma_start3A_729, %dma_start3A_730] : memref<1000000x64xf32, #tpu.memory_space<hbm>> -> memref<1000000x64xf32, #tpu.memory_space<hbm>>
        %dma_start3A_732 = tpu.memref_slice %arg7[%dma_start3A_721] : memref<4x!tpu.dma_semaphore, #tpu.memory_space<semaphore_mem>> -> memref<1x!tpu.dma_semaphore, #tpu.memory_space<semaphore_mem>>
        %dma_start3A_733 = tpu.memref_squeeze %dma_start3A_732 : memref<1x!tpu.dma_semaphore, #tpu.memory_space<semaphore_mem>> -> memref<!tpu.dma_semaphore, #tpu.memory_space<semaphore_mem>>
        tpu.enqueue_indirect_dma source(%dma_start3A_731 : memref<1000000x64xf32, #tpu.memory_space<hbm>>) target(%dma_start3A_725 : memref<50x64xf32, #tpu.memory_space<vmem>>) offsets(%dma_start3A_728 : memref<50xi32, #tpu.memory_space<vmem>>) semaphore(%dma_start3A_733 : memref<!tpu.dma_semaphore, #tpu.memory_space<semaphore_mem>>)
        %mul3A_734 = arith.constant 4 : i32
        %mul3A_735 = arith.muli %sub3A_714, %mul3A_734 : i32
        %add3A_736 = arith.constant 1 : i32
        %add3A_737 = arith.addi %mul3A_735, %add3A_736 : i32
        %dma_start3A_738 = arith.constant 0 : i32
        %dma_start3A_739 = arith.constant 1 : i32
        %dma_start3A_740 = arith.constant 0 : i32
        %dma_start3A_741 = arith.constant 0 : i32
        %dma_start3A_742 = arith.constant 0 : i32
        %dma_start3A_743 = tpu.memref_slice %arg6[%dma_start3A_738, %dma_start3A_739, %dma_start3A_741, %dma_start3A_742] : memref<4x4x50x64xf32, #tpu.memory_space<vmem>> -> memref<1x1x50x64xf32, #tpu.memory_space<vmem>>
        %dma_start3A_744 = tpu.memref_squeeze %dma_start3A_743 : memref<1x1x50x64xf32, #tpu.memory_space<vmem>> -> memref<50x64xf32, #tpu.memory_space<vmem>>
        %dma_start3A_745 = arith.constant 0 : i32
        %dma_start3A_746 = tpu.memref_slice %arg5[%add3A_737, %dma_start3A_745] : memref<512x50xi32, #tpu.memory_space<vmem>> -> memref<1x50xi32, #tpu.memory_space<vmem>>
        %dma_start3A_747 = tpu.memref_squeeze %dma_start3A_746 : memref<1x50xi32, #tpu.memory_space<vmem>> -> memref<50xi32, #tpu.memory_space<vmem>>
        %dma_start3A_748 = arith.constant 0 : i32
        %dma_start3A_749 = arith.constant 0 : i32
        %dma_start3A_750 = tpu.memref_slice %arg3[%dma_start3A_748, %dma_start3A_749] : memref<1000000x64xf32, #tpu.memory_space<hbm>> -> memref<1000000x64xf32, #tpu.memory_space<hbm>>
        %dma_start3A_751 = tpu.memref_slice %arg7[%dma_start3A_740] : memref<4x!tpu.dma_semaphore, #tpu.memory_space<semaphore_mem>> -> memref<1x!tpu.dma_semaphore, #tpu.memory_space<semaphore_mem>>
        %dma_start3A_752 = tpu.memref_squeeze %dma_start3A_751 : memref<1x!tpu.dma_semaphore, #tpu.memory_space<semaphore_mem>> -> memref<!tpu.dma_semaphore, #tpu.memory_space<semaphore_mem>>
        tpu.enqueue_indirect_dma source(%dma_start3A_750 : memref<1000000x64xf32, #tpu.memory_space<hbm>>) target(%dma_start3A_744 : memref<50x64xf32, #tpu.memory_space<vmem>>) offsets(%dma_start3A_747 : memref<50xi32, #tpu.memory_space<vmem>>) semaphore(%dma_start3A_752 : memref<!tpu.dma_semaphore, #tpu.memory_space<semaphore_mem>>)
        %mul3A_753 = arith.constant 4 : i32
        %mul3A_754 = arith.muli %sub3A_714, %mul3A_753 : i32
        %add3A_755 = arith.constant 2 : i32
        %add3A_756 = arith.addi %mul3A_754, %add3A_755 : i32
        %dma_start3A_757 = arith.constant 0 : i32
        %dma_start3A_758 = arith.constant 2 : i32
        %dma_start3A_759 = arith.constant 0 : i32
        %dma_start3A_760 = arith.constant 0 : i32
        %dma_start3A_761 = arith.constant 0 : i32
        %dma_start3A_762 = tpu.memref_slice %arg6[%dma_start3A_757, %dma_start3A_758, %dma_start3A_760, %dma_start3A_761] : memref<4x4x50x64xf32, #tpu.memory_space<vmem>> -> memref<1x1x50x64xf32, #tpu.memory_space<vmem>>
        %dma_start3A_763 = tpu.memref_squeeze %dma_start3A_762 : memref<1x1x50x64xf32, #tpu.memory_space<vmem>> -> memref<50x64xf32, #tpu.memory_space<vmem>>
        %dma_start3A_764 = arith.constant 0 : i32
        %dma_start3A_765 = tpu.memref_slice %arg5[%add3A_756, %dma_start3A_764] : memref<512x50xi32, #tpu.memory_space<vmem>> -> memref<1x50xi32, #tpu.memory_space<vmem>>
        %dma_start3A_766 = tpu.memref_squeeze %dma_start3A_765 : memref<1x50xi32, #tpu.memory_space<vmem>> -> memref<50xi32, #tpu.memory_space<vmem>>
        %dma_start3A_767 = arith.constant 0 : i32
        %dma_start3A_768 = arith.constant 0 : i32
        %dma_start3A_769 = tpu.memref_slice %arg3[%dma_start3A_767, %dma_start3A_768] : memref<1000000x64xf32, #tpu.memory_space<hbm>> -> memref<1000000x64xf32, #tpu.memory_space<hbm>>
        %dma_start3A_770 = tpu.memref_slice %arg7[%dma_start3A_759] : memref<4x!tpu.dma_semaphore, #tpu.memory_space<semaphore_mem>> -> memref<1x!tpu.dma_semaphore, #tpu.memory_space<semaphore_mem>>
        %dma_start3A_771 = tpu.memref_squeeze %dma_start3A_770 : memref<1x!tpu.dma_semaphore, #tpu.memory_space<semaphore_mem>> -> memref<!tpu.dma_semaphore, #tpu.memory_space<semaphore_mem>>
        tpu.enqueue_indirect_dma source(%dma_start3A_769 : memref<1000000x64xf32, #tpu.memory_space<hbm>>) target(%dma_start3A_763 : memref<50x64xf32, #tpu.memory_space<vmem>>) offsets(%dma_start3A_766 : memref<50xi32, #tpu.memory_space<vmem>>) semaphore(%dma_start3A_771 : memref<!tpu.dma_semaphore, #tpu.memory_space<semaphore_mem>>)
        %mul3A_772 = arith.constant 4 : i32
        %mul3A_773 = arith.muli %sub3A_714, %mul3A_772 : i32
        %add3A_774 = arith.constant 3 : i32
        %add3A_775 = arith.addi %mul3A_773, %add3A_774 : i32
        %dma_start3A_776 = arith.constant 0 : i32
        %dma_start3A_777 = arith.constant 3 : i32
        %dma_start3A_778 = arith.constant 0 : i32
        %dma_start3A_779 = arith.constant 0 : i32
        %dma_start3A_780 = arith.constant 0 : i32
        %dma_start3A_781 = tpu.memref_slice %arg6[%dma_start3A_776, %dma_start3A_777, %dma_start3A_779, %dma_start3A_780] : memref<4x4x50x64xf32, #tpu.memory_space<vmem>> -> memref<1x1x50x64xf32, #tpu.memory_space<vmem>>
        %dma_start3A_782 = tpu.memref_squeeze %dma_start3A_781 : memref<1x1x50x64xf32, #tpu.memory_space<vmem>> -> memref<50x64xf32, #tpu.memory_space<vmem>>
        %dma_start3A_783 = arith.constant 0 : i32
        %dma_start3A_784 = tpu.memref_slice %arg5[%add3A_775, %dma_start3A_783] : memref<512x50xi32, #tpu.memory_space<vmem>> -> memref<1x50xi32, #tpu.memory_space<vmem>>
        %dma_start3A_785 = tpu.memref_squeeze %dma_start3A_784 : memref<1x50xi32, #tpu.memory_space<vmem>> -> memref<50xi32, #tpu.memory_space<vmem>>
        %dma_start3A_786 = arith.constant 0 : i32
        %dma_start3A_787 = arith.constant 0 : i32
        %dma_start3A_788 = tpu.memref_slice %arg3[%dma_start3A_786, %dma_start3A_787] : memref<1000000x64xf32, #tpu.memory_space<hbm>> -> memref<1000000x64xf32, #tpu.memory_space<hbm>>
        %dma_start3A_789 = tpu.memref_slice %arg7[%dma_start3A_778] : memref<4x!tpu.dma_semaphore, #tpu.memory_space<semaphore_mem>> -> memref<1x!tpu.dma_semaphore, #tpu.memory_space<semaphore_mem>>
        %dma_start3A_790 = tpu.memref_squeeze %dma_start3A_789 : memref<1x!tpu.dma_semaphore, #tpu.memory_space<semaphore_mem>> -> memref<!tpu.dma_semaphore, #tpu.memory_space<semaphore_mem>>
        tpu.enqueue_indirect_dma source(%dma_start3A_788 : memref<1000000x64xf32, #tpu.memory_space<hbm>>) target(%dma_start3A_782 : memref<50x64xf32, #tpu.memory_space<vmem>>) offsets(%dma_start3A_785 : memref<50xi32, #tpu.memory_space<vmem>>) semaphore(%dma_start3A_790 : memref<!tpu.dma_semaphore, #tpu.memory_space<semaphore_mem>>)
      } else {
      }
      %mul3A_495 = arith.constant 4 : i32
      %mul3A_496 = arith.muli %scan3A_286, %mul3A_495 : i32
      %add3A_497 = arith.constant 2 : i32
      %add3A_498 = arith.addi %mul3A_496, %add3A_497 : i32
      %dma_wait3A_499 = arith.constant 0 : i32
      %dma_wait3A_500 = arith.constant 2 : i32
      %dma_wait3A_501 = arith.constant 0 : i32
      %dma_wait3A_502 = arith.constant 2 : i32
      %dma_wait3A_503 = arith.constant 0 : i32
      %dma_wait3A_504 = arith.constant 0 : i32
      %dma_wait3A_505 = tpu.memref_slice %arg6[%dma_wait3A_500, %dma_wait3A_501, %dma_wait3A_503, %dma_wait3A_504] : memref<4x4x50x64xf32, #tpu.memory_space<vmem>> -> memref<1x1x50x64xf32, #tpu.memory_space<vmem>>
      %dma_wait3A_506 = tpu.memref_squeeze %dma_wait3A_505 : memref<1x1x50x64xf32, #tpu.memory_space<vmem>> -> memref<50x64xf32, #tpu.memory_space<vmem>>
      %dma_wait3A_507 = arith.constant 0 : i32
      %dma_wait3A_508 = tpu.memref_slice %arg5[%dma_wait3A_499, %dma_wait3A_507] : memref<512x50xi32, #tpu.memory_space<vmem>> -> memref<1x50xi32, #tpu.memory_space<vmem>>
      %dma_wait3A_509 = tpu.memref_squeeze %dma_wait3A_508 : memref<1x50xi32, #tpu.memory_space<vmem>> -> memref<50xi32, #tpu.memory_space<vmem>>
      %dma_wait3A_510 = arith.constant 0 : i32
      %dma_wait3A_511 = arith.constant 0 : i32
      %dma_wait3A_512 = tpu.memref_slice %arg3[%dma_wait3A_510, %dma_wait3A_511] : memref<1000000x64xf32, #tpu.memory_space<hbm>> -> memref<1000000x64xf32, #tpu.memory_space<hbm>>
      %dma_wait3A_513 = tpu.memref_slice %arg7[%dma_wait3A_502] : memref<4x!tpu.dma_semaphore, #tpu.memory_space<semaphore_mem>> -> memref<1x!tpu.dma_semaphore, #tpu.memory_space<semaphore_mem>>
      %dma_wait3A_514 = tpu.memref_squeeze %dma_wait3A_513 : memref<1x!tpu.dma_semaphore, #tpu.memory_space<semaphore_mem>> -> memref<!tpu.dma_semaphore, #tpu.memory_space<semaphore_mem>>
      tpu.wait_indirect_dma semaphore(%dma_wait3A_514 : memref<!tpu.dma_semaphore, #tpu.memory_space<semaphore_mem>>) src(%dma_wait3A_512 : memref<1000000x64xf32, #tpu.memory_space<hbm>>) dst(%dma_wait3A_506 : memref<50x64xf32, #tpu.memory_space<vmem>>)
      %dma_wait3A_515 = arith.constant 1 : i32
      %dma_wait3A_516 = arith.constant 2 : i32
      %dma_wait3A_517 = arith.constant 1 : i32
      %dma_wait3A_518 = arith.constant 2 : i32
      %dma_wait3A_519 = arith.constant 0 : i32
      %dma_wait3A_520 = arith.constant 0 : i32
      %dma_wait3A_521 = tpu.memref_slice %arg6[%dma_wait3A_516, %dma_wait3A_517, %dma_wait3A_519, %dma_wait3A_520] : memref<4x4x50x64xf32, #tpu.memory_space<vmem>> -> memref<1x1x50x64xf32, #tpu.memory_space<vmem>>
      %dma_wait3A_522 = tpu.memref_squeeze %dma_wait3A_521 : memref<1x1x50x64xf32, #tpu.memory_space<vmem>> -> memref<50x64xf32, #tpu.memory_space<vmem>>
      %dma_wait3A_523 = arith.constant 0 : i32
      %dma_wait3A_524 = tpu.memref_slice %arg5[%dma_wait3A_515, %dma_wait3A_523] : memref<512x50xi32, #tpu.memory_space<vmem>> -> memref<1x50xi32, #tpu.memory_space<vmem>>
      %dma_wait3A_525 = tpu.memref_squeeze %dma_wait3A_524 : memref<1x50xi32, #tpu.memory_space<vmem>> -> memref<50xi32, #tpu.memory_space<vmem>>
      %dma_wait3A_526 = arith.constant 0 : i32
      %dma_wait3A_527 = arith.constant 0 : i32
      %dma_wait3A_528 = tpu.memref_slice %arg3[%dma_wait3A_526, %dma_wait3A_527] : memref<1000000x64xf32, #tpu.memory_space<hbm>> -> memref<1000000x64xf32, #tpu.memory_space<hbm>>
      %dma_wait3A_529 = tpu.memref_slice %arg7[%dma_wait3A_518] : memref<4x!tpu.dma_semaphore, #tpu.memory_space<semaphore_mem>> -> memref<1x!tpu.dma_semaphore, #tpu.memory_space<semaphore_mem>>
      %dma_wait3A_530 = tpu.memref_squeeze %dma_wait3A_529 : memref<1x!tpu.dma_semaphore, #tpu.memory_space<semaphore_mem>> -> memref<!tpu.dma_semaphore, #tpu.memory_space<semaphore_mem>>
      tpu.wait_indirect_dma semaphore(%dma_wait3A_530 : memref<!tpu.dma_semaphore, #tpu.memory_space<semaphore_mem>>) src(%dma_wait3A_528 : memref<1000000x64xf32, #tpu.memory_space<hbm>>) dst(%dma_wait3A_522 : memref<50x64xf32, #tpu.memory_space<vmem>>)
      %dma_wait3A_531 = arith.constant 2 : i32
      %dma_wait3A_532 = arith.constant 2 : i32
      %dma_wait3A_533 = arith.constant 2 : i32
      %dma_wait3A_534 = arith.constant 2 : i32
      %dma_wait3A_535 = arith.constant 0 : i32
      %dma_wait3A_536 = arith.constant 0 : i32
      %dma_wait3A_537 = tpu.memref_slice %arg6[%dma_wait3A_532, %dma_wait3A_533, %dma_wait3A_535, %dma_wait3A_536] : memref<4x4x50x64xf32, #tpu.memory_space<vmem>> -> memref<1x1x50x64xf32, #tpu.memory_space<vmem>>
      %dma_wait3A_538 = tpu.memref_squeeze %dma_wait3A_537 : memref<1x1x50x64xf32, #tpu.memory_space<vmem>> -> memref<50x64xf32, #tpu.memory_space<vmem>>
      %dma_wait3A_539 = arith.constant 0 : i32
      %dma_wait3A_540 = tpu.memref_slice %arg5[%dma_wait3A_531, %dma_wait3A_539] : memref<512x50xi32, #tpu.memory_space<vmem>> -> memref<1x50xi32, #tpu.memory_space<vmem>>
      %dma_wait3A_541 = tpu.memref_squeeze %dma_wait3A_540 : memref<1x50xi32, #tpu.memory_space<vmem>> -> memref<50xi32, #tpu.memory_space<vmem>>
      %dma_wait3A_542 = arith.constant 0 : i32
      %dma_wait3A_543 = arith.constant 0 : i32
      %dma_wait3A_544 = tpu.memref_slice %arg3[%dma_wait3A_542, %dma_wait3A_543] : memref<1000000x64xf32, #tpu.memory_space<hbm>> -> memref<1000000x64xf32, #tpu.memory_space<hbm>>
      %dma_wait3A_545 = tpu.memref_slice %arg7[%dma_wait3A_534] : memref<4x!tpu.dma_semaphore, #tpu.memory_space<semaphore_mem>> -> memref<1x!tpu.dma_semaphore, #tpu.memory_space<semaphore_mem>>
      %dma_wait3A_546 = tpu.memref_squeeze %dma_wait3A_545 : memref<1x!tpu.dma_semaphore, #tpu.memory_space<semaphore_mem>> -> memref<!tpu.dma_semaphore, #tpu.memory_space<semaphore_mem>>
      tpu.wait_indirect_dma semaphore(%dma_wait3A_546 : memref<!tpu.dma_semaphore, #tpu.memory_space<semaphore_mem>>) src(%dma_wait3A_544 : memref<1000000x64xf32, #tpu.memory_space<hbm>>) dst(%dma_wait3A_538 : memref<50x64xf32, #tpu.memory_space<vmem>>)
      %dma_wait3A_547 = arith.constant 3 : i32
      %dma_wait3A_548 = arith.constant 2 : i32
      %dma_wait3A_549 = arith.constant 3 : i32
      %dma_wait3A_550 = arith.constant 2 : i32
      %dma_wait3A_551 = arith.constant 0 : i32
      %dma_wait3A_552 = arith.constant 0 : i32
      %dma_wait3A_553 = tpu.memref_slice %arg6[%dma_wait3A_548, %dma_wait3A_549, %dma_wait3A_551, %dma_wait3A_552] : memref<4x4x50x64xf32, #tpu.memory_space<vmem>> -> memref<1x1x50x64xf32, #tpu.memory_space<vmem>>
      %dma_wait3A_554 = tpu.memref_squeeze %dma_wait3A_553 : memref<1x1x50x64xf32, #tpu.memory_space<vmem>> -> memref<50x64xf32, #tpu.memory_space<vmem>>
      %dma_wait3A_555 = arith.constant 0 : i32
      %dma_wait3A_556 = tpu.memref_slice %arg5[%dma_wait3A_547, %dma_wait3A_555] : memref<512x50xi32, #tpu.memory_space<vmem>> -> memref<1x50xi32, #tpu.memory_space<vmem>>
      %dma_wait3A_557 = tpu.memref_squeeze %dma_wait3A_556 : memref<1x50xi32, #tpu.memory_space<vmem>> -> memref<50xi32, #tpu.memory_space<vmem>>
      %dma_wait3A_558 = arith.constant 0 : i32
      %dma_wait3A_559 = arith.constant 0 : i32
      %dma_wait3A_560 = tpu.memref_slice %arg3[%dma_wait3A_558, %dma_wait3A_559] : memref<1000000x64xf32, #tpu.memory_space<hbm>> -> memref<1000000x64xf32, #tpu.memory_space<hbm>>
      %dma_wait3A_561 = tpu.memref_slice %arg7[%dma_wait3A_550] : memref<4x!tpu.dma_semaphore, #tpu.memory_space<semaphore_mem>> -> memref<1x!tpu.dma_semaphore, #tpu.memory_space<semaphore_mem>>
      %dma_wait3A_562 = tpu.memref_squeeze %dma_wait3A_561 : memref<1x!tpu.dma_semaphore, #tpu.memory_space<semaphore_mem>> -> memref<!tpu.dma_semaphore, #tpu.memory_space<semaphore_mem>>
      tpu.wait_indirect_dma semaphore(%dma_wait3A_562 : memref<!tpu.dma_semaphore, #tpu.memory_space<semaphore_mem>>) src(%dma_wait3A_560 : memref<1000000x64xf32, #tpu.memory_space<hbm>>) dst(%dma_wait3A_554 : memref<50x64xf32, #tpu.memory_space<vmem>>)
      %scan3A_563 = arith.constant 0 : i32
      %scan3A_564 = arith.constant 0 : i32
      %scan3A_565 = arith.constant 50 : i32
      %scan3A_566 = arith.addi %scan3A_564, %scan3A_565 : i32
      %scan3A_567 = arith.constant 1 : i32
      scf.for %scan3A_707 = %scan3A_564 to %scan3A_566 step %scan3A_567  : i32 {
        %get3A = arith.constant 2 : i32
        %get3A_708 = arith.constant 0 : i32
        %get3A_709 = arith.index_cast %get3A : i32 to index
        %get3A_710 = arith.index_cast %get3A_708 : i32 to index
        %get3A_711 = arith.index_cast %scan3A_707 : i32 to index
        %get3A_712 = arith.constant 0 : index
        %get3A_713 = tpu.vector_load %arg6[%get3A_709, %get3A_710, %get3A_711, %get3A_712] {strides = array<i32>} : memref<4x4x50x64xf32, #tpu.memory_space<vmem>>, vector<1x1x1x16xf32>,
        %get3A_714 = vector.shape_cast %get3A_713 : vector<1x1x1x16xf32> to vector<16xf32>
        %mul3A_715 = arith.constant 8.000000e+00 : f32
        %mul3A_716 = vector.broadcast %mul3A_715 : f32 to vector<16xf32>
        %mul3A_717 = arith.mulf %get3A_714, %mul3A_716 : vector<16xf32>
        %swap3A = arith.constant 2 : i32
        %swap3A_718 = arith.constant 0 : i32
        %swap3A_719 = arith.index_cast %swap3A : i32 to index
        %swap3A_720 = arith.index_cast %swap3A_718 : i32 to index
        %swap3A_721 = arith.index_cast %scan3A_707 : i32 to index
        %swap3A_722 = arith.constant 0 : index
        %swap3A_723 = tpu.vector_load %arg6[%swap3A_719, %swap3A_720, %swap3A_721, %swap3A_722] {strides = array<i32>} : memref<4x4x50x64xf32, #tpu.memory_space<vmem>>, vector<1x1x1x16xf32>,
        %swap3A_724 = vector.shape_cast %swap3A_723 : vector<1x1x1x16xf32> to vector<16xf32>
        %swap3A_725 = vector.shape_cast %mul3A_717 : vector<16xf32> to vector<1x1x1x16xf32>
        tpu.vector_store %arg6[%swap3A_719, %swap3A_720, %swap3A_721, %swap3A_722], %swap3A_725 {strides = array<i32>} : memref<4x4x50x64xf32, #tpu.memory_space<vmem>>, vector<1x1x1x16xf32>,
        %get3A_726 = arith.constant 2 : i32
        %get3A_727 = arith.constant 0 : i32
        %get3A_728 = arith.index_cast %get3A_726 : i32 to index
        %get3A_729 = arith.index_cast %get3A_727 : i32 to index
        %get3A_730 = arith.index_cast %scan3A_707 : i32 to index
        %get3A_731 = arith.constant 16 : index
        %get3A_732 = tpu.vector_load %arg6[%get3A_728, %get3A_729, %get3A_730, %get3A_731] {strides = array<i32>} : memref<4x4x50x64xf32, #tpu.memory_space<vmem>>, vector<1x1x1x16xf32>,
        %get3A_733 = vector.shape_cast %get3A_732 : vector<1x1x1x16xf32> to vector<16xf32>
        %mul3A_734 = arith.constant 8.000000e+00 : f32
        %mul3A_735 = vector.broadcast %mul3A_734 : f32 to vector<16xf32>
        %mul3A_736 = arith.mulf %get3A_733, %mul3A_735 : vector<16xf32>
        %swap3A_737 = arith.constant 2 : i32
        %swap3A_738 = arith.constant 0 : i32
        %swap3A_739 = arith.index_cast %swap3A_737 : i32 to index
        %swap3A_740 = arith.index_cast %swap3A_738 : i32 to index
        %swap3A_741 = arith.index_cast %scan3A_707 : i32 to index
        %swap3A_742 = arith.constant 16 : index
        %swap3A_743 = tpu.vector_load %arg6[%swap3A_739, %swap3A_740, %swap3A_741, %swap3A_742] {strides = array<i32>} : memref<4x4x50x64xf32, #tpu.memory_space<vmem>>, vector<1x1x1x16xf32>,
        %swap3A_744 = vector.shape_cast %swap3A_743 : vector<1x1x1x16xf32> to vector<16xf32>
        %swap3A_745 = vector.shape_cast %mul3A_736 : vector<16xf32> to vector<1x1x1x16xf32>
        tpu.vector_store %arg6[%swap3A_739, %swap3A_740, %swap3A_741, %swap3A_742], %swap3A_745 {strides = array<i32>} : memref<4x4x50x64xf32, #tpu.memory_space<vmem>>, vector<1x1x1x16xf32>,
        %get3A_746 = arith.constant 2 : i32
        %get3A_747 = arith.constant 0 : i32
        %get3A_748 = arith.index_cast %get3A_746 : i32 to index
        %get3A_749 = arith.index_cast %get3A_747 : i32 to index
        %get3A_750 = arith.index_cast %scan3A_707 : i32 to index
        %get3A_751 = arith.constant 32 : index
        %get3A_752 = tpu.vector_load %arg6[%get3A_748, %get3A_749, %get3A_750, %get3A_751] {strides = array<i32>} : memref<4x4x50x64xf32, #tpu.memory_space<vmem>>, vector<1x1x1x16xf32>,
        %get3A_753 = vector.shape_cast %get3A_752 : vector<1x1x1x16xf32> to vector<16xf32>
        %mul3A_754 = arith.constant 8.000000e+00 : f32
        %mul3A_755 = vector.broadcast %mul3A_754 : f32 to vector<16xf32>
        %mul3A_756 = arith.mulf %get3A_753, %mul3A_755 : vector<16xf32>
        %swap3A_757 = arith.constant 2 : i32
        %swap3A_758 = arith.constant 0 : i32
        %swap3A_759 = arith.index_cast %swap3A_757 : i32 to index
        %swap3A_760 = arith.index_cast %swap3A_758 : i32 to index
        %swap3A_761 = arith.index_cast %scan3A_707 : i32 to index
        %swap3A_762 = arith.constant 32 : index
        %swap3A_763 = tpu.vector_load %arg6[%swap3A_759, %swap3A_760, %swap3A_761, %swap3A_762] {strides = array<i32>} : memref<4x4x50x64xf32, #tpu.memory_space<vmem>>, vector<1x1x1x16xf32>,
        %swap3A_764 = vector.shape_cast %swap3A_763 : vector<1x1x1x16xf32> to vector<16xf32>
        %swap3A_765 = vector.shape_cast %mul3A_756 : vector<16xf32> to vector<1x1x1x16xf32>
        tpu.vector_store %arg6[%swap3A_759, %swap3A_760, %swap3A_761, %swap3A_762], %swap3A_765 {strides = array<i32>} : memref<4x4x50x64xf32, #tpu.memory_space<vmem>>, vector<1x1x1x16xf32>,
        %get3A_766 = arith.constant 2 : i32
        %get3A_767 = arith.constant 0 : i32
        %get3A_768 = arith.index_cast %get3A_766 : i32 to index
        %get3A_769 = arith.index_cast %get3A_767 : i32 to index
        %get3A_770 = arith.index_cast %scan3A_707 : i32 to index
        %get3A_771 = arith.constant 48 : index
        %get3A_772 = tpu.vector_load %arg6[%get3A_768, %get3A_769, %get3A_770, %get3A_771] {strides = array<i32>} : memref<4x4x50x64xf32, #tpu.memory_space<vmem>>, vector<1x1x1x16xf32>,
        %get3A_773 = vector.shape_cast %get3A_772 : vector<1x1x1x16xf32> to vector<16xf32>
        %mul3A_774 = arith.constant 8.000000e+00 : f32
        %mul3A_775 = vector.broadcast %mul3A_774 : f32 to vector<16xf32>
        %mul3A_776 = arith.mulf %get3A_773, %mul3A_775 : vector<16xf32>
        %swap3A_777 = arith.constant 2 : i32
        %swap3A_778 = arith.constant 0 : i32
        %swap3A_779 = arith.index_cast %swap3A_777 : i32 to index
        %swap3A_780 = arith.index_cast %swap3A_778 : i32 to index
        %swap3A_781 = arith.index_cast %scan3A_707 : i32 to index
        %swap3A_782 = arith.constant 48 : index
        %swap3A_783 = tpu.vector_load %arg6[%swap3A_779, %swap3A_780, %swap3A_781, %swap3A_782] {strides = array<i32>} : memref<4x4x50x64xf32, #tpu.memory_space<vmem>>, vector<1x1x1x16xf32>,
        %swap3A_784 = vector.shape_cast %swap3A_783 : vector<1x1x1x16xf32> to vector<16xf32>
        %swap3A_785 = vector.shape_cast %mul3A_776 : vector<16xf32> to vector<1x1x1x16xf32>
        tpu.vector_store %arg6[%swap3A_779, %swap3A_780, %swap3A_781, %swap3A_782], %swap3A_785 {strides = array<i32>} : memref<4x4x50x64xf32, #tpu.memory_space<vmem>>, vector<1x1x1x16xf32>,
        %get3A_786 = arith.constant 2 : i32
        %get3A_787 = arith.constant 1 : i32
        %get3A_788 = arith.index_cast %get3A_786 : i32 to index
        %get3A_789 = arith.index_cast %get3A_787 : i32 to index
        %get3A_790 = arith.index_cast %scan3A_707 : i32 to index
        %get3A_791 = arith.constant 0 : index
        %get3A_792 = tpu.vector_load %arg6[%get3A_788, %get3A_789, %get3A_790, %get3A_791] {strides = array<i32>} : memref<4x4x50x64xf32, #tpu.memory_space<vmem>>, vector<1x1x1x16xf32>,
        %get3A_793 = vector.shape_cast %get3A_792 : vector<1x1x1x16xf32> to vector<16xf32>
        %mul3A_794 = arith.constant 8.000000e+00 : f32
        %mul3A_795 = vector.broadcast %mul3A_794 : f32 to vector<16xf32>
        %mul3A_796 = arith.mulf %get3A_793, %mul3A_795 : vector<16xf32>
        %swap3A_797 = arith.constant 2 : i32
        %swap3A_798 = arith.constant 1 : i32
        %swap3A_799 = arith.index_cast %swap3A_797 : i32 to index
        %swap3A_800 = arith.index_cast %swap3A_798 : i32 to index
        %swap3A_801 = arith.index_cast %scan3A_707 : i32 to index
        %swap3A_802 = arith.constant 0 : index
        %swap3A_803 = tpu.vector_load %arg6[%swap3A_799, %swap3A_800, %swap3A_801, %swap3A_802] {strides = array<i32>} : memref<4x4x50x64xf32, #tpu.memory_space<vmem>>, vector<1x1x1x16xf32>,
        %swap3A_804 = vector.shape_cast %swap3A_803 : vector<1x1x1x16xf32> to vector<16xf32>
        %swap3A_805 = vector.shape_cast %mul3A_796 : vector<16xf32> to vector<1x1x1x16xf32>
        tpu.vector_store %arg6[%swap3A_799, %swap3A_800, %swap3A_801, %swap3A_802], %swap3A_805 {strides = array<i32>} : memref<4x4x50x64xf32, #tpu.memory_space<vmem>>, vector<1x1x1x16xf32>,
        %get3A_806 = arith.constant 2 : i32
        %get3A_807 = arith.constant 1 : i32
        %get3A_808 = arith.index_cast %get3A_806 : i32 to index
        %get3A_809 = arith.index_cast %get3A_807 : i32 to index
        %get3A_810 = arith.index_cast %scan3A_707 : i32 to index
        %get3A_811 = arith.constant 16 : index
        %get3A_812 = tpu.vector_load %arg6[%get3A_808, %get3A_809, %get3A_810, %get3A_811] {strides = array<i32>} : memref<4x4x50x64xf32, #tpu.memory_space<vmem>>, vector<1x1x1x16xf32>,
        %get3A_813 = vector.shape_cast %get3A_812 : vector<1x1x1x16xf32> to vector<16xf32>
        %mul3A_814 = arith.constant 8.000000e+00 : f32
        %mul3A_815 = vector.broadcast %mul3A_814 : f32 to vector<16xf32>
        %mul3A_816 = arith.mulf %get3A_813, %mul3A_815 : vector<16xf32>
        %swap3A_817 = arith.constant 2 : i32
        %swap3A_818 = arith.constant 1 : i32
        %swap3A_819 = arith.index_cast %swap3A_817 : i32 to index
        %swap3A_820 = arith.index_cast %swap3A_818 : i32 to index
        %swap3A_821 = arith.index_cast %scan3A_707 : i32 to index
        %swap3A_822 = arith.constant 16 : index
        %swap3A_823 = tpu.vector_load %arg6[%swap3A_819, %swap3A_820, %swap3A_821, %swap3A_822] {strides = array<i32>} : memref<4x4x50x64xf32, #tpu.memory_space<vmem>>, vector<1x1x1x16xf32>,
        %swap3A_824 = vector.shape_cast %swap3A_823 : vector<1x1x1x16xf32> to vector<16xf32>
        %swap3A_825 = vector.shape_cast %mul3A_816 : vector<16xf32> to vector<1x1x1x16xf32>
        tpu.vector_store %arg6[%swap3A_819, %swap3A_820, %swap3A_821, %swap3A_822], %swap3A_825 {strides = array<i32>} : memref<4x4x50x64xf32, #tpu.memory_space<vmem>>, vector<1x1x1x16xf32>,
        %get3A_826 = arith.constant 2 : i32
        %get3A_827 = arith.constant 1 : i32
        %get3A_828 = arith.index_cast %get3A_826 : i32 to index
        %get3A_829 = arith.index_cast %get3A_827 : i32 to index
        %get3A_830 = arith.index_cast %scan3A_707 : i32 to index
        %get3A_831 = arith.constant 32 : index
        %get3A_832 = tpu.vector_load %arg6[%get3A_828, %get3A_829, %get3A_830, %get3A_831] {strides = array<i32>} : memref<4x4x50x64xf32, #tpu.memory_space<vmem>>, vector<1x1x1x16xf32>,
        %get3A_833 = vector.shape_cast %get3A_832 : vector<1x1x1x16xf32> to vector<16xf32>
        %mul3A_834 = arith.constant 8.000000e+00 : f32
        %mul3A_835 = vector.broadcast %mul3A_834 : f32 to vector<16xf32>
        %mul3A_836 = arith.mulf %get3A_833, %mul3A_835 : vector<16xf32>
        %swap3A_837 = arith.constant 2 : i32
        %swap3A_838 = arith.constant 1 : i32
        %swap3A_839 = arith.index_cast %swap3A_837 : i32 to index
        %swap3A_840 = arith.index_cast %swap3A_838 : i32 to index
        %swap3A_841 = arith.index_cast %scan3A_707 : i32 to index
        %swap3A_842 = arith.constant 32 : index
        %swap3A_843 = tpu.vector_load %arg6[%swap3A_839, %swap3A_840, %swap3A_841, %swap3A_842] {strides = array<i32>} : memref<4x4x50x64xf32, #tpu.memory_space<vmem>>, vector<1x1x1x16xf32>,
        %swap3A_844 = vector.shape_cast %swap3A_843 : vector<1x1x1x16xf32> to vector<16xf32>
        %swap3A_845 = vector.shape_cast %mul3A_836 : vector<16xf32> to vector<1x1x1x16xf32>
        tpu.vector_store %arg6[%swap3A_839, %swap3A_840, %swap3A_841, %swap3A_842], %swap3A_845 {strides = array<i32>} : memref<4x4x50x64xf32, #tpu.memory_space<vmem>>, vector<1x1x1x16xf32>,
        %get3A_846 = arith.constant 2 : i32
        %get3A_847 = arith.constant 1 : i32
        %get3A_848 = arith.index_cast %get3A_846 : i32 to index
        %get3A_849 = arith.index_cast %get3A_847 : i32 to index
        %get3A_850 = arith.index_cast %scan3A_707 : i32 to index
        %get3A_851 = arith.constant 48 : index
        %get3A_852 = tpu.vector_load %arg6[%get3A_848, %get3A_849, %get3A_850, %get3A_851] {strides = array<i32>} : memref<4x4x50x64xf32, #tpu.memory_space<vmem>>, vector<1x1x1x16xf32>,
        %get3A_853 = vector.shape_cast %get3A_852 : vector<1x1x1x16xf32> to vector<16xf32>
        %mul3A_854 = arith.constant 8.000000e+00 : f32
        %mul3A_855 = vector.broadcast %mul3A_854 : f32 to vector<16xf32>
        %mul3A_856 = arith.mulf %get3A_853, %mul3A_855 : vector<16xf32>
        %swap3A_857 = arith.constant 2 : i32
        %swap3A_858 = arith.constant 1 : i32
        %swap3A_859 = arith.index_cast %swap3A_857 : i32 to index
        %swap3A_860 = arith.index_cast %swap3A_858 : i32 to index
        %swap3A_861 = arith.index_cast %scan3A_707 : i32 to index
        %swap3A_862 = arith.constant 48 : index
        %swap3A_863 = tpu.vector_load %arg6[%swap3A_859, %swap3A_860, %swap3A_861, %swap3A_862] {strides = array<i32>} : memref<4x4x50x64xf32, #tpu.memory_space<vmem>>, vector<1x1x1x16xf32>,
        %swap3A_864 = vector.shape_cast %swap3A_863 : vector<1x1x1x16xf32> to vector<16xf32>
        %swap3A_865 = vector.shape_cast %mul3A_856 : vector<16xf32> to vector<1x1x1x16xf32>
        tpu.vector_store %arg6[%swap3A_859, %swap3A_860, %swap3A_861, %swap3A_862], %swap3A_865 {strides = array<i32>} : memref<4x4x50x64xf32, #tpu.memory_space<vmem>>, vector<1x1x1x16xf32>,
        %get3A_866 = arith.constant 2 : i32
        %get3A_867 = arith.constant 2 : i32
        %get3A_868 = arith.index_cast %get3A_866 : i32 to index
        %get3A_869 = arith.index_cast %get3A_867 : i32 to index
        %get3A_870 = arith.index_cast %scan3A_707 : i32 to index
        %get3A_871 = arith.constant 0 : index
        %get3A_872 = tpu.vector_load %arg6[%get3A_868, %get3A_869, %get3A_870, %get3A_871] {strides = array<i32>} : memref<4x4x50x64xf32, #tpu.memory_space<vmem>>, vector<1x1x1x16xf32>,
        %get3A_873 = vector.shape_cast %get3A_872 : vector<1x1x1x16xf32> to vector<16xf32>
        %mul3A_874 = arith.constant 8.000000e+00 : f32
        %mul3A_875 = vector.broadcast %mul3A_874 : f32 to vector<16xf32>
        %mul3A_876 = arith.mulf %get3A_873, %mul3A_875 : vector<16xf32>
        %swap3A_877 = arith.constant 2 : i32
        %swap3A_878 = arith.constant 2 : i32
        %swap3A_879 = arith.index_cast %swap3A_877 : i32 to index
        %swap3A_880 = arith.index_cast %swap3A_878 : i32 to index
        %swap3A_881 = arith.index_cast %scan3A_707 : i32 to index
        %swap3A_882 = arith.constant 0 : index
        %swap3A_883 = tpu.vector_load %arg6[%swap3A_879, %swap3A_880, %swap3A_881, %swap3A_882] {strides = array<i32>} : memref<4x4x50x64xf32, #tpu.memory_space<vmem>>, vector<1x1x1x16xf32>,
        %swap3A_884 = vector.shape_cast %swap3A_883 : vector<1x1x1x16xf32> to vector<16xf32>
        %swap3A_885 = vector.shape_cast %mul3A_876 : vector<16xf32> to vector<1x1x1x16xf32>
        tpu.vector_store %arg6[%swap3A_879, %swap3A_880, %swap3A_881, %swap3A_882], %swap3A_885 {strides = array<i32>} : memref<4x4x50x64xf32, #tpu.memory_space<vmem>>, vector<1x1x1x16xf32>,
        %get3A_886 = arith.constant 2 : i32
        %get3A_887 = arith.constant 2 : i32
        %get3A_888 = arith.index_cast %get3A_886 : i32 to index
        %get3A_889 = arith.index_cast %get3A_887 : i32 to index
        %get3A_890 = arith.index_cast %scan3A_707 : i32 to index
        %get3A_891 = arith.constant 16 : index
        %get3A_892 = tpu.vector_load %arg6[%get3A_888, %get3A_889, %get3A_890, %get3A_891] {strides = array<i32>} : memref<4x4x50x64xf32, #tpu.memory_space<vmem>>, vector<1x1x1x16xf32>,
        %get3A_893 = vector.shape_cast %get3A_892 : vector<1x1x1x16xf32> to vector<16xf32>
        %mul3A_894 = arith.constant 8.000000e+00 : f32
        %mul3A_895 = vector.broadcast %mul3A_894 : f32 to vector<16xf32>
        %mul3A_896 = arith.mulf %get3A_893, %mul3A_895 : vector<16xf32>
        %swap3A_897 = arith.constant 2 : i32
        %swap3A_898 = arith.constant 2 : i32
        %swap3A_899 = arith.index_cast %swap3A_897 : i32 to index
        %swap3A_900 = arith.index_cast %swap3A_898 : i32 to index
        %swap3A_901 = arith.index_cast %scan3A_707 : i32 to index
        %swap3A_902 = arith.constant 16 : index
        %swap3A_903 = tpu.vector_load %arg6[%swap3A_899, %swap3A_900, %swap3A_901, %swap3A_902] {strides = array<i32>} : memref<4x4x50x64xf32, #tpu.memory_space<vmem>>, vector<1x1x1x16xf32>,
        %swap3A_904 = vector.shape_cast %swap3A_903 : vector<1x1x1x16xf32> to vector<16xf32>
        %swap3A_905 = vector.shape_cast %mul3A_896 : vector<16xf32> to vector<1x1x1x16xf32>
        tpu.vector_store %arg6[%swap3A_899, %swap3A_900, %swap3A_901, %swap3A_902], %swap3A_905 {strides = array<i32>} : memref<4x4x50x64xf32, #tpu.memory_space<vmem>>, vector<1x1x1x16xf32>,
        %get3A_906 = arith.constant 2 : i32
        %get3A_907 = arith.constant 2 : i32
        %get3A_908 = arith.index_cast %get3A_906 : i32 to index
        %get3A_909 = arith.index_cast %get3A_907 : i32 to index
        %get3A_910 = arith.index_cast %scan3A_707 : i32 to index
        %get3A_911 = arith.constant 32 : index
        %get3A_912 = tpu.vector_load %arg6[%get3A_908, %get3A_909, %get3A_910, %get3A_911] {strides = array<i32>} : memref<4x4x50x64xf32, #tpu.memory_space<vmem>>, vector<1x1x1x16xf32>,
        %get3A_913 = vector.shape_cast %get3A_912 : vector<1x1x1x16xf32> to vector<16xf32>
        %mul3A_914 = arith.constant 8.000000e+00 : f32
        %mul3A_915 = vector.broadcast %mul3A_914 : f32 to vector<16xf32>
        %mul3A_916 = arith.mulf %get3A_913, %mul3A_915 : vector<16xf32>
        %swap3A_917 = arith.constant 2 : i32
        %swap3A_918 = arith.constant 2 : i32
        %swap3A_919 = arith.index_cast %swap3A_917 : i32 to index
        %swap3A_920 = arith.index_cast %swap3A_918 : i32 to index
        %swap3A_921 = arith.index_cast %scan3A_707 : i32 to index
        %swap3A_922 = arith.constant 32 : index
        %swap3A_923 = tpu.vector_load %arg6[%swap3A_919, %swap3A_920, %swap3A_921, %swap3A_922] {strides = array<i32>} : memref<4x4x50x64xf32, #tpu.memory_space<vmem>>, vector<1x1x1x16xf32>,
        %swap3A_924 = vector.shape_cast %swap3A_923 : vector<1x1x1x16xf32> to vector<16xf32>
        %swap3A_925 = vector.shape_cast %mul3A_916 : vector<16xf32> to vector<1x1x1x16xf32>
        tpu.vector_store %arg6[%swap3A_919, %swap3A_920, %swap3A_921, %swap3A_922], %swap3A_925 {strides = array<i32>} : memref<4x4x50x64xf32, #tpu.memory_space<vmem>>, vector<1x1x1x16xf32>,
        %get3A_926 = arith.constant 2 : i32
        %get3A_927 = arith.constant 2 : i32
        %get3A_928 = arith.index_cast %get3A_926 : i32 to index
        %get3A_929 = arith.index_cast %get3A_927 : i32 to index
        %get3A_930 = arith.index_cast %scan3A_707 : i32 to index
        %get3A_931 = arith.constant 48 : index
        %get3A_932 = tpu.vector_load %arg6[%get3A_928, %get3A_929, %get3A_930, %get3A_931] {strides = array<i32>} : memref<4x4x50x64xf32, #tpu.memory_space<vmem>>, vector<1x1x1x16xf32>,
        %get3A_933 = vector.shape_cast %get3A_932 : vector<1x1x1x16xf32> to vector<16xf32>
        %mul3A_934 = arith.constant 8.000000e+00 : f32
        %mul3A_935 = vector.broadcast %mul3A_934 : f32 to vector<16xf32>
        %mul3A_936 = arith.mulf %get3A_933, %mul3A_935 : vector<16xf32>
        %swap3A_937 = arith.constant 2 : i32
        %swap3A_938 = arith.constant 2 : i32
        %swap3A_939 = arith.index_cast %swap3A_937 : i32 to index
        %swap3A_940 = arith.index_cast %swap3A_938 : i32 to index
        %swap3A_941 = arith.index_cast %scan3A_707 : i32 to index
        %swap3A_942 = arith.constant 48 : index
        %swap3A_943 = tpu.vector_load %arg6[%swap3A_939, %swap3A_940, %swap3A_941, %swap3A_942] {strides = array<i32>} : memref<4x4x50x64xf32, #tpu.memory_space<vmem>>, vector<1x1x1x16xf32>,
        %swap3A_944 = vector.shape_cast %swap3A_943 : vector<1x1x1x16xf32> to vector<16xf32>
        %swap3A_945 = vector.shape_cast %mul3A_936 : vector<16xf32> to vector<1x1x1x16xf32>
        tpu.vector_store %arg6[%swap3A_939, %swap3A_940, %swap3A_941, %swap3A_942], %swap3A_945 {strides = array<i32>} : memref<4x4x50x64xf32, #tpu.memory_space<vmem>>, vector<1x1x1x16xf32>,
        %get3A_946 = arith.constant 2 : i32
        %get3A_947 = arith.constant 3 : i32
        %get3A_948 = arith.index_cast %get3A_946 : i32 to index
        %get3A_949 = arith.index_cast %get3A_947 : i32 to index
        %get3A_950 = arith.index_cast %scan3A_707 : i32 to index
        %get3A_951 = arith.constant 0 : index
        %get3A_952 = tpu.vector_load %arg6[%get3A_948, %get3A_949, %get3A_950, %get3A_951] {strides = array<i32>} : memref<4x4x50x64xf32, #tpu.memory_space<vmem>>, vector<1x1x1x16xf32>,
        %get3A_953 = vector.shape_cast %get3A_952 : vector<1x1x1x16xf32> to vector<16xf32>
        %mul3A_954 = arith.constant 8.000000e+00 : f32
        %mul3A_955 = vector.broadcast %mul3A_954 : f32 to vector<16xf32>
        %mul3A_956 = arith.mulf %get3A_953, %mul3A_955 : vector<16xf32>
        %swap3A_957 = arith.constant 2 : i32
        %swap3A_958 = arith.constant 3 : i32
        %swap3A_959 = arith.index_cast %swap3A_957 : i32 to index
        %swap3A_960 = arith.index_cast %swap3A_958 : i32 to index
        %swap3A_961 = arith.index_cast %scan3A_707 : i32 to index
        %swap3A_962 = arith.constant 0 : index
        %swap3A_963 = tpu.vector_load %arg6[%swap3A_959, %swap3A_960, %swap3A_961, %swap3A_962] {strides = array<i32>} : memref<4x4x50x64xf32, #tpu.memory_space<vmem>>, vector<1x1x1x16xf32>,
        %swap3A_964 = vector.shape_cast %swap3A_963 : vector<1x1x1x16xf32> to vector<16xf32>
        %swap3A_965 = vector.shape_cast %mul3A_956 : vector<16xf32> to vector<1x1x1x16xf32>
        tpu.vector_store %arg6[%swap3A_959, %swap3A_960, %swap3A_961, %swap3A_962], %swap3A_965 {strides = array<i32>} : memref<4x4x50x64xf32, #tpu.memory_space<vmem>>, vector<1x1x1x16xf32>,
        %get3A_966 = arith.constant 2 : i32
        %get3A_967 = arith.constant 3 : i32
        %get3A_968 = arith.index_cast %get3A_966 : i32 to index
        %get3A_969 = arith.index_cast %get3A_967 : i32 to index
        %get3A_970 = arith.index_cast %scan3A_707 : i32 to index
        %get3A_971 = arith.constant 16 : index
        %get3A_972 = tpu.vector_load %arg6[%get3A_968, %get3A_969, %get3A_970, %get3A_971] {strides = array<i32>} : memref<4x4x50x64xf32, #tpu.memory_space<vmem>>, vector<1x1x1x16xf32>,
        %get3A_973 = vector.shape_cast %get3A_972 : vector<1x1x1x16xf32> to vector<16xf32>
        %mul3A_974 = arith.constant 8.000000e+00 : f32
        %mul3A_975 = vector.broadcast %mul3A_974 : f32 to vector<16xf32>
        %mul3A_976 = arith.mulf %get3A_973, %mul3A_975 : vector<16xf32>
        %swap3A_977 = arith.constant 2 : i32
        %swap3A_978 = arith.constant 3 : i32
        %swap3A_979 = arith.index_cast %swap3A_977 : i32 to index
        %swap3A_980 = arith.index_cast %swap3A_978 : i32 to index
        %swap3A_981 = arith.index_cast %scan3A_707 : i32 to index
        %swap3A_982 = arith.constant 16 : index
        %swap3A_983 = tpu.vector_load %arg6[%swap3A_979, %swap3A_980, %swap3A_981, %swap3A_982] {strides = array<i32>} : memref<4x4x50x64xf32, #tpu.memory_space<vmem>>, vector<1x1x1x16xf32>,
        %swap3A_984 = vector.shape_cast %swap3A_983 : vector<1x1x1x16xf32> to vector<16xf32>
        %swap3A_985 = vector.shape_cast %mul3A_976 : vector<16xf32> to vector<1x1x1x16xf32>
        tpu.vector_store %arg6[%swap3A_979, %swap3A_980, %swap3A_981, %swap3A_982], %swap3A_985 {strides = array<i32>} : memref<4x4x50x64xf32, #tpu.memory_space<vmem>>, vector<1x1x1x16xf32>,
        %get3A_986 = arith.constant 2 : i32
        %get3A_987 = arith.constant 3 : i32
        %get3A_988 = arith.index_cast %get3A_986 : i32 to index
        %get3A_989 = arith.index_cast %get3A_987 : i32 to index
        %get3A_990 = arith.index_cast %scan3A_707 : i32 to index
        %get3A_991 = arith.constant 32 : index
        %get3A_992 = tpu.vector_load %arg6[%get3A_988, %get3A_989, %get3A_990, %get3A_991] {strides = array<i32>} : memref<4x4x50x64xf32, #tpu.memory_space<vmem>>, vector<1x1x1x16xf32>,
        %get3A_993 = vector.shape_cast %get3A_992 : vector<1x1x1x16xf32> to vector<16xf32>
        %mul3A_994 = arith.constant 8.000000e+00 : f32
        %mul3A_995 = vector.broadcast %mul3A_994 : f32 to vector<16xf32>
        %mul3A_996 = arith.mulf %get3A_993, %mul3A_995 : vector<16xf32>
        %swap3A_997 = arith.constant 2 : i32
        %swap3A_998 = arith.constant 3 : i32
        %swap3A_999 = arith.index_cast %swap3A_997 : i32 to index
        %swap3A_1000 = arith.index_cast %swap3A_998 : i32 to index
        %swap3A_1001 = arith.index_cast %scan3A_707 : i32 to index
        %swap3A_1002 = arith.constant 32 : index
        %swap3A_1003 = tpu.vector_load %arg6[%swap3A_999, %swap3A_1000, %swap3A_1001, %swap3A_1002] {strides = array<i32>} : memref<4x4x50x64xf32, #tpu.memory_space<vmem>>, vector<1x1x1x16xf32>,
        %swap3A_1004 = vector.shape_cast %swap3A_1003 : vector<1x1x1x16xf32> to vector<16xf32>
        %swap3A_1005 = vector.shape_cast %mul3A_996 : vector<16xf32> to vector<1x1x1x16xf32>
        tpu.vector_store %arg6[%swap3A_999, %swap3A_1000, %swap3A_1001, %swap3A_1002], %swap3A_1005 {strides = array<i32>} : memref<4x4x50x64xf32, #tpu.memory_space<vmem>>, vector<1x1x1x16xf32>,
        %get3A_1006 = arith.constant 2 : i32
        %get3A_1007 = arith.constant 3 : i32
        %get3A_1008 = arith.index_cast %get3A_1006 : i32 to index
        %get3A_1009 = arith.index_cast %get3A_1007 : i32 to index
        %get3A_1010 = arith.index_cast %scan3A_707 : i32 to index
        %get3A_1011 = arith.constant 48 : index
        %get3A_1012 = tpu.vector_load %arg6[%get3A_1008, %get3A_1009, %get3A_1010, %get3A_1011] {strides = array<i32>} : memref<4x4x50x64xf32, #tpu.memory_space<vmem>>, vector<1x1x1x16xf32>,
        %get3A_1013 = vector.shape_cast %get3A_1012 : vector<1x1x1x16xf32> to vector<16xf32>
        %mul3A_1014 = arith.constant 8.000000e+00 : f32
        %mul3A_1015 = vector.broadcast %mul3A_1014 : f32 to vector<16xf32>
        %mul3A_1016 = arith.mulf %get3A_1013, %mul3A_1015 : vector<16xf32>
        %swap3A_1017 = arith.constant 2 : i32
        %swap3A_1018 = arith.constant 3 : i32
        %swap3A_1019 = arith.index_cast %swap3A_1017 : i32 to index
        %swap3A_1020 = arith.index_cast %swap3A_1018 : i32 to index
        %swap3A_1021 = arith.index_cast %scan3A_707 : i32 to index
        %swap3A_1022 = arith.constant 48 : index
        %swap3A_1023 = tpu.vector_load %arg6[%swap3A_1019, %swap3A_1020, %swap3A_1021, %swap3A_1022] {strides = array<i32>} : memref<4x4x50x64xf32, #tpu.memory_space<vmem>>, vector<1x1x1x16xf32>,
        %swap3A_1024 = vector.shape_cast %swap3A_1023 : vector<1x1x1x16xf32> to vector<16xf32>
        %swap3A_1025 = vector.shape_cast %mul3A_1016 : vector<16xf32> to vector<1x1x1x16xf32>
        tpu.vector_store %arg6[%swap3A_1019, %swap3A_1020, %swap3A_1021, %swap3A_1022], %swap3A_1025 {strides = array<i32>} : memref<4x4x50x64xf32, #tpu.memory_space<vmem>>, vector<1x1x1x16xf32>,
      }
      %scan3A_568 = arith.constant 50 : i32
      %mul3A_569 = arith.constant 4 : i32
      %mul3A_570 = arith.muli %add3A_498, %mul3A_569 : i32
      %add3A_571 = arith.addi %mul3A_2, %mul3A_570 : i32
      %dma_start3A_572 = arith.constant 2 : i32
      %dma_start3A_573 = arith.constant 2 : i32
      %dma_start3A_574 = arith.constant 0 : i32
      %dma_start3A_575 = arith.constant 0 : i32
      %dma_start3A_576 = arith.constant 0 : i32
      %dma_start3A_577 = tpu.memref_slice %arg6[%dma_start3A_572, %dma_start3A_574, %dma_start3A_575, %dma_start3A_576] : memref<4x4x50x64xf32, #tpu.memory_space<vmem>> -> memref<1x4x50x64xf32, #tpu.memory_space<vmem>>
      %dma_start3A_578 = tpu.memref_squeeze %dma_start3A_577 : memref<1x4x50x64xf32, #tpu.memory_space<vmem>> -> memref<4x50x64xf32, #tpu.memory_space<vmem>>
      %dma_start3A_579 = arith.constant 0 : i32
      %dma_start3A_580 = arith.constant 0 : i32
      %dma_start3A_581 = tpu.memref_slice %arg4[%add3A_571, %dma_start3A_579, %dma_start3A_580] : memref<16384x50x64xf32, #tpu.memory_space<hbm>> -> memref<4x50x64xf32, #tpu.memory_space<hbm>>
      %dma_start3A_582 = tpu.memref_slice %arg8[%dma_start3A_573] : memref<4x!tpu.dma_semaphore, #tpu.memory_space<semaphore_mem>> -> memref<1x!tpu.dma_semaphore, #tpu.memory_space<semaphore_mem>>
      %dma_start3A_583 = tpu.memref_squeeze %dma_start3A_582 : memref<1x!tpu.dma_semaphore, #tpu.memory_space<semaphore_mem>> -> memref<!tpu.dma_semaphore, #tpu.memory_space<semaphore_mem>>
      %dma_start3A_584 = arith.constant 0 : i32
      %dma_start3A_585 = arith.constant 0 : i32
      %dma_start3A_586 = tpu.memref_slice %arg4[%add3A_571, %dma_start3A_584, %dma_start3A_585] : memref<16384x50x64xf32, #tpu.memory_space<hbm>> -> memref<4x50x64xf32, #tpu.memory_space<hbm>>
      %dma_start3A_587 = arith.constant 0 : i32
      %dma_start3A_588 = arith.constant 0 : i32
      %dma_start3A_589 = arith.constant 0 : i32
      %dma_start3A_590 = tpu.memref_slice %arg6[%dma_start3A_572, %dma_start3A_587, %dma_start3A_588, %dma_start3A_589] : memref<4x4x50x64xf32, #tpu.memory_space<vmem>> -> memref<1x4x50x64xf32, #tpu.memory_space<vmem>>
      %dma_start3A_591 = tpu.memref_squeeze %dma_start3A_590 : memref<1x4x50x64xf32, #tpu.memory_space<vmem>> -> memref<4x50x64xf32, #tpu.memory_space<vmem>>
      tpu.enqueue_dma source(%dma_start3A_591 : memref<4x50x64xf32, #tpu.memory_space<vmem>>) target(%dma_start3A_586 : memref<4x50x64xf32, #tpu.memory_space<hbm>>) target_semaphore(%dma_start3A_583 : memref<!tpu.dma_semaphore, #tpu.memory_space<semaphore_mem>>)
      %add3A_592 = arith.constant 4 : i32
      %add3A_593 = arith.addi %add3A_498, %add3A_592 : i32
      %sub3A_594 = arith.constant 1 : i32
      %sub3A_595 = arith.subi %add3A_593, %sub3A_594 : i32
      %lt3A_596 = arith.constant 128 : i32
      %lt3A_597 = arith.cmpi slt, %sub3A_595, %lt3A_596 : i32
      %convert_element_type3A_598 = arith.extui %lt3A_597 : i1 to i32
      %cond3A_599 = arith.constant 0 : i32
      %cond3A_600 = arith.cmpi ne, %convert_element_type3A_598, %cond3A_599 : i32
      scf.if %cond3A_600 {
        %ge3A = arith.constant 1 : i32
        %ge3A_707 = arith.cmpi sge, %add3A_498, %ge3A : i32
        %convert_element_type3A_708 = arith.extui %ge3A_707 : i1 to i32
        %cond3A_709 = arith.constant 0 : i32
        %cond3A_710 = arith.cmpi ne, %convert_element_type3A_708, %cond3A_709 : i32
        scf.if %cond3A_710 {
          %dma_wait3A_791 = arith.constant 1 : i32
          %dma_wait3A_792 = arith.constant 1 : i32
          %dma_wait3A_793 = arith.constant 0 : i32
          %dma_wait3A_794 = arith.constant 0 : i32
          %dma_wait3A_795 = arith.constant 0 : i32
          %dma_wait3A_796 = tpu.memref_slice %arg6[%dma_wait3A_791, %dma_wait3A_793, %dma_wait3A_794, %dma_wait3A_795] : memref<4x4x50x64xf32, #tpu.memory_space<vmem>> -> memref<1x4x50x64xf32, #tpu.memory_space<vmem>>
          %dma_wait3A_797 = tpu.memref_squeeze %dma_wait3A_796 : memref<1x4x50x64xf32, #tpu.memory_space<vmem>> -> memref<4x50x64xf32, #tpu.memory_space<vmem>>
          %dma_wait3A_798 = arith.constant 0 : i32
          %dma_wait3A_799 = arith.constant 0 : i32
          %dma_wait3A_800 = arith.constant 0 : i32
          %dma_wait3A_801 = tpu.memref_slice %arg4[%dma_wait3A_798, %dma_wait3A_799, %dma_wait3A_800] : memref<16384x50x64xf32, #tpu.memory_space<hbm>> -> memref<4x50x64xf32, #tpu.memory_space<hbm>>
          %dma_wait3A_802 = tpu.memref_slice %arg8[%dma_wait3A_792] : memref<4x!tpu.dma_semaphore, #tpu.memory_space<semaphore_mem>> -> memref<1x!tpu.dma_semaphore, #tpu.memory_space<semaphore_mem>>
          %dma_wait3A_803 = tpu.memref_squeeze %dma_wait3A_802 : memref<1x!tpu.dma_semaphore, #tpu.memory_space<semaphore_mem>> -> memref<!tpu.dma_semaphore, #tpu.memory_space<semaphore_mem>>
          %dma_wait3A_804 = arith.constant 0 : i32
          %dma_wait3A_805 = arith.constant 0 : i32
          %dma_wait3A_806 = arith.constant 0 : i32
          %dma_wait3A_807 = tpu.memref_slice %arg4[%dma_wait3A_804, %dma_wait3A_805, %dma_wait3A_806] : memref<16384x50x64xf32, #tpu.memory_space<hbm>> -> memref<4x50x64xf32, #tpu.memory_space<hbm>>
          %dma_wait3A_808 = arith.constant 0 : i32
          %dma_wait3A_809 = arith.constant 0 : i32
          %dma_wait3A_810 = arith.constant 0 : i32
          %dma_wait3A_811 = tpu.memref_slice %arg6[%dma_wait3A_791, %dma_wait3A_808, %dma_wait3A_809, %dma_wait3A_810] : memref<4x4x50x64xf32, #tpu.memory_space<vmem>> -> memref<1x4x50x64xf32, #tpu.memory_space<vmem>>
          %dma_wait3A_812 = tpu.memref_squeeze %dma_wait3A_811 : memref<1x4x50x64xf32, #tpu.memory_space<vmem>> -> memref<4x50x64xf32, #tpu.memory_space<vmem>>
          tpu.wait_dma2 semaphore(%dma_wait3A_803 : memref<!tpu.dma_semaphore, #tpu.memory_space<semaphore_mem>>) src(%dma_wait3A_812 : memref<4x50x64xf32, #tpu.memory_space<vmem>>) dst(%dma_wait3A_807 : memref<4x50x64xf32, #tpu.memory_space<hbm>>)
        } else {
        }
        %add3A_711 = arith.constant 4 : i32
        %add3A_712 = arith.addi %add3A_498, %add3A_711 : i32
        %sub3A_713 = arith.constant 1 : i32
        %sub3A_714 = arith.subi %add3A_712, %sub3A_713 : i32
        %mul3A_715 = arith.constant 4 : i32
        %mul3A_716 = arith.muli %sub3A_714, %mul3A_715 : i32
        %add3A_717 = arith.constant 0 : i32
        %add3A_718 = arith.addi %mul3A_716, %add3A_717 : i32
        %dma_start3A_719 = arith.constant 1 : i32
        %dma_start3A_720 = arith.constant 0 : i32
        %dma_start3A_721 = arith.constant 1 : i32
        %dma_start3A_722 = arith.constant 0 : i32
        %dma_start3A_723 = arith.constant 0 : i32
        %dma_start3A_724 = tpu.memref_slice %arg6[%dma_start3A_719, %dma_start3A_720, %dma_start3A_722, %dma_start3A_723] : memref<4x4x50x64xf32, #tpu.memory_space<vmem>> -> memref<1x1x50x64xf32, #tpu.memory_space<vmem>>
        %dma_start3A_725 = tpu.memref_squeeze %dma_start3A_724 : memref<1x1x50x64xf32, #tpu.memory_space<vmem>> -> memref<50x64xf32, #tpu.memory_space<vmem>>
        %dma_start3A_726 = arith.constant 0 : i32
        %dma_start3A_727 = tpu.memref_slice %arg5[%add3A_718, %dma_start3A_726] : memref<512x50xi32, #tpu.memory_space<vmem>> -> memref<1x50xi32, #tpu.memory_space<vmem>>
        %dma_start3A_728 = tpu.memref_squeeze %dma_start3A_727 : memref<1x50xi32, #tpu.memory_space<vmem>> -> memref<50xi32, #tpu.memory_space<vmem>>
        %dma_start3A_729 = arith.constant 0 : i32
        %dma_start3A_730 = arith.constant 0 : i32
        %dma_start3A_731 = tpu.memref_slice %arg3[%dma_start3A_729, %dma_start3A_730] : memref<1000000x64xf32, #tpu.memory_space<hbm>> -> memref<1000000x64xf32, #tpu.memory_space<hbm>>
        %dma_start3A_732 = tpu.memref_slice %arg7[%dma_start3A_721] : memref<4x!tpu.dma_semaphore, #tpu.memory_space<semaphore_mem>> -> memref<1x!tpu.dma_semaphore, #tpu.memory_space<semaphore_mem>>
        %dma_start3A_733 = tpu.memref_squeeze %dma_start3A_732 : memref<1x!tpu.dma_semaphore, #tpu.memory_space<semaphore_mem>> -> memref<!tpu.dma_semaphore, #tpu.memory_space<semaphore_mem>>
        tpu.enqueue_indirect_dma source(%dma_start3A_731 : memref<1000000x64xf32, #tpu.memory_space<hbm>>) target(%dma_start3A_725 : memref<50x64xf32, #tpu.memory_space<vmem>>) offsets(%dma_start3A_728 : memref<50xi32, #tpu.memory_space<vmem>>) semaphore(%dma_start3A_733 : memref<!tpu.dma_semaphore, #tpu.memory_space<semaphore_mem>>)
        %mul3A_734 = arith.constant 4 : i32
        %mul3A_735 = arith.muli %sub3A_714, %mul3A_734 : i32
        %add3A_736 = arith.constant 1 : i32
        %add3A_737 = arith.addi %mul3A_735, %add3A_736 : i32
        %dma_start3A_738 = arith.constant 1 : i32
        %dma_start3A_739 = arith.constant 1 : i32
        %dma_start3A_740 = arith.constant 1 : i32
        %dma_start3A_741 = arith.constant 0 : i32
        %dma_start3A_742 = arith.constant 0 : i32
        %dma_start3A_743 = tpu.memref_slice %arg6[%dma_start3A_738, %dma_start3A_739, %dma_start3A_741, %dma_start3A_742] : memref<4x4x50x64xf32, #tpu.memory_space<vmem>> -> memref<1x1x50x64xf32, #tpu.memory_space<vmem>>
        %dma_start3A_744 = tpu.memref_squeeze %dma_start3A_743 : memref<1x1x50x64xf32, #tpu.memory_space<vmem>> -> memref<50x64xf32, #tpu.memory_space<vmem>>
        %dma_start3A_745 = arith.constant 0 : i32
        %dma_start3A_746 = tpu.memref_slice %arg5[%add3A_737, %dma_start3A_745] : memref<512x50xi32, #tpu.memory_space<vmem>> -> memref<1x50xi32, #tpu.memory_space<vmem>>
        %dma_start3A_747 = tpu.memref_squeeze %dma_start3A_746 : memref<1x50xi32, #tpu.memory_space<vmem>> -> memref<50xi32, #tpu.memory_space<vmem>>
        %dma_start3A_748 = arith.constant 0 : i32
        %dma_start3A_749 = arith.constant 0 : i32
        %dma_start3A_750 = tpu.memref_slice %arg3[%dma_start3A_748, %dma_start3A_749] : memref<1000000x64xf32, #tpu.memory_space<hbm>> -> memref<1000000x64xf32, #tpu.memory_space<hbm>>
        %dma_start3A_751 = tpu.memref_slice %arg7[%dma_start3A_740] : memref<4x!tpu.dma_semaphore, #tpu.memory_space<semaphore_mem>> -> memref<1x!tpu.dma_semaphore, #tpu.memory_space<semaphore_mem>>
        %dma_start3A_752 = tpu.memref_squeeze %dma_start3A_751 : memref<1x!tpu.dma_semaphore, #tpu.memory_space<semaphore_mem>> -> memref<!tpu.dma_semaphore, #tpu.memory_space<semaphore_mem>>
        tpu.enqueue_indirect_dma source(%dma_start3A_750 : memref<1000000x64xf32, #tpu.memory_space<hbm>>) target(%dma_start3A_744 : memref<50x64xf32, #tpu.memory_space<vmem>>) offsets(%dma_start3A_747 : memref<50xi32, #tpu.memory_space<vmem>>) semaphore(%dma_start3A_752 : memref<!tpu.dma_semaphore, #tpu.memory_space<semaphore_mem>>)
        %mul3A_753 = arith.constant 4 : i32
        %mul3A_754 = arith.muli %sub3A_714, %mul3A_753 : i32
        %add3A_755 = arith.constant 2 : i32
        %add3A_756 = arith.addi %mul3A_754, %add3A_755 : i32
        %dma_start3A_757 = arith.constant 1 : i32
        %dma_start3A_758 = arith.constant 2 : i32
        %dma_start3A_759 = arith.constant 1 : i32
        %dma_start3A_760 = arith.constant 0 : i32
        %dma_start3A_761 = arith.constant 0 : i32
        %dma_start3A_762 = tpu.memref_slice %arg6[%dma_start3A_757, %dma_start3A_758, %dma_start3A_760, %dma_start3A_761] : memref<4x4x50x64xf32, #tpu.memory_space<vmem>> -> memref<1x1x50x64xf32, #tpu.memory_space<vmem>>
        %dma_start3A_763 = tpu.memref_squeeze %dma_start3A_762 : memref<1x1x50x64xf32, #tpu.memory_space<vmem>> -> memref<50x64xf32, #tpu.memory_space<vmem>>
        %dma_start3A_764 = arith.constant 0 : i32
        %dma_start3A_765 = tpu.memref_slice %arg5[%add3A_756, %dma_start3A_764] : memref<512x50xi32, #tpu.memory_space<vmem>> -> memref<1x50xi32, #tpu.memory_space<vmem>>
        %dma_start3A_766 = tpu.memref_squeeze %dma_start3A_765 : memref<1x50xi32, #tpu.memory_space<vmem>> -> memref<50xi32, #tpu.memory_space<vmem>>
        %dma_start3A_767 = arith.constant 0 : i32
        %dma_start3A_768 = arith.constant 0 : i32
        %dma_start3A_769 = tpu.memref_slice %arg3[%dma_start3A_767, %dma_start3A_768] : memref<1000000x64xf32, #tpu.memory_space<hbm>> -> memref<1000000x64xf32, #tpu.memory_space<hbm>>
        %dma_start3A_770 = tpu.memref_slice %arg7[%dma_start3A_759] : memref<4x!tpu.dma_semaphore, #tpu.memory_space<semaphore_mem>> -> memref<1x!tpu.dma_semaphore, #tpu.memory_space<semaphore_mem>>
        %dma_start3A_771 = tpu.memref_squeeze %dma_start3A_770 : memref<1x!tpu.dma_semaphore, #tpu.memory_space<semaphore_mem>> -> memref<!tpu.dma_semaphore, #tpu.memory_space<semaphore_mem>>
        tpu.enqueue_indirect_dma source(%dma_start3A_769 : memref<1000000x64xf32, #tpu.memory_space<hbm>>) target(%dma_start3A_763 : memref<50x64xf32, #tpu.memory_space<vmem>>) offsets(%dma_start3A_766 : memref<50xi32, #tpu.memory_space<vmem>>) semaphore(%dma_start3A_771 : memref<!tpu.dma_semaphore, #tpu.memory_space<semaphore_mem>>)
        %mul3A_772 = arith.constant 4 : i32
        %mul3A_773 = arith.muli %sub3A_714, %mul3A_772 : i32
        %add3A_774 = arith.constant 3 : i32
        %add3A_775 = arith.addi %mul3A_773, %add3A_774 : i32
        %dma_start3A_776 = arith.constant 1 : i32
        %dma_start3A_777 = arith.constant 3 : i32
        %dma_start3A_778 = arith.constant 1 : i32
        %dma_start3A_779 = arith.constant 0 : i32
        %dma_start3A_780 = arith.constant 0 : i32
        %dma_start3A_781 = tpu.memref_slice %arg6[%dma_start3A_776, %dma_start3A_777, %dma_start3A_779, %dma_start3A_780] : memref<4x4x50x64xf32, #tpu.memory_space<vmem>> -> memref<1x1x50x64xf32, #tpu.memory_space<vmem>>
        %dma_start3A_782 = tpu.memref_squeeze %dma_start3A_781 : memref<1x1x50x64xf32, #tpu.memory_space<vmem>> -> memref<50x64xf32, #tpu.memory_space<vmem>>
        %dma_start3A_783 = arith.constant 0 : i32
        %dma_start3A_784 = tpu.memref_slice %arg5[%add3A_775, %dma_start3A_783] : memref<512x50xi32, #tpu.memory_space<vmem>> -> memref<1x50xi32, #tpu.memory_space<vmem>>
        %dma_start3A_785 = tpu.memref_squeeze %dma_start3A_784 : memref<1x50xi32, #tpu.memory_space<vmem>> -> memref<50xi32, #tpu.memory_space<vmem>>
        %dma_start3A_786 = arith.constant 0 : i32
        %dma_start3A_787 = arith.constant 0 : i32
        %dma_start3A_788 = tpu.memref_slice %arg3[%dma_start3A_786, %dma_start3A_787] : memref<1000000x64xf32, #tpu.memory_space<hbm>> -> memref<1000000x64xf32, #tpu.memory_space<hbm>>
        %dma_start3A_789 = tpu.memref_slice %arg7[%dma_start3A_778] : memref<4x!tpu.dma_semaphore, #tpu.memory_space<semaphore_mem>> -> memref<1x!tpu.dma_semaphore, #tpu.memory_space<semaphore_mem>>
        %dma_start3A_790 = tpu.memref_squeeze %dma_start3A_789 : memref<1x!tpu.dma_semaphore, #tpu.memory_space<semaphore_mem>> -> memref<!tpu.dma_semaphore, #tpu.memory_space<semaphore_mem>>
        tpu.enqueue_indirect_dma source(%dma_start3A_788 : memref<1000000x64xf32, #tpu.memory_space<hbm>>) target(%dma_start3A_782 : memref<50x64xf32, #tpu.memory_space<vmem>>) offsets(%dma_start3A_785 : memref<50xi32, #tpu.memory_space<vmem>>) semaphore(%dma_start3A_790 : memref<!tpu.dma_semaphore, #tpu.memory_space<semaphore_mem>>)
      } else {
      }
      %mul3A_601 = arith.constant 4 : i32
      %mul3A_602 = arith.muli %scan3A_286, %mul3A_601 : i32
      %add3A_603 = arith.constant 3 : i32
      %add3A_604 = arith.addi %mul3A_602, %add3A_603 : i32
      %dma_wait3A_605 = arith.constant 0 : i32
      %dma_wait3A_606 = arith.constant 3 : i32
      %dma_wait3A_607 = arith.constant 0 : i32
      %dma_wait3A_608 = arith.constant 3 : i32
      %dma_wait3A_609 = arith.constant 0 : i32
      %dma_wait3A_610 = arith.constant 0 : i32
      %dma_wait3A_611 = tpu.memref_slice %arg6[%dma_wait3A_606, %dma_wait3A_607, %dma_wait3A_609, %dma_wait3A_610] : memref<4x4x50x64xf32, #tpu.memory_space<vmem>> -> memref<1x1x50x64xf32, #tpu.memory_space<vmem>>
      %dma_wait3A_612 = tpu.memref_squeeze %dma_wait3A_611 : memref<1x1x50x64xf32, #tpu.memory_space<vmem>> -> memref<50x64xf32, #tpu.memory_space<vmem>>
      %dma_wait3A_613 = arith.constant 0 : i32
      %dma_wait3A_614 = tpu.memref_slice %arg5[%dma_wait3A_605, %dma_wait3A_613] : memref<512x50xi32, #tpu.memory_space<vmem>> -> memref<1x50xi32, #tpu.memory_space<vmem>>
      %dma_wait3A_615 = tpu.memref_squeeze %dma_wait3A_614 : memref<1x50xi32, #tpu.memory_space<vmem>> -> memref<50xi32, #tpu.memory_space<vmem>>
      %dma_wait3A_616 = arith.constant 0 : i32
      %dma_wait3A_617 = arith.constant 0 : i32
      %dma_wait3A_618 = tpu.memref_slice %arg3[%dma_wait3A_616, %dma_wait3A_617] : memref<1000000x64xf32, #tpu.memory_space<hbm>> -> memref<1000000x64xf32, #tpu.memory_space<hbm>>
      %dma_wait3A_619 = tpu.memref_slice %arg7[%dma_wait3A_608] : memref<4x!tpu.dma_semaphore, #tpu.memory_space<semaphore_mem>> -> memref<1x!tpu.dma_semaphore, #tpu.memory_space<semaphore_mem>>
      %dma_wait3A_620 = tpu.memref_squeeze %dma_wait3A_619 : memref<1x!tpu.dma_semaphore, #tpu.memory_space<semaphore_mem>> -> memref<!tpu.dma_semaphore, #tpu.memory_space<semaphore_mem>>
      tpu.wait_indirect_dma semaphore(%dma_wait3A_620 : memref<!tpu.dma_semaphore, #tpu.memory_space<semaphore_mem>>) src(%dma_wait3A_618 : memref<1000000x64xf32, #tpu.memory_space<hbm>>) dst(%dma_wait3A_612 : memref<50x64xf32, #tpu.memory_space<vmem>>)
      %dma_wait3A_621 = arith.constant 1 : i32
      %dma_wait3A_622 = arith.constant 3 : i32
      %dma_wait3A_623 = arith.constant 1 : i32
      %dma_wait3A_624 = arith.constant 3 : i32
      %dma_wait3A_625 = arith.constant 0 : i32
      %dma_wait3A_626 = arith.constant 0 : i32
      %dma_wait3A_627 = tpu.memref_slice %arg6[%dma_wait3A_622, %dma_wait3A_623, %dma_wait3A_625, %dma_wait3A_626] : memref<4x4x50x64xf32, #tpu.memory_space<vmem>> -> memref<1x1x50x64xf32, #tpu.memory_space<vmem>>
      %dma_wait3A_628 = tpu.memref_squeeze %dma_wait3A_627 : memref<1x1x50x64xf32, #tpu.memory_space<vmem>> -> memref<50x64xf32, #tpu.memory_space<vmem>>
      %dma_wait3A_629 = arith.constant 0 : i32
      %dma_wait3A_630 = tpu.memref_slice %arg5[%dma_wait3A_621, %dma_wait3A_629] : memref<512x50xi32, #tpu.memory_space<vmem>> -> memref<1x50xi32, #tpu.memory_space<vmem>>
      %dma_wait3A_631 = tpu.memref_squeeze %dma_wait3A_630 : memref<1x50xi32, #tpu.memory_space<vmem>> -> memref<50xi32, #tpu.memory_space<vmem>>
      %dma_wait3A_632 = arith.constant 0 : i32
      %dma_wait3A_633 = arith.constant 0 : i32
      %dma_wait3A_634 = tpu.memref_slice %arg3[%dma_wait3A_632, %dma_wait3A_633] : memref<1000000x64xf32, #tpu.memory_space<hbm>> -> memref<1000000x64xf32, #tpu.memory_space<hbm>>
      %dma_wait3A_635 = tpu.memref_slice %arg7[%dma_wait3A_624] : memref<4x!tpu.dma_semaphore, #tpu.memory_space<semaphore_mem>> -> memref<1x!tpu.dma_semaphore, #tpu.memory_space<semaphore_mem>>
      %dma_wait3A_636 = tpu.memref_squeeze %dma_wait3A_635 : memref<1x!tpu.dma_semaphore, #tpu.memory_space<semaphore_mem>> -> memref<!tpu.dma_semaphore, #tpu.memory_space<semaphore_mem>>
      tpu.wait_indirect_dma semaphore(%dma_wait3A_636 : memref<!tpu.dma_semaphore, #tpu.memory_space<semaphore_mem>>) src(%dma_wait3A_634 : memref<1000000x64xf32, #tpu.memory_space<hbm>>) dst(%dma_wait3A_628 : memref<50x64xf32, #tpu.memory_space<vmem>>)
      %dma_wait3A_637 = arith.constant 2 : i32
      %dma_wait3A_638 = arith.constant 3 : i32
      %dma_wait3A_639 = arith.constant 2 : i32
      %dma_wait3A_640 = arith.constant 3 : i32
      %dma_wait3A_641 = arith.constant 0 : i32
      %dma_wait3A_642 = arith.constant 0 : i32
      %dma_wait3A_643 = tpu.memref_slice %arg6[%dma_wait3A_638, %dma_wait3A_639, %dma_wait3A_641, %dma_wait3A_642] : memref<4x4x50x64xf32, #tpu.memory_space<vmem>> -> memref<1x1x50x64xf32, #tpu.memory_space<vmem>>
      %dma_wait3A_644 = tpu.memref_squeeze %dma_wait3A_643 : memref<1x1x50x64xf32, #tpu.memory_space<vmem>> -> memref<50x64xf32, #tpu.memory_space<vmem>>
      %dma_wait3A_645 = arith.constant 0 : i32
      %dma_wait3A_646 = tpu.memref_slice %arg5[%dma_wait3A_637, %dma_wait3A_645] : memref<512x50xi32, #tpu.memory_space<vmem>> -> memref<1x50xi32, #tpu.memory_space<vmem>>
      %dma_wait3A_647 = tpu.memref_squeeze %dma_wait3A_646 : memref<1x50xi32, #tpu.memory_space<vmem>> -> memref<50xi32, #tpu.memory_space<vmem>>
      %dma_wait3A_648 = arith.constant 0 : i32
      %dma_wait3A_649 = arith.constant 0 : i32
      %dma_wait3A_650 = tpu.memref_slice %arg3[%dma_wait3A_648, %dma_wait3A_649] : memref<1000000x64xf32, #tpu.memory_space<hbm>> -> memref<1000000x64xf32, #tpu.memory_space<hbm>>
      %dma_wait3A_651 = tpu.memref_slice %arg7[%dma_wait3A_640] : memref<4x!tpu.dma_semaphore, #tpu.memory_space<semaphore_mem>> -> memref<1x!tpu.dma_semaphore, #tpu.memory_space<semaphore_mem>>
      %dma_wait3A_652 = tpu.memref_squeeze %dma_wait3A_651 : memref<1x!tpu.dma_semaphore, #tpu.memory_space<semaphore_mem>> -> memref<!tpu.dma_semaphore, #tpu.memory_space<semaphore_mem>>
      tpu.wait_indirect_dma semaphore(%dma_wait3A_652 : memref<!tpu.dma_semaphore, #tpu.memory_space<semaphore_mem>>) src(%dma_wait3A_650 : memref<1000000x64xf32, #tpu.memory_space<hbm>>) dst(%dma_wait3A_644 : memref<50x64xf32, #tpu.memory_space<vmem>>)
      %dma_wait3A_653 = arith.constant 3 : i32
      %dma_wait3A_654 = arith.constant 3 : i32
      %dma_wait3A_655 = arith.constant 3 : i32
      %dma_wait3A_656 = arith.constant 3 : i32
      %dma_wait3A_657 = arith.constant 0 : i32
      %dma_wait3A_658 = arith.constant 0 : i32
      %dma_wait3A_659 = tpu.memref_slice %arg6[%dma_wait3A_654, %dma_wait3A_655, %dma_wait3A_657, %dma_wait3A_658] : memref<4x4x50x64xf32, #tpu.memory_space<vmem>> -> memref<1x1x50x64xf32, #tpu.memory_space<vmem>>
      %dma_wait3A_660 = tpu.memref_squeeze %dma_wait3A_659 : memref<1x1x50x64xf32, #tpu.memory_space<vmem>> -> memref<50x64xf32, #tpu.memory_space<vmem>>
      %dma_wait3A_661 = arith.constant 0 : i32
      %dma_wait3A_662 = tpu.memref_slice %arg5[%dma_wait3A_653, %dma_wait3A_661] : memref<512x50xi32, #tpu.memory_space<vmem>> -> memref<1x50xi32, #tpu.memory_space<vmem>>
      %dma_wait3A_663 = tpu.memref_squeeze %dma_wait3A_662 : memref<1x50xi32, #tpu.memory_space<vmem>> -> memref<50xi32, #tpu.memory_space<vmem>>
      %dma_wait3A_664 = arith.constant 0 : i32
      %dma_wait3A_665 = arith.constant 0 : i32
      %dma_wait3A_666 = tpu.memref_slice %arg3[%dma_wait3A_664, %dma_wait3A_665] : memref<1000000x64xf32, #tpu.memory_space<hbm>> -> memref<1000000x64xf32, #tpu.memory_space<hbm>>
      %dma_wait3A_667 = tpu.memref_slice %arg7[%dma_wait3A_656] : memref<4x!tpu.dma_semaphore, #tpu.memory_space<semaphore_mem>> -> memref<1x!tpu.dma_semaphore, #tpu.memory_space<semaphore_mem>>
      %dma_wait3A_668 = tpu.memref_squeeze %dma_wait3A_667 : memref<1x!tpu.dma_semaphore, #tpu.memory_space<semaphore_mem>> -> memref<!tpu.dma_semaphore, #tpu.memory_space<semaphore_mem>>
      tpu.wait_indirect_dma semaphore(%dma_wait3A_668 : memref<!tpu.dma_semaphore, #tpu.memory_space<semaphore_mem>>) src(%dma_wait3A_666 : memref<1000000x64xf32, #tpu.memory_space<hbm>>) dst(%dma_wait3A_660 : memref<50x64xf32, #tpu.memory_space<vmem>>)
      %scan3A_669 = arith.constant 0 : i32
      %scan3A_670 = arith.constant 0 : i32
      %scan3A_671 = arith.constant 50 : i32
      %scan3A_672 = arith.addi %scan3A_670, %scan3A_671 : i32
      %scan3A_673 = arith.constant 1 : i32
      scf.for %scan3A_707 = %scan3A_670 to %scan3A_672 step %scan3A_673  : i32 {
        %get3A = arith.constant 3 : i32
        %get3A_708 = arith.constant 0 : i32
        %get3A_709 = arith.index_cast %get3A : i32 to index
        %get3A_710 = arith.index_cast %get3A_708 : i32 to index
        %get3A_711 = arith.index_cast %scan3A_707 : i32 to index
        %get3A_712 = arith.constant 0 : index
        %get3A_713 = tpu.vector_load %arg6[%get3A_709, %get3A_710, %get3A_711, %get3A_712] {strides = array<i32>} : memref<4x4x50x64xf32, #tpu.memory_space<vmem>>, vector<1x1x1x16xf32>,
        %get3A_714 = vector.shape_cast %get3A_713 : vector<1x1x1x16xf32> to vector<16xf32>
        %mul3A_715 = arith.constant 8.000000e+00 : f32
        %mul3A_716 = vector.broadcast %mul3A_715 : f32 to vector<16xf32>
        %mul3A_717 = arith.mulf %get3A_714, %mul3A_716 : vector<16xf32>
        %swap3A = arith.constant 3 : i32
        %swap3A_718 = arith.constant 0 : i32
        %swap3A_719 = arith.index_cast %swap3A : i32 to index
        %swap3A_720 = arith.index_cast %swap3A_718 : i32 to index
        %swap3A_721 = arith.index_cast %scan3A_707 : i32 to index
        %swap3A_722 = arith.constant 0 : index
        %swap3A_723 = tpu.vector_load %arg6[%swap3A_719, %swap3A_720, %swap3A_721, %swap3A_722] {strides = array<i32>} : memref<4x4x50x64xf32, #tpu.memory_space<vmem>>, vector<1x1x1x16xf32>,
        %swap3A_724 = vector.shape_cast %swap3A_723 : vector<1x1x1x16xf32> to vector<16xf32>
        %swap3A_725 = vector.shape_cast %mul3A_717 : vector<16xf32> to vector<1x1x1x16xf32>
        tpu.vector_store %arg6[%swap3A_719, %swap3A_720, %swap3A_721, %swap3A_722], %swap3A_725 {strides = array<i32>} : memref<4x4x50x64xf32, #tpu.memory_space<vmem>>, vector<1x1x1x16xf32>,
        %get3A_726 = arith.constant 3 : i32
        %get3A_727 = arith.constant 0 : i32
        %get3A_728 = arith.index_cast %get3A_726 : i32 to index
        %get3A_729 = arith.index_cast %get3A_727 : i32 to index
        %get3A_730 = arith.index_cast %scan3A_707 : i32 to index
        %get3A_731 = arith.constant 16 : index
        %get3A_732 = tpu.vector_load %arg6[%get3A_728, %get3A_729, %get3A_730, %get3A_731] {strides = array<i32>} : memref<4x4x50x64xf32, #tpu.memory_space<vmem>>, vector<1x1x1x16xf32>,
        %get3A_733 = vector.shape_cast %get3A_732 : vector<1x1x1x16xf32> to vector<16xf32>
        %mul3A_734 = arith.constant 8.000000e+00 : f32
        %mul3A_735 = vector.broadcast %mul3A_734 : f32 to vector<16xf32>
        %mul3A_736 = arith.mulf %get3A_733, %mul3A_735 : vector<16xf32>
        %swap3A_737 = arith.constant 3 : i32
        %swap3A_738 = arith.constant 0 : i32
        %swap3A_739 = arith.index_cast %swap3A_737 : i32 to index
        %swap3A_740 = arith.index_cast %swap3A_738 : i32 to index
        %swap3A_741 = arith.index_cast %scan3A_707 : i32 to index
        %swap3A_742 = arith.constant 16 : index
        %swap3A_743 = tpu.vector_load %arg6[%swap3A_739, %swap3A_740, %swap3A_741, %swap3A_742] {strides = array<i32>} : memref<4x4x50x64xf32, #tpu.memory_space<vmem>>, vector<1x1x1x16xf32>,
        %swap3A_744 = vector.shape_cast %swap3A_743 : vector<1x1x1x16xf32> to vector<16xf32>
        %swap3A_745 = vector.shape_cast %mul3A_736 : vector<16xf32> to vector<1x1x1x16xf32>
        tpu.vector_store %arg6[%swap3A_739, %swap3A_740, %swap3A_741, %swap3A_742], %swap3A_745 {strides = array<i32>} : memref<4x4x50x64xf32, #tpu.memory_space<vmem>>, vector<1x1x1x16xf32>,
        %get3A_746 = arith.constant 3 : i32
        %get3A_747 = arith.constant 0 : i32
        %get3A_748 = arith.index_cast %get3A_746 : i32 to index
        %get3A_749 = arith.index_cast %get3A_747 : i32 to index
        %get3A_750 = arith.index_cast %scan3A_707 : i32 to index
        %get3A_751 = arith.constant 32 : index
        %get3A_752 = tpu.vector_load %arg6[%get3A_748, %get3A_749, %get3A_750, %get3A_751] {strides = array<i32>} : memref<4x4x50x64xf32, #tpu.memory_space<vmem>>, vector<1x1x1x16xf32>,
        %get3A_753 = vector.shape_cast %get3A_752 : vector<1x1x1x16xf32> to vector<16xf32>
        %mul3A_754 = arith.constant 8.000000e+00 : f32
        %mul3A_755 = vector.broadcast %mul3A_754 : f32 to vector<16xf32>
        %mul3A_756 = arith.mulf %get3A_753, %mul3A_755 : vector<16xf32>
        %swap3A_757 = arith.constant 3 : i32
        %swap3A_758 = arith.constant 0 : i32
        %swap3A_759 = arith.index_cast %swap3A_757 : i32 to index
        %swap3A_760 = arith.index_cast %swap3A_758 : i32 to index
        %swap3A_761 = arith.index_cast %scan3A_707 : i32 to index
        %swap3A_762 = arith.constant 32 : index
        %swap3A_763 = tpu.vector_load %arg6[%swap3A_759, %swap3A_760, %swap3A_761, %swap3A_762] {strides = array<i32>} : memref<4x4x50x64xf32, #tpu.memory_space<vmem>>, vector<1x1x1x16xf32>,
        %swap3A_764 = vector.shape_cast %swap3A_763 : vector<1x1x1x16xf32> to vector<16xf32>
        %swap3A_765 = vector.shape_cast %mul3A_756 : vector<16xf32> to vector<1x1x1x16xf32>
        tpu.vector_store %arg6[%swap3A_759, %swap3A_760, %swap3A_761, %swap3A_762], %swap3A_765 {strides = array<i32>} : memref<4x4x50x64xf32, #tpu.memory_space<vmem>>, vector<1x1x1x16xf32>,
        %get3A_766 = arith.constant 3 : i32
        %get3A_767 = arith.constant 0 : i32
        %get3A_768 = arith.index_cast %get3A_766 : i32 to index
        %get3A_769 = arith.index_cast %get3A_767 : i32 to index
        %get3A_770 = arith.index_cast %scan3A_707 : i32 to index
        %get3A_771 = arith.constant 48 : index
        %get3A_772 = tpu.vector_load %arg6[%get3A_768, %get3A_769, %get3A_770, %get3A_771] {strides = array<i32>} : memref<4x4x50x64xf32, #tpu.memory_space<vmem>>, vector<1x1x1x16xf32>,
        %get3A_773 = vector.shape_cast %get3A_772 : vector<1x1x1x16xf32> to vector<16xf32>
        %mul3A_774 = arith.constant 8.000000e+00 : f32
        %mul3A_775 = vector.broadcast %mul3A_774 : f32 to vector<16xf32>
        %mul3A_776 = arith.mulf %get3A_773, %mul3A_775 : vector<16xf32>
        %swap3A_777 = arith.constant 3 : i32
        %swap3A_778 = arith.constant 0 : i32
        %swap3A_779 = arith.index_cast %swap3A_777 : i32 to index
        %swap3A_780 = arith.index_cast %swap3A_778 : i32 to index
        %swap3A_781 = arith.index_cast %scan3A_707 : i32 to index
        %swap3A_782 = arith.constant 48 : index
        %swap3A_783 = tpu.vector_load %arg6[%swap3A_779, %swap3A_780, %swap3A_781, %swap3A_782] {strides = array<i32>} : memref<4x4x50x64xf32, #tpu.memory_space<vmem>>, vector<1x1x1x16xf32>,
        %swap3A_784 = vector.shape_cast %swap3A_783 : vector<1x1x1x16xf32> to vector<16xf32>
        %swap3A_785 = vector.shape_cast %mul3A_776 : vector<16xf32> to vector<1x1x1x16xf32>
        tpu.vector_store %arg6[%swap3A_779, %swap3A_780, %swap3A_781, %swap3A_782], %swap3A_785 {strides = array<i32>} : memref<4x4x50x64xf32, #tpu.memory_space<vmem>>, vector<1x1x1x16xf32>,
        %get3A_786 = arith.constant 3 : i32
        %get3A_787 = arith.constant 1 : i32
        %get3A_788 = arith.index_cast %get3A_786 : i32 to index
        %get3A_789 = arith.index_cast %get3A_787 : i32 to index
        %get3A_790 = arith.index_cast %scan3A_707 : i32 to index
        %get3A_791 = arith.constant 0 : index
        %get3A_792 = tpu.vector_load %arg6[%get3A_788, %get3A_789, %get3A_790, %get3A_791] {strides = array<i32>} : memref<4x4x50x64xf32, #tpu.memory_space<vmem>>, vector<1x1x1x16xf32>,
        %get3A_793 = vector.shape_cast %get3A_792 : vector<1x1x1x16xf32> to vector<16xf32>
        %mul3A_794 = arith.constant 8.000000e+00 : f32
        %mul3A_795 = vector.broadcast %mul3A_794 : f32 to vector<16xf32>
        %mul3A_796 = arith.mulf %get3A_793, %mul3A_795 : vector<16xf32>
        %swap3A_797 = arith.constant 3 : i32
        %swap3A_798 = arith.constant 1 : i32
        %swap3A_799 = arith.index_cast %swap3A_797 : i32 to index
        %swap3A_800 = arith.index_cast %swap3A_798 : i32 to index
        %swap3A_801 = arith.index_cast %scan3A_707 : i32 to index
        %swap3A_802 = arith.constant 0 : index
        %swap3A_803 = tpu.vector_load %arg6[%swap3A_799, %swap3A_800, %swap3A_801, %swap3A_802] {strides = array<i32>} : memref<4x4x50x64xf32, #tpu.memory_space<vmem>>, vector<1x1x1x16xf32>,
        %swap3A_804 = vector.shape_cast %swap3A_803 : vector<1x1x1x16xf32> to vector<16xf32>
        %swap3A_805 = vector.shape_cast %mul3A_796 : vector<16xf32> to vector<1x1x1x16xf32>
        tpu.vector_store %arg6[%swap3A_799, %swap3A_800, %swap3A_801, %swap3A_802], %swap3A_805 {strides = array<i32>} : memref<4x4x50x64xf32, #tpu.memory_space<vmem>>, vector<1x1x1x16xf32>,
        %get3A_806 = arith.constant 3 : i32
        %get3A_807 = arith.constant 1 : i32
        %get3A_808 = arith.index_cast %get3A_806 : i32 to index
        %get3A_809 = arith.index_cast %get3A_807 : i32 to index
        %get3A_810 = arith.index_cast %scan3A_707 : i32 to index
        %get3A_811 = arith.constant 16 : index
        %get3A_812 = tpu.vector_load %arg6[%get3A_808, %get3A_809, %get3A_810, %get3A_811] {strides = array<i32>} : memref<4x4x50x64xf32, #tpu.memory_space<vmem>>, vector<1x1x1x16xf32>,
        %get3A_813 = vector.shape_cast %get3A_812 : vector<1x1x1x16xf32> to vector<16xf32>
        %mul3A_814 = arith.constant 8.000000e+00 : f32
        %mul3A_815 = vector.broadcast %mul3A_814 : f32 to vector<16xf32>
        %mul3A_816 = arith.mulf %get3A_813, %mul3A_815 : vector<16xf32>
        %swap3A_817 = arith.constant 3 : i32
        %swap3A_818 = arith.constant 1 : i32
        %swap3A_819 = arith.index_cast %swap3A_817 : i32 to index
        %swap3A_820 = arith.index_cast %swap3A_818 : i32 to index
        %swap3A_821 = arith.index_cast %scan3A_707 : i32 to index
        %swap3A_822 = arith.constant 16 : index
        %swap3A_823 = tpu.vector_load %arg6[%swap3A_819, %swap3A_820, %swap3A_821, %swap3A_822] {strides = array<i32>} : memref<4x4x50x64xf32, #tpu.memory_space<vmem>>, vector<1x1x1x16xf32>,
        %swap3A_824 = vector.shape_cast %swap3A_823 : vector<1x1x1x16xf32> to vector<16xf32>
        %swap3A_825 = vector.shape_cast %mul3A_816 : vector<16xf32> to vector<1x1x1x16xf32>
        tpu.vector_store %arg6[%swap3A_819, %swap3A_820, %swap3A_821, %swap3A_822], %swap3A_825 {strides = array<i32>} : memref<4x4x50x64xf32, #tpu.memory_space<vmem>>, vector<1x1x1x16xf32>,
        %get3A_826 = arith.constant 3 : i32
        %get3A_827 = arith.constant 1 : i32
        %get3A_828 = arith.index_cast %get3A_826 : i32 to index
        %get3A_829 = arith.index_cast %get3A_827 : i32 to index
        %get3A_830 = arith.index_cast %scan3A_707 : i32 to index
        %get3A_831 = arith.constant 32 : index
        %get3A_832 = tpu.vector_load %arg6[%get3A_828, %get3A_829, %get3A_830, %get3A_831] {strides = array<i32>} : memref<4x4x50x64xf32, #tpu.memory_space<vmem>>, vector<1x1x1x16xf32>,
        %get3A_833 = vector.shape_cast %get3A_832 : vector<1x1x1x16xf32> to vector<16xf32>
        %mul3A_834 = arith.constant 8.000000e+00 : f32
        %mul3A_835 = vector.broadcast %mul3A_834 : f32 to vector<16xf32>
        %mul3A_836 = arith.mulf %get3A_833, %mul3A_835 : vector<16xf32>
        %swap3A_837 = arith.constant 3 : i32
        %swap3A_838 = arith.constant 1 : i32
        %swap3A_839 = arith.index_cast %swap3A_837 : i32 to index
        %swap3A_840 = arith.index_cast %swap3A_838 : i32 to index
        %swap3A_841 = arith.index_cast %scan3A_707 : i32 to index
        %swap3A_842 = arith.constant 32 : index
        %swap3A_843 = tpu.vector_load %arg6[%swap3A_839, %swap3A_840, %swap3A_841, %swap3A_842] {strides = array<i32>} : memref<4x4x50x64xf32, #tpu.memory_space<vmem>>, vector<1x1x1x16xf32>,
        %swap3A_844 = vector.shape_cast %swap3A_843 : vector<1x1x1x16xf32> to vector<16xf32>
        %swap3A_845 = vector.shape_cast %mul3A_836 : vector<16xf32> to vector<1x1x1x16xf32>
        tpu.vector_store %arg6[%swap3A_839, %swap3A_840, %swap3A_841, %swap3A_842], %swap3A_845 {strides = array<i32>} : memref<4x4x50x64xf32, #tpu.memory_space<vmem>>, vector<1x1x1x16xf32>,
        %get3A_846 = arith.constant 3 : i32
        %get3A_847 = arith.constant 1 : i32
        %get3A_848 = arith.index_cast %get3A_846 : i32 to index
        %get3A_849 = arith.index_cast %get3A_847 : i32 to index
        %get3A_850 = arith.index_cast %scan3A_707 : i32 to index
        %get3A_851 = arith.constant 48 : index
        %get3A_852 = tpu.vector_load %arg6[%get3A_848, %get3A_849, %get3A_850, %get3A_851] {strides = array<i32>} : memref<4x4x50x64xf32, #tpu.memory_space<vmem>>, vector<1x1x1x16xf32>,
        %get3A_853 = vector.shape_cast %get3A_852 : vector<1x1x1x16xf32> to vector<16xf32>
        %mul3A_854 = arith.constant 8.000000e+00 : f32
        %mul3A_855 = vector.broadcast %mul3A_854 : f32 to vector<16xf32>
        %mul3A_856 = arith.mulf %get3A_853, %mul3A_855 : vector<16xf32>
        %swap3A_857 = arith.constant 3 : i32
        %swap3A_858 = arith.constant 1 : i32
        %swap3A_859 = arith.index_cast %swap3A_857 : i32 to index
        %swap3A_860 = arith.index_cast %swap3A_858 : i32 to index
        %swap3A_861 = arith.index_cast %scan3A_707 : i32 to index
        %swap3A_862 = arith.constant 48 : index
        %swap3A_863 = tpu.vector_load %arg6[%swap3A_859, %swap3A_860, %swap3A_861, %swap3A_862] {strides = array<i32>} : memref<4x4x50x64xf32, #tpu.memory_space<vmem>>, vector<1x1x1x16xf32>,
        %swap3A_864 = vector.shape_cast %swap3A_863 : vector<1x1x1x16xf32> to vector<16xf32>
        %swap3A_865 = vector.shape_cast %mul3A_856 : vector<16xf32> to vector<1x1x1x16xf32>
        tpu.vector_store %arg6[%swap3A_859, %swap3A_860, %swap3A_861, %swap3A_862], %swap3A_865 {strides = array<i32>} : memref<4x4x50x64xf32, #tpu.memory_space<vmem>>, vector<1x1x1x16xf32>,
        %get3A_866 = arith.constant 3 : i32
        %get3A_867 = arith.constant 2 : i32
        %get3A_868 = arith.index_cast %get3A_866 : i32 to index
        %get3A_869 = arith.index_cast %get3A_867 : i32 to index
        %get3A_870 = arith.index_cast %scan3A_707 : i32 to index
        %get3A_871 = arith.constant 0 : index
        %get3A_872 = tpu.vector_load %arg6[%get3A_868, %get3A_869, %get3A_870, %get3A_871] {strides = array<i32>} : memref<4x4x50x64xf32, #tpu.memory_space<vmem>>, vector<1x1x1x16xf32>,
        %get3A_873 = vector.shape_cast %get3A_872 : vector<1x1x1x16xf32> to vector<16xf32>
        %mul3A_874 = arith.constant 8.000000e+00 : f32
        %mul3A_875 = vector.broadcast %mul3A_874 : f32 to vector<16xf32>
        %mul3A_876 = arith.mulf %get3A_873, %mul3A_875 : vector<16xf32>
        %swap3A_877 = arith.constant 3 : i32
        %swap3A_878 = arith.constant 2 : i32
        %swap3A_879 = arith.index_cast %swap3A_877 : i32 to index
        %swap3A_880 = arith.index_cast %swap3A_878 : i32 to index
        %swap3A_881 = arith.index_cast %scan3A_707 : i32 to index
        %swap3A_882 = arith.constant 0 : index
        %swap3A_883 = tpu.vector_load %arg6[%swap3A_879, %swap3A_880, %swap3A_881, %swap3A_882] {strides = array<i32>} : memref<4x4x50x64xf32, #tpu.memory_space<vmem>>, vector<1x1x1x16xf32>,
        %swap3A_884 = vector.shape_cast %swap3A_883 : vector<1x1x1x16xf32> to vector<16xf32>
        %swap3A_885 = vector.shape_cast %mul3A_876 : vector<16xf32> to vector<1x1x1x16xf32>
        tpu.vector_store %arg6[%swap3A_879, %swap3A_880, %swap3A_881, %swap3A_882], %swap3A_885 {strides = array<i32>} : memref<4x4x50x64xf32, #tpu.memory_space<vmem>>, vector<1x1x1x16xf32>,
        %get3A_886 = arith.constant 3 : i32
        %get3A_887 = arith.constant 2 : i32
        %get3A_888 = arith.index_cast %get3A_886 : i32 to index
        %get3A_889 = arith.index_cast %get3A_887 : i32 to index
        %get3A_890 = arith.index_cast %scan3A_707 : i32 to index
        %get3A_891 = arith.constant 16 : index
        %get3A_892 = tpu.vector_load %arg6[%get3A_888, %get3A_889, %get3A_890, %get3A_891] {strides = array<i32>} : memref<4x4x50x64xf32, #tpu.memory_space<vmem>>, vector<1x1x1x16xf32>,
        %get3A_893 = vector.shape_cast %get3A_892 : vector<1x1x1x16xf32> to vector<16xf32>
        %mul3A_894 = arith.constant 8.000000e+00 : f32
        %mul3A_895 = vector.broadcast %mul3A_894 : f32 to vector<16xf32>
        %mul3A_896 = arith.mulf %get3A_893, %mul3A_895 : vector<16xf32>
        %swap3A_897 = arith.constant 3 : i32
        %swap3A_898 = arith.constant 2 : i32
        %swap3A_899 = arith.index_cast %swap3A_897 : i32 to index
        %swap3A_900 = arith.index_cast %swap3A_898 : i32 to index
        %swap3A_901 = arith.index_cast %scan3A_707 : i32 to index
        %swap3A_902 = arith.constant 16 : index
        %swap3A_903 = tpu.vector_load %arg6[%swap3A_899, %swap3A_900, %swap3A_901, %swap3A_902] {strides = array<i32>} : memref<4x4x50x64xf32, #tpu.memory_space<vmem>>, vector<1x1x1x16xf32>,
        %swap3A_904 = vector.shape_cast %swap3A_903 : vector<1x1x1x16xf32> to vector<16xf32>
        %swap3A_905 = vector.shape_cast %mul3A_896 : vector<16xf32> to vector<1x1x1x16xf32>
        tpu.vector_store %arg6[%swap3A_899, %swap3A_900, %swap3A_901, %swap3A_902], %swap3A_905 {strides = array<i32>} : memref<4x4x50x64xf32, #tpu.memory_space<vmem>>, vector<1x1x1x16xf32>,
        %get3A_906 = arith.constant 3 : i32
        %get3A_907 = arith.constant 2 : i32
        %get3A_908 = arith.index_cast %get3A_906 : i32 to index
        %get3A_909 = arith.index_cast %get3A_907 : i32 to index
        %get3A_910 = arith.index_cast %scan3A_707 : i32 to index
        %get3A_911 = arith.constant 32 : index
        %get3A_912 = tpu.vector_load %arg6[%get3A_908, %get3A_909, %get3A_910, %get3A_911] {strides = array<i32>} : memref<4x4x50x64xf32, #tpu.memory_space<vmem>>, vector<1x1x1x16xf32>,
        %get3A_913 = vector.shape_cast %get3A_912 : vector<1x1x1x16xf32> to vector<16xf32>
        %mul3A_914 = arith.constant 8.000000e+00 : f32
        %mul3A_915 = vector.broadcast %mul3A_914 : f32 to vector<16xf32>
        %mul3A_916 = arith.mulf %get3A_913, %mul3A_915 : vector<16xf32>
        %swap3A_917 = arith.constant 3 : i32
        %swap3A_918 = arith.constant 2 : i32
        %swap3A_919 = arith.index_cast %swap3A_917 : i32 to index
        %swap3A_920 = arith.index_cast %swap3A_918 : i32 to index
        %swap3A_921 = arith.index_cast %scan3A_707 : i32 to index
        %swap3A_922 = arith.constant 32 : index
        %swap3A_923 = tpu.vector_load %arg6[%swap3A_919, %swap3A_920, %swap3A_921, %swap3A_922] {strides = array<i32>} : memref<4x4x50x64xf32, #tpu.memory_space<vmem>>, vector<1x1x1x16xf32>,
        %swap3A_924 = vector.shape_cast %swap3A_923 : vector<1x1x1x16xf32> to vector<16xf32>
        %swap3A_925 = vector.shape_cast %mul3A_916 : vector<16xf32> to vector<1x1x1x16xf32>
        tpu.vector_store %arg6[%swap3A_919, %swap3A_920, %swap3A_921, %swap3A_922], %swap3A_925 {strides = array<i32>} : memref<4x4x50x64xf32, #tpu.memory_space<vmem>>, vector<1x1x1x16xf32>,
        %get3A_926 = arith.constant 3 : i32
        %get3A_927 = arith.constant 2 : i32
        %get3A_928 = arith.index_cast %get3A_926 : i32 to index
        %get3A_929 = arith.index_cast %get3A_927 : i32 to index
        %get3A_930 = arith.index_cast %scan3A_707 : i32 to index
        %get3A_931 = arith.constant 48 : index
        %get3A_932 = tpu.vector_load %arg6[%get3A_928, %get3A_929, %get3A_930, %get3A_931] {strides = array<i32>} : memref<4x4x50x64xf32, #tpu.memory_space<vmem>>, vector<1x1x1x16xf32>,
        %get3A_933 = vector.shape_cast %get3A_932 : vector<1x1x1x16xf32> to vector<16xf32>
        %mul3A_934 = arith.constant 8.000000e+00 : f32
        %mul3A_935 = vector.broadcast %mul3A_934 : f32 to vector<16xf32>
        %mul3A_936 = arith.mulf %get3A_933, %mul3A_935 : vector<16xf32>
        %swap3A_937 = arith.constant 3 : i32
        %swap3A_938 = arith.constant 2 : i32
        %swap3A_939 = arith.index_cast %swap3A_937 : i32 to index
        %swap3A_940 = arith.index_cast %swap3A_938 : i32 to index
        %swap3A_941 = arith.index_cast %scan3A_707 : i32 to index
        %swap3A_942 = arith.constant 48 : index
        %swap3A_943 = tpu.vector_load %arg6[%swap3A_939, %swap3A_940, %swap3A_941, %swap3A_942] {strides = array<i32>} : memref<4x4x50x64xf32, #tpu.memory_space<vmem>>, vector<1x1x1x16xf32>,
        %swap3A_944 = vector.shape_cast %swap3A_943 : vector<1x1x1x16xf32> to vector<16xf32>
        %swap3A_945 = vector.shape_cast %mul3A_936 : vector<16xf32> to vector<1x1x1x16xf32>
        tpu.vector_store %arg6[%swap3A_939, %swap3A_940, %swap3A_941, %swap3A_942], %swap3A_945 {strides = array<i32>} : memref<4x4x50x64xf32, #tpu.memory_space<vmem>>, vector<1x1x1x16xf32>,
        %get3A_946 = arith.constant 3 : i32
        %get3A_947 = arith.constant 3 : i32
        %get3A_948 = arith.index_cast %get3A_946 : i32 to index
        %get3A_949 = arith.index_cast %get3A_947 : i32 to index
        %get3A_950 = arith.index_cast %scan3A_707 : i32 to index
        %get3A_951 = arith.constant 0 : index
        %get3A_952 = tpu.vector_load %arg6[%get3A_948, %get3A_949, %get3A_950, %get3A_951] {strides = array<i32>} : memref<4x4x50x64xf32, #tpu.memory_space<vmem>>, vector<1x1x1x16xf32>,
        %get3A_953 = vector.shape_cast %get3A_952 : vector<1x1x1x16xf32> to vector<16xf32>
        %mul3A_954 = arith.constant 8.000000e+00 : f32
        %mul3A_955 = vector.broadcast %mul3A_954 : f32 to vector<16xf32>
        %mul3A_956 = arith.mulf %get3A_953, %mul3A_955 : vector<16xf32>
        %swap3A_957 = arith.constant 3 : i32
        %swap3A_958 = arith.constant 3 : i32
        %swap3A_959 = arith.index_cast %swap3A_957 : i32 to index
        %swap3A_960 = arith.index_cast %swap3A_958 : i32 to index
        %swap3A_961 = arith.index_cast %scan3A_707 : i32 to index
        %swap3A_962 = arith.constant 0 : index
        %swap3A_963 = tpu.vector_load %arg6[%swap3A_959, %swap3A_960, %swap3A_961, %swap3A_962] {strides = array<i32>} : memref<4x4x50x64xf32, #tpu.memory_space<vmem>>, vector<1x1x1x16xf32>,
        %swap3A_964 = vector.shape_cast %swap3A_963 : vector<1x1x1x16xf32> to vector<16xf32>
        %swap3A_965 = vector.shape_cast %mul3A_956 : vector<16xf32> to vector<1x1x1x16xf32>
        tpu.vector_store %arg6[%swap3A_959, %swap3A_960, %swap3A_961, %swap3A_962], %swap3A_965 {strides = array<i32>} : memref<4x4x50x64xf32, #tpu.memory_space<vmem>>, vector<1x1x1x16xf32>,
        %get3A_966 = arith.constant 3 : i32
        %get3A_967 = arith.constant 3 : i32
        %get3A_968 = arith.index_cast %get3A_966 : i32 to index
        %get3A_969 = arith.index_cast %get3A_967 : i32 to index
        %get3A_970 = arith.index_cast %scan3A_707 : i32 to index
        %get3A_971 = arith.constant 16 : index
        %get3A_972 = tpu.vector_load %arg6[%get3A_968, %get3A_969, %get3A_970, %get3A_971] {strides = array<i32>} : memref<4x4x50x64xf32, #tpu.memory_space<vmem>>, vector<1x1x1x16xf32>,
        %get3A_973 = vector.shape_cast %get3A_972 : vector<1x1x1x16xf32> to vector<16xf32>
        %mul3A_974 = arith.constant 8.000000e+00 : f32
        %mul3A_975 = vector.broadcast %mul3A_974 : f32 to vector<16xf32>
        %mul3A_976 = arith.mulf %get3A_973, %mul3A_975 : vector<16xf32>
        %swap3A_977 = arith.constant 3 : i32
        %swap3A_978 = arith.constant 3 : i32
        %swap3A_979 = arith.index_cast %swap3A_977 : i32 to index
        %swap3A_980 = arith.index_cast %swap3A_978 : i32 to index
        %swap3A_981 = arith.index_cast %scan3A_707 : i32 to index
        %swap3A_982 = arith.constant 16 : index
        %swap3A_983 = tpu.vector_load %arg6[%swap3A_979, %swap3A_980, %swap3A_981, %swap3A_982] {strides = array<i32>} : memref<4x4x50x64xf32, #tpu.memory_space<vmem>>, vector<1x1x1x16xf32>,
        %swap3A_984 = vector.shape_cast %swap3A_983 : vector<1x1x1x16xf32> to vector<16xf32>
        %swap3A_985 = vector.shape_cast %mul3A_976 : vector<16xf32> to vector<1x1x1x16xf32>
        tpu.vector_store %arg6[%swap3A_979, %swap3A_980, %swap3A_981, %swap3A_982], %swap3A_985 {strides = array<i32>} : memref<4x4x50x64xf32, #tpu.memory_space<vmem>>, vector<1x1x1x16xf32>,
        %get3A_986 = arith.constant 3 : i32
        %get3A_987 = arith.constant 3 : i32
        %get3A_988 = arith.index_cast %get3A_986 : i32 to index
        %get3A_989 = arith.index_cast %get3A_987 : i32 to index
        %get3A_990 = arith.index_cast %scan3A_707 : i32 to index
        %get3A_991 = arith.constant 32 : index
        %get3A_992 = tpu.vector_load %arg6[%get3A_988, %get3A_989, %get3A_990, %get3A_991] {strides = array<i32>} : memref<4x4x50x64xf32, #tpu.memory_space<vmem>>, vector<1x1x1x16xf32>,
        %get3A_993 = vector.shape_cast %get3A_992 : vector<1x1x1x16xf32> to vector<16xf32>
        %mul3A_994 = arith.constant 8.000000e+00 : f32
        %mul3A_995 = vector.broadcast %mul3A_994 : f32 to vector<16xf32>
        %mul3A_996 = arith.mulf %get3A_993, %mul3A_995 : vector<16xf32>
        %swap3A_997 = arith.constant 3 : i32
        %swap3A_998 = arith.constant 3 : i32
        %swap3A_999 = arith.index_cast %swap3A_997 : i32 to index
        %swap3A_1000 = arith.index_cast %swap3A_998 : i32 to index
        %swap3A_1001 = arith.index_cast %scan3A_707 : i32 to index
        %swap3A_1002 = arith.constant 32 : index
        %swap3A_1003 = tpu.vector_load %arg6[%swap3A_999, %swap3A_1000, %swap3A_1001, %swap3A_1002] {strides = array<i32>} : memref<4x4x50x64xf32, #tpu.memory_space<vmem>>, vector<1x1x1x16xf32>,
        %swap3A_1004 = vector.shape_cast %swap3A_1003 : vector<1x1x1x16xf32> to vector<16xf32>
        %swap3A_1005 = vector.shape_cast %mul3A_996 : vector<16xf32> to vector<1x1x1x16xf32>
        tpu.vector_store %arg6[%swap3A_999, %swap3A_1000, %swap3A_1001, %swap3A_1002], %swap3A_1005 {strides = array<i32>} : memref<4x4x50x64xf32, #tpu.memory_space<vmem>>, vector<1x1x1x16xf32>,
        %get3A_1006 = arith.constant 3 : i32
        %get3A_1007 = arith.constant 3 : i32
        %get3A_1008 = arith.index_cast %get3A_1006 : i32 to index
        %get3A_1009 = arith.index_cast %get3A_1007 : i32 to index
        %get3A_1010 = arith.index_cast %scan3A_707 : i32 to index
        %get3A_1011 = arith.constant 48 : index
        %get3A_1012 = tpu.vector_load %arg6[%get3A_1008, %get3A_1009, %get3A_1010, %get3A_1011] {strides = array<i32>} : memref<4x4x50x64xf32, #tpu.memory_space<vmem>>, vector<1x1x1x16xf32>,
        %get3A_1013 = vector.shape_cast %get3A_1012 : vector<1x1x1x16xf32> to vector<16xf32>
        %mul3A_1014 = arith.constant 8.000000e+00 : f32
        %mul3A_1015 = vector.broadcast %mul3A_1014 : f32 to vector<16xf32>
        %mul3A_1016 = arith.mulf %get3A_1013, %mul3A_1015 : vector<16xf32>
        %swap3A_1017 = arith.constant 3 : i32
        %swap3A_1018 = arith.constant 3 : i32
        %swap3A_1019 = arith.index_cast %swap3A_1017 : i32 to index
        %swap3A_1020 = arith.index_cast %swap3A_1018 : i32 to index
        %swap3A_1021 = arith.index_cast %scan3A_707 : i32 to index
        %swap3A_1022 = arith.constant 48 : index
        %swap3A_1023 = tpu.vector_load %arg6[%swap3A_1019, %swap3A_1020, %swap3A_1021, %swap3A_1022] {strides = array<i32>} : memref<4x4x50x64xf32, #tpu.memory_space<vmem>>, vector<1x1x1x16xf32>,
        %swap3A_1024 = vector.shape_cast %swap3A_1023 : vector<1x1x1x16xf32> to vector<16xf32>
        %swap3A_1025 = vector.shape_cast %mul3A_1016 : vector<16xf32> to vector<1x1x1x16xf32>
        tpu.vector_store %arg6[%swap3A_1019, %swap3A_1020, %swap3A_1021, %swap3A_1022], %swap3A_1025 {strides = array<i32>} : memref<4x4x50x64xf32, #tpu.memory_space<vmem>>, vector<1x1x1x16xf32>,
      }
      %scan3A_674 = arith.constant 50 : i32
      %mul3A_675 = arith.constant 4 : i32
      %mul3A_676 = arith.muli %add3A_604, %mul3A_675 : i32
      %add3A_677 = arith.addi %mul3A_2, %mul3A_676 : i32
      %dma_start3A_678 = arith.constant 3 : i32
      %dma_start3A_679 = arith.constant 3 : i32
      %dma_start3A_680 = arith.constant 0 : i32
      %dma_start3A_681 = arith.constant 0 : i32
      %dma_start3A_682 = arith.constant 0 : i32
      %dma_start3A_683 = tpu.memref_slice %arg6[%dma_start3A_678, %dma_start3A_680, %dma_start3A_681, %dma_start3A_682] : memref<4x4x50x64xf32, #tpu.memory_space<vmem>> -> memref<1x4x50x64xf32, #tpu.memory_space<vmem>>
      %dma_start3A_684 = tpu.memref_squeeze %dma_start3A_683 : memref<1x4x50x64xf32, #tpu.memory_space<vmem>> -> memref<4x50x64xf32, #tpu.memory_space<vmem>>
      %dma_start3A_685 = arith.constant 0 : i32
      %dma_start3A_686 = arith.constant 0 : i32
      %dma_start3A_687 = tpu.memref_slice %arg4[%add3A_677, %dma_start3A_685, %dma_start3A_686] : memref<16384x50x64xf32, #tpu.memory_space<hbm>> -> memref<4x50x64xf32, #tpu.memory_space<hbm>>
      %dma_start3A_688 = tpu.memref_slice %arg8[%dma_start3A_679] : memref<4x!tpu.dma_semaphore, #tpu.memory_space<semaphore_mem>> -> memref<1x!tpu.dma_semaphore, #tpu.memory_space<semaphore_mem>>
      %dma_start3A_689 = tpu.memref_squeeze %dma_start3A_688 : memref<1x!tpu.dma_semaphore, #tpu.memory_space<semaphore_mem>> -> memref<!tpu.dma_semaphore, #tpu.memory_space<semaphore_mem>>
      %dma_start3A_690 = arith.constant 0 : i32
      %dma_start3A_691 = arith.constant 0 : i32
      %dma_start3A_692 = tpu.memref_slice %arg4[%add3A_677, %dma_start3A_690, %dma_start3A_691] : memref<16384x50x64xf32, #tpu.memory_space<hbm>> -> memref<4x50x64xf32, #tpu.memory_space<hbm>>
      %dma_start3A_693 = arith.constant 0 : i32
      %dma_start3A_694 = arith.constant 0 : i32
      %dma_start3A_695 = arith.constant 0 : i32
      %dma_start3A_696 = tpu.memref_slice %arg6[%dma_start3A_678, %dma_start3A_693, %dma_start3A_694, %dma_start3A_695] : memref<4x4x50x64xf32, #tpu.memory_space<vmem>> -> memref<1x4x50x64xf32, #tpu.memory_space<vmem>>
      %dma_start3A_697 = tpu.memref_squeeze %dma_start3A_696 : memref<1x4x50x64xf32, #tpu.memory_space<vmem>> -> memref<4x50x64xf32, #tpu.memory_space<vmem>>
      tpu.enqueue_dma source(%dma_start3A_697 : memref<4x50x64xf32, #tpu.memory_space<vmem>>) target(%dma_start3A_692 : memref<4x50x64xf32, #tpu.memory_space<hbm>>) target_semaphore(%dma_start3A_689 : memref<!tpu.dma_semaphore, #tpu.memory_space<semaphore_mem>>)
      %add3A_698 = arith.constant 4 : i32
      %add3A_699 = arith.addi %add3A_604, %add3A_698 : i32
      %sub3A_700 = arith.constant 1 : i32
      %sub3A_701 = arith.subi %add3A_699, %sub3A_700 : i32
      %lt3A_702 = arith.constant 128 : i32
      %lt3A_703 = arith.cmpi slt, %sub3A_701, %lt3A_702 : i32
      %convert_element_type3A_704 = arith.extui %lt3A_703 : i1 to i32
      %cond3A_705 = arith.constant 0 : i32
      %cond3A_706 = arith.cmpi ne, %convert_element_type3A_704, %cond3A_705 : i32
      scf.if %cond3A_706 {
        %ge3A = arith.constant 1 : i32
        %ge3A_707 = arith.cmpi sge, %add3A_604, %ge3A : i32
        %convert_element_type3A_708 = arith.extui %ge3A_707 : i1 to i32
        %cond3A_709 = arith.constant 0 : i32
        %cond3A_710 = arith.cmpi ne, %convert_element_type3A_708, %cond3A_709 : i32
        scf.if %cond3A_710 {
          %dma_wait3A_791 = arith.constant 2 : i32
          %dma_wait3A_792 = arith.constant 2 : i32
          %dma_wait3A_793 = arith.constant 0 : i32
          %dma_wait3A_794 = arith.constant 0 : i32
          %dma_wait3A_795 = arith.constant 0 : i32
          %dma_wait3A_796 = tpu.memref_slice %arg6[%dma_wait3A_791, %dma_wait3A_793, %dma_wait3A_794, %dma_wait3A_795] : memref<4x4x50x64xf32, #tpu.memory_space<vmem>> -> memref<1x4x50x64xf32, #tpu.memory_space<vmem>>
          %dma_wait3A_797 = tpu.memref_squeeze %dma_wait3A_796 : memref<1x4x50x64xf32, #tpu.memory_space<vmem>> -> memref<4x50x64xf32, #tpu.memory_space<vmem>>
          %dma_wait3A_798 = arith.constant 0 : i32
          %dma_wait3A_799 = arith.constant 0 : i32
          %dma_wait3A_800 = arith.constant 0 : i32
          %dma_wait3A_801 = tpu.memref_slice %arg4[%dma_wait3A_798, %dma_wait3A_799, %dma_wait3A_800] : memref<16384x50x64xf32, #tpu.memory_space<hbm>> -> memref<4x50x64xf32, #tpu.memory_space<hbm>>
          %dma_wait3A_802 = tpu.memref_slice %arg8[%dma_wait3A_792] : memref<4x!tpu.dma_semaphore, #tpu.memory_space<semaphore_mem>> -> memref<1x!tpu.dma_semaphore, #tpu.memory_space<semaphore_mem>>
          %dma_wait3A_803 = tpu.memref_squeeze %dma_wait3A_802 : memref<1x!tpu.dma_semaphore, #tpu.memory_space<semaphore_mem>> -> memref<!tpu.dma_semaphore, #tpu.memory_space<semaphore_mem>>
          %dma_wait3A_804 = arith.constant 0 : i32
          %dma_wait3A_805 = arith.constant 0 : i32
          %dma_wait3A_806 = arith.constant 0 : i32
          %dma_wait3A_807 = tpu.memref_slice %arg4[%dma_wait3A_804, %dma_wait3A_805, %dma_wait3A_806] : memref<16384x50x64xf32, #tpu.memory_space<hbm>> -> memref<4x50x64xf32, #tpu.memory_space<hbm>>
          %dma_wait3A_808 = arith.constant 0 : i32
          %dma_wait3A_809 = arith.constant 0 : i32
          %dma_wait3A_810 = arith.constant 0 : i32
          %dma_wait3A_811 = tpu.memref_slice %arg6[%dma_wait3A_791, %dma_wait3A_808, %dma_wait3A_809, %dma_wait3A_810] : memref<4x4x50x64xf32, #tpu.memory_space<vmem>> -> memref<1x4x50x64xf32, #tpu.memory_space<vmem>>
          %dma_wait3A_812 = tpu.memref_squeeze %dma_wait3A_811 : memref<1x4x50x64xf32, #tpu.memory_space<vmem>> -> memref<4x50x64xf32, #tpu.memory_space<vmem>>
          tpu.wait_dma2 semaphore(%dma_wait3A_803 : memref<!tpu.dma_semaphore, #tpu.memory_space<semaphore_mem>>) src(%dma_wait3A_812 : memref<4x50x64xf32, #tpu.memory_space<vmem>>) dst(%dma_wait3A_807 : memref<4x50x64xf32, #tpu.memory_space<hbm>>)
        } else {
        }
        %add3A_711 = arith.constant 4 : i32
        %add3A_712 = arith.addi %add3A_604, %add3A_711 : i32
        %sub3A_713 = arith.constant 1 : i32
        %sub3A_714 = arith.subi %add3A_712, %sub3A_713 : i32
        %mul3A_715 = arith.constant 4 : i32
        %mul3A_716 = arith.muli %sub3A_714, %mul3A_715 : i32
        %add3A_717 = arith.constant 0 : i32
        %add3A_718 = arith.addi %mul3A_716, %add3A_717 : i32
        %dma_start3A_719 = arith.constant 2 : i32
        %dma_start3A_720 = arith.constant 0 : i32
        %dma_start3A_721 = arith.constant 2 : i32
        %dma_start3A_722 = arith.constant 0 : i32
        %dma_start3A_723 = arith.constant 0 : i32
        %dma_start3A_724 = tpu.memref_slice %arg6[%dma_start3A_719, %dma_start3A_720, %dma_start3A_722, %dma_start3A_723] : memref<4x4x50x64xf32, #tpu.memory_space<vmem>> -> memref<1x1x50x64xf32, #tpu.memory_space<vmem>>
        %dma_start3A_725 = tpu.memref_squeeze %dma_start3A_724 : memref<1x1x50x64xf32, #tpu.memory_space<vmem>> -> memref<50x64xf32, #tpu.memory_space<vmem>>
        %dma_start3A_726 = arith.constant 0 : i32
        %dma_start3A_727 = tpu.memref_slice %arg5[%add3A_718, %dma_start3A_726] : memref<512x50xi32, #tpu.memory_space<vmem>> -> memref<1x50xi32, #tpu.memory_space<vmem>>
        %dma_start3A_728 = tpu.memref_squeeze %dma_start3A_727 : memref<1x50xi32, #tpu.memory_space<vmem>> -> memref<50xi32, #tpu.memory_space<vmem>>
        %dma_start3A_729 = arith.constant 0 : i32
        %dma_start3A_730 = arith.constant 0 : i32
        %dma_start3A_731 = tpu.memref_slice %arg3[%dma_start3A_729, %dma_start3A_730] : memref<1000000x64xf32, #tpu.memory_space<hbm>> -> memref<1000000x64xf32, #tpu.memory_space<hbm>>
        %dma_start3A_732 = tpu.memref_slice %arg7[%dma_start3A_721] : memref<4x!tpu.dma_semaphore, #tpu.memory_space<semaphore_mem>> -> memref<1x!tpu.dma_semaphore, #tpu.memory_space<semaphore_mem>>
        %dma_start3A_733 = tpu.memref_squeeze %dma_start3A_732 : memref<1x!tpu.dma_semaphore, #tpu.memory_space<semaphore_mem>> -> memref<!tpu.dma_semaphore, #tpu.memory_space<semaphore_mem>>
        tpu.enqueue_indirect_dma source(%dma_start3A_731 : memref<1000000x64xf32, #tpu.memory_space<hbm>>) target(%dma_start3A_725 : memref<50x64xf32, #tpu.memory_space<vmem>>) offsets(%dma_start3A_728 : memref<50xi32, #tpu.memory_space<vmem>>) semaphore(%dma_start3A_733 : memref<!tpu.dma_semaphore, #tpu.memory_space<semaphore_mem>>)
        %mul3A_734 = arith.constant 4 : i32
        %mul3A_735 = arith.muli %sub3A_714, %mul3A_734 : i32
        %add3A_736 = arith.constant 1 : i32
        %add3A_737 = arith.addi %mul3A_735, %add3A_736 : i32
        %dma_start3A_738 = arith.constant 2 : i32
        %dma_start3A_739 = arith.constant 1 : i32
        %dma_start3A_740 = arith.constant 2 : i32
        %dma_start3A_741 = arith.constant 0 : i32
        %dma_start3A_742 = arith.constant 0 : i32
        %dma_start3A_743 = tpu.memref_slice %arg6[%dma_start3A_738, %dma_start3A_739, %dma_start3A_741, %dma_start3A_742] : memref<4x4x50x64xf32, #tpu.memory_space<vmem>> -> memref<1x1x50x64xf32, #tpu.memory_space<vmem>>
        %dma_start3A_744 = tpu.memref_squeeze %dma_start3A_743 : memref<1x1x50x64xf32, #tpu.memory_space<vmem>> -> memref<50x64xf32, #tpu.memory_space<vmem>>
        %dma_start3A_745 = arith.constant 0 : i32
        %dma_start3A_746 = tpu.memref_slice %arg5[%add3A_737, %dma_start3A_745] : memref<512x50xi32, #tpu.memory_space<vmem>> -> memref<1x50xi32, #tpu.memory_space<vmem>>
        %dma_start3A_747 = tpu.memref_squeeze %dma_start3A_746 : memref<1x50xi32, #tpu.memory_space<vmem>> -> memref<50xi32, #tpu.memory_space<vmem>>
        %dma_start3A_748 = arith.constant 0 : i32
        %dma_start3A_749 = arith.constant 0 : i32
        %dma_start3A_750 = tpu.memref_slice %arg3[%dma_start3A_748, %dma_start3A_749] : memref<1000000x64xf32, #tpu.memory_space<hbm>> -> memref<1000000x64xf32, #tpu.memory_space<hbm>>
        %dma_start3A_751 = tpu.memref_slice %arg7[%dma_start3A_740] : memref<4x!tpu.dma_semaphore, #tpu.memory_space<semaphore_mem>> -> memref<1x!tpu.dma_semaphore, #tpu.memory_space<semaphore_mem>>
        %dma_start3A_752 = tpu.memref_squeeze %dma_start3A_751 : memref<1x!tpu.dma_semaphore, #tpu.memory_space<semaphore_mem>> -> memref<!tpu.dma_semaphore, #tpu.memory_space<semaphore_mem>>
        tpu.enqueue_indirect_dma source(%dma_start3A_750 : memref<1000000x64xf32, #tpu.memory_space<hbm>>) target(%dma_start3A_744 : memref<50x64xf32, #tpu.memory_space<vmem>>) offsets(%dma_start3A_747 : memref<50xi32, #tpu.memory_space<vmem>>) semaphore(%dma_start3A_752 : memref<!tpu.dma_semaphore, #tpu.memory_space<semaphore_mem>>)
        %mul3A_753 = arith.constant 4 : i32
        %mul3A_754 = arith.muli %sub3A_714, %mul3A_753 : i32
        %add3A_755 = arith.constant 2 : i32
        %add3A_756 = arith.addi %mul3A_754, %add3A_755 : i32
        %dma_start3A_757 = arith.constant 2 : i32
        %dma_start3A_758 = arith.constant 2 : i32
        %dma_start3A_759 = arith.constant 2 : i32
        %dma_start3A_760 = arith.constant 0 : i32
        %dma_start3A_761 = arith.constant 0 : i32
        %dma_start3A_762 = tpu.memref_slice %arg6[%dma_start3A_757, %dma_start3A_758, %dma_start3A_760, %dma_start3A_761] : memref<4x4x50x64xf32, #tpu.memory_space<vmem>> -> memref<1x1x50x64xf32, #tpu.memory_space<vmem>>
        %dma_start3A_763 = tpu.memref_squeeze %dma_start3A_762 : memref<1x1x50x64xf32, #tpu.memory_space<vmem>> -> memref<50x64xf32, #tpu.memory_space<vmem>>
        %dma_start3A_764 = arith.constant 0 : i32
        %dma_start3A_765 = tpu.memref_slice %arg5[%add3A_756, %dma_start3A_764] : memref<512x50xi32, #tpu.memory_space<vmem>> -> memref<1x50xi32, #tpu.memory_space<vmem>>
        %dma_start3A_766 = tpu.memref_squeeze %dma_start3A_765 : memref<1x50xi32, #tpu.memory_space<vmem>> -> memref<50xi32, #tpu.memory_space<vmem>>
        %dma_start3A_767 = arith.constant 0 : i32
        %dma_start3A_768 = arith.constant 0 : i32
        %dma_start3A_769 = tpu.memref_slice %arg3[%dma_start3A_767, %dma_start3A_768] : memref<1000000x64xf32, #tpu.memory_space<hbm>> -> memref<1000000x64xf32, #tpu.memory_space<hbm>>
        %dma_start3A_770 = tpu.memref_slice %arg7[%dma_start3A_759] : memref<4x!tpu.dma_semaphore, #tpu.memory_space<semaphore_mem>> -> memref<1x!tpu.dma_semaphore, #tpu.memory_space<semaphore_mem>>
        %dma_start3A_771 = tpu.memref_squeeze %dma_start3A_770 : memref<1x!tpu.dma_semaphore, #tpu.memory_space<semaphore_mem>> -> memref<!tpu.dma_semaphore, #tpu.memory_space<semaphore_mem>>
        tpu.enqueue_indirect_dma source(%dma_start3A_769 : memref<1000000x64xf32, #tpu.memory_space<hbm>>) target(%dma_start3A_763 : memref<50x64xf32, #tpu.memory_space<vmem>>) offsets(%dma_start3A_766 : memref<50xi32, #tpu.memory_space<vmem>>) semaphore(%dma_start3A_771 : memref<!tpu.dma_semaphore, #tpu.memory_space<semaphore_mem>>)
        %mul3A_772 = arith.constant 4 : i32
        %mul3A_773 = arith.muli %sub3A_714, %mul3A_772 : i32
        %add3A_774 = arith.constant 3 : i32
        %add3A_775 = arith.addi %mul3A_773, %add3A_774 : i32
        %dma_start3A_776 = arith.constant 2 : i32
        %dma_start3A_777 = arith.constant 3 : i32
        %dma_start3A_778 = arith.constant 2 : i32
        %dma_start3A_779 = arith.constant 0 : i32
        %dma_start3A_780 = arith.constant 0 : i32
        %dma_start3A_781 = tpu.memref_slice %arg6[%dma_start3A_776, %dma_start3A_777, %dma_start3A_779, %dma_start3A_780] : memref<4x4x50x64xf32, #tpu.memory_space<vmem>> -> memref<1x1x50x64xf32, #tpu.memory_space<vmem>>
        %dma_start3A_782 = tpu.memref_squeeze %dma_start3A_781 : memref<1x1x50x64xf32, #tpu.memory_space<vmem>> -> memref<50x64xf32, #tpu.memory_space<vmem>>
        %dma_start3A_783 = arith.constant 0 : i32
        %dma_start3A_784 = tpu.memref_slice %arg5[%add3A_775, %dma_start3A_783] : memref<512x50xi32, #tpu.memory_space<vmem>> -> memref<1x50xi32, #tpu.memory_space<vmem>>
        %dma_start3A_785 = tpu.memref_squeeze %dma_start3A_784 : memref<1x50xi32, #tpu.memory_space<vmem>> -> memref<50xi32, #tpu.memory_space<vmem>>
        %dma_start3A_786 = arith.constant 0 : i32
        %dma_start3A_787 = arith.constant 0 : i32
        %dma_start3A_788 = tpu.memref_slice %arg3[%dma_start3A_786, %dma_start3A_787] : memref<1000000x64xf32, #tpu.memory_space<hbm>> -> memref<1000000x64xf32, #tpu.memory_space<hbm>>
        %dma_start3A_789 = tpu.memref_slice %arg7[%dma_start3A_778] : memref<4x!tpu.dma_semaphore, #tpu.memory_space<semaphore_mem>> -> memref<1x!tpu.dma_semaphore, #tpu.memory_space<semaphore_mem>>
        %dma_start3A_790 = tpu.memref_squeeze %dma_start3A_789 : memref<1x!tpu.dma_semaphore, #tpu.memory_space<semaphore_mem>> -> memref<!tpu.dma_semaphore, #tpu.memory_space<semaphore_mem>>
        tpu.enqueue_indirect_dma source(%dma_start3A_788 : memref<1000000x64xf32, #tpu.memory_space<hbm>>) target(%dma_start3A_782 : memref<50x64xf32, #tpu.memory_space<vmem>>) offsets(%dma_start3A_785 : memref<50xi32, #tpu.memory_space<vmem>>) semaphore(%dma_start3A_790 : memref<!tpu.dma_semaphore, #tpu.memory_space<semaphore_mem>>)
      } else {
      }
    }
    %scan3A_198 = arith.constant 32 : i32
    %dma_wait3A = arith.constant 0 : i32
    %dma_wait3A_199 = arith.constant 0 : i32
    %dma_wait3A_200 = arith.constant 0 : i32
    %dma_wait3A_201 = arith.constant 0 : i32
    %dma_wait3A_202 = arith.constant 0 : i32
    %dma_wait3A_203 = tpu.memref_slice %arg6[%dma_wait3A, %dma_wait3A_200, %dma_wait3A_201, %dma_wait3A_202] : memref<4x4x50x64xf32, #tpu.memory_space<vmem>> -> memref<1x4x50x64xf32, #tpu.memory_space<vmem>>
    %dma_wait3A_204 = tpu.memref_squeeze %dma_wait3A_203 : memref<1x4x50x64xf32, #tpu.memory_space<vmem>> -> memref<4x50x64xf32, #tpu.memory_space<vmem>>
    %dma_wait3A_205 = arith.constant 0 : i32
    %dma_wait3A_206 = arith.constant 0 : i32
    %dma_wait3A_207 = arith.constant 0 : i32
    %dma_wait3A_208 = tpu.memref_slice %arg4[%dma_wait3A_205, %dma_wait3A_206, %dma_wait3A_207] : memref<16384x50x64xf32, #tpu.memory_space<hbm>> -> memref<4x50x64xf32, #tpu.memory_space<hbm>>
    %dma_wait3A_209 = tpu.memref_slice %arg8[%dma_wait3A_199] : memref<4x!tpu.dma_semaphore, #tpu.memory_space<semaphore_mem>> -> memref<1x!tpu.dma_semaphore, #tpu.memory_space<semaphore_mem>>
    %dma_wait3A_210 = tpu.memref_squeeze %dma_wait3A_209 : memref<1x!tpu.dma_semaphore, #tpu.memory_space<semaphore_mem>> -> memref<!tpu.dma_semaphore, #tpu.memory_space<semaphore_mem>>
    %dma_wait3A_211 = arith.constant 0 : i32
    %dma_wait3A_212 = arith.constant 0 : i32
    %dma_wait3A_213 = arith.constant 0 : i32
    %dma_wait3A_214 = tpu.memref_slice %arg4[%dma_wait3A_211, %dma_wait3A_212, %dma_wait3A_213] : memref<16384x50x64xf32, #tpu.memory_space<hbm>> -> memref<4x50x64xf32, #tpu.memory_space<hbm>>
    %dma_wait3A_215 = arith.constant 0 : i32
    %dma_wait3A_216 = arith.constant 0 : i32
    %dma_wait3A_217 = arith.constant 0 : i32
    %dma_wait3A_218 = tpu.memref_slice %arg6[%dma_wait3A, %dma_wait3A_215, %dma_wait3A_216, %dma_wait3A_217] : memref<4x4x50x64xf32, #tpu.memory_space<vmem>> -> memref<1x4x50x64xf32, #tpu.memory_space<vmem>>
    %dma_wait3A_219 = tpu.memref_squeeze %dma_wait3A_218 : memref<1x4x50x64xf32, #tpu.memory_space<vmem>> -> memref<4x50x64xf32, #tpu.memory_space<vmem>>
    tpu.wait_dma2 semaphore(%dma_wait3A_210 : memref<!tpu.dma_semaphore, #tpu.memory_space<semaphore_mem>>) src(%dma_wait3A_219 : memref<4x50x64xf32, #tpu.memory_space<vmem>>) dst(%dma_wait3A_214 : memref<4x50x64xf32, #tpu.memory_space<hbm>>)
    %dma_wait3A_220 = arith.constant 1 : i32
    %dma_wait3A_221 = arith.constant 1 : i32
    %dma_wait3A_222 = arith.constant 0 : i32
    %dma_wait3A_223 = arith.constant 0 : i32
    %dma_wait3A_224 = arith.constant 0 : i32
    %dma_wait3A_225 = tpu.memref_slice %arg6[%dma_wait3A_220, %dma_wait3A_222, %dma_wait3A_223, %dma_wait3A_224] : memref<4x4x50x64xf32, #tpu.memory_space<vmem>> -> memref<1x4x50x64xf32, #tpu.memory_space<vmem>>
    %dma_wait3A_226 = tpu.memref_squeeze %dma_wait3A_225 : memref<1x4x50x64xf32, #tpu.memory_space<vmem>> -> memref<4x50x64xf32, #tpu.memory_space<vmem>>
    %dma_wait3A_227 = arith.constant 0 : i32
    %dma_wait3A_228 = arith.constant 0 : i32
    %dma_wait3A_229 = arith.constant 0 : i32
    %dma_wait3A_230 = tpu.memref_slice %arg4[%dma_wait3A_227, %dma_wait3A_228, %dma_wait3A_229] : memref<16384x50x64xf32, #tpu.memory_space<hbm>> -> memref<4x50x64xf32, #tpu.memory_space<hbm>>
    %dma_wait3A_231 = tpu.memref_slice %arg8[%dma_wait3A_221] : memref<4x!tpu.dma_semaphore, #tpu.memory_space<semaphore_mem>> -> memref<1x!tpu.dma_semaphore, #tpu.memory_space<semaphore_mem>>
    %dma_wait3A_232 = tpu.memref_squeeze %dma_wait3A_231 : memref<1x!tpu.dma_semaphore, #tpu.memory_space<semaphore_mem>> -> memref<!tpu.dma_semaphore, #tpu.memory_space<semaphore_mem>>
    %dma_wait3A_233 = arith.constant 0 : i32
    %dma_wait3A_234 = arith.constant 0 : i32
    %dma_wait3A_235 = arith.constant 0 : i32
    %dma_wait3A_236 = tpu.memref_slice %arg4[%dma_wait3A_233, %dma_wait3A_234, %dma_wait3A_235] : memref<16384x50x64xf32, #tpu.memory_space<hbm>> -> memref<4x50x64xf32, #tpu.memory_space<hbm>>
    %dma_wait3A_237 = arith.constant 0 : i32
    %dma_wait3A_238 = arith.constant 0 : i32
    %dma_wait3A_239 = arith.constant 0 : i32
    %dma_wait3A_240 = tpu.memref_slice %arg6[%dma_wait3A_220, %dma_wait3A_237, %dma_wait3A_238, %dma_wait3A_239] : memref<4x4x50x64xf32, #tpu.memory_space<vmem>> -> memref<1x4x50x64xf32, #tpu.memory_space<vmem>>
    %dma_wait3A_241 = tpu.memref_squeeze %dma_wait3A_240 : memref<1x4x50x64xf32, #tpu.memory_space<vmem>> -> memref<4x50x64xf32, #tpu.memory_space<vmem>>
    tpu.wait_dma2 semaphore(%dma_wait3A_232 : memref<!tpu.dma_semaphore, #tpu.memory_space<semaphore_mem>>) src(%dma_wait3A_241 : memref<4x50x64xf32, #tpu.memory_space<vmem>>) dst(%dma_wait3A_236 : memref<4x50x64xf32, #tpu.memory_space<hbm>>)
    %dma_wait3A_242 = arith.constant 2 : i32
    %dma_wait3A_243 = arith.constant 2 : i32
    %dma_wait3A_244 = arith.constant 0 : i32
    %dma_wait3A_245 = arith.constant 0 : i32
    %dma_wait3A_246 = arith.constant 0 : i32
    %dma_wait3A_247 = tpu.memref_slice %arg6[%dma_wait3A_242, %dma_wait3A_244, %dma_wait3A_245, %dma_wait3A_246] : memref<4x4x50x64xf32, #tpu.memory_space<vmem>> -> memref<1x4x50x64xf32, #tpu.memory_space<vmem>>
    %dma_wait3A_248 = tpu.memref_squeeze %dma_wait3A_247 : memref<1x4x50x64xf32, #tpu.memory_space<vmem>> -> memref<4x50x64xf32, #tpu.memory_space<vmem>>
    %dma_wait3A_249 = arith.constant 0 : i32
    %dma_wait3A_250 = arith.constant 0 : i32
    %dma_wait3A_251 = arith.constant 0 : i32
    %dma_wait3A_252 = tpu.memref_slice %arg4[%dma_wait3A_249, %dma_wait3A_250, %dma_wait3A_251] : memref<16384x50x64xf32, #tpu.memory_space<hbm>> -> memref<4x50x64xf32, #tpu.memory_space<hbm>>
    %dma_wait3A_253 = tpu.memref_slice %arg8[%dma_wait3A_243] : memref<4x!tpu.dma_semaphore, #tpu.memory_space<semaphore_mem>> -> memref<1x!tpu.dma_semaphore, #tpu.memory_space<semaphore_mem>>
    %dma_wait3A_254 = tpu.memref_squeeze %dma_wait3A_253 : memref<1x!tpu.dma_semaphore, #tpu.memory_space<semaphore_mem>> -> memref<!tpu.dma_semaphore, #tpu.memory_space<semaphore_mem>>
    %dma_wait3A_255 = arith.constant 0 : i32
    %dma_wait3A_256 = arith.constant 0 : i32
    %dma_wait3A_257 = arith.constant 0 : i32
    %dma_wait3A_258 = tpu.memref_slice %arg4[%dma_wait3A_255, %dma_wait3A_256, %dma_wait3A_257] : memref<16384x50x64xf32, #tpu.memory_space<hbm>> -> memref<4x50x64xf32, #tpu.memory_space<hbm>>
    %dma_wait3A_259 = arith.constant 0 : i32
    %dma_wait3A_260 = arith.constant 0 : i32
    %dma_wait3A_261 = arith.constant 0 : i32
    %dma_wait3A_262 = tpu.memref_slice %arg6[%dma_wait3A_242, %dma_wait3A_259, %dma_wait3A_260, %dma_wait3A_261] : memref<4x4x50x64xf32, #tpu.memory_space<vmem>> -> memref<1x4x50x64xf32, #tpu.memory_space<vmem>>
    %dma_wait3A_263 = tpu.memref_squeeze %dma_wait3A_262 : memref<1x4x50x64xf32, #tpu.memory_space<vmem>> -> memref<4x50x64xf32, #tpu.memory_space<vmem>>
    tpu.wait_dma2 semaphore(%dma_wait3A_254 : memref<!tpu.dma_semaphore, #tpu.memory_space<semaphore_mem>>) src(%dma_wait3A_263 : memref<4x50x64xf32, #tpu.memory_space<vmem>>) dst(%dma_wait3A_258 : memref<4x50x64xf32, #tpu.memory_space<hbm>>)
    %dma_wait3A_264 = arith.constant 3 : i32
    %dma_wait3A_265 = arith.constant 3 : i32
    %dma_wait3A_266 = arith.constant 0 : i32
    %dma_wait3A_267 = arith.constant 0 : i32
    %dma_wait3A_268 = arith.constant 0 : i32
    %dma_wait3A_269 = tpu.memref_slice %arg6[%dma_wait3A_264, %dma_wait3A_266, %dma_wait3A_267, %dma_wait3A_268] : memref<4x4x50x64xf32, #tpu.memory_space<vmem>> -> memref<1x4x50x64xf32, #tpu.memory_space<vmem>>
    %dma_wait3A_270 = tpu.memref_squeeze %dma_wait3A_269 : memref<1x4x50x64xf32, #tpu.memory_space<vmem>> -> memref<4x50x64xf32, #tpu.memory_space<vmem>>
    %dma_wait3A_271 = arith.constant 0 : i32
    %dma_wait3A_272 = arith.constant 0 : i32
    %dma_wait3A_273 = arith.constant 0 : i32
    %dma_wait3A_274 = tpu.memref_slice %arg4[%dma_wait3A_271, %dma_wait3A_272, %dma_wait3A_273] : memref<16384x50x64xf32, #tpu.memory_space<hbm>> -> memref<4x50x64xf32, #tpu.memory_space<hbm>>
    %dma_wait3A_275 = tpu.memref_slice %arg8[%dma_wait3A_265] : memref<4x!tpu.dma_semaphore, #tpu.memory_space<semaphore_mem>> -> memref<1x!tpu.dma_semaphore, #tpu.memory_space<semaphore_mem>>
    %dma_wait3A_276 = tpu.memref_squeeze %dma_wait3A_275 : memref<1x!tpu.dma_semaphore, #tpu.memory_space<semaphore_mem>> -> memref<!tpu.dma_semaphore, #tpu.memory_space<semaphore_mem>>
    %dma_wait3A_277 = arith.constant 0 : i32
    %dma_wait3A_278 = arith.constant 0 : i32
    %dma_wait3A_279 = arith.constant 0 : i32
    %dma_wait3A_280 = tpu.memref_slice %arg4[%dma_wait3A_277, %dma_wait3A_278, %dma_wait3A_279] : memref<16384x50x64xf32, #tpu.memory_space<hbm>> -> memref<4x50x64xf32, #tpu.memory_space<hbm>>
    %dma_wait3A_281 = arith.constant 0 : i32
    %dma_wait3A_282 = arith.constant 0 : i32
    %dma_wait3A_283 = arith.constant 0 : i32
    %dma_wait3A_284 = tpu.memref_slice %arg6[%dma_wait3A_264, %dma_wait3A_281, %dma_wait3A_282, %dma_wait3A_283] : memref<4x4x50x64xf32, #tpu.memory_space<vmem>> -> memref<1x4x50x64xf32, #tpu.memory_space<vmem>>
    %dma_wait3A_285 = tpu.memref_squeeze %dma_wait3A_284 : memref<1x4x50x64xf32, #tpu.memory_space<vmem>> -> memref<4x50x64xf32, #tpu.memory_space<vmem>>
    tpu.wait_dma2 semaphore(%dma_wait3A_276 : memref<!tpu.dma_semaphore, #tpu.memory_space<semaphore_mem>>) src(%dma_wait3A_285 : memref<4x50x64xf32, #tpu.memory_space<vmem>>) dst(%dma_wait3A_280 : memref<4x50x64xf32, #tpu.memory_space<hbm>>)
    return
  }
}

</mosaic_0001>

<sc_bundles>
// kernel: kernel.3.cloned.1.call-start
scs
__scs_entry_jumppad:
0x0: {  	(pc) =	sbr.rel $0x88, $3  }
0x1: {  	(tag) =	ssettag $0x0;
	lr =	simm.s32 $0x1  }
0x2: {  	[smem:$0x3F9F] =	sst lr;
	_ =	strace $0xD0000000  }
0x3: {  	_ = 	snop  }
0x4: {  	_ = 	snop  }
0x5: {  	_ = 	snop  }
0x6: {  	_ = 	snop  }
0x7: {  	_ = 	snop  }
__scs_overlays_trampoline_lowered:
0x8: {  	[smem:$0x3FAE] =	sst s0  }
0x9: {  	[smem:$0x3FAF] =	sst s1  }
0xa: {  	[smem:$0x3FB0] =	sst s2  }
0xb: {  	[smem:$0x3FB1] =	sst s3  }
0xc: {  	[smem:$0x3FB2] =	sst s4  }
0xd: {  	[smem:$0x3FB3] =	sst s5  }
0xe: {  	[smem:$0x3FB4] =	sst s6  }
0xf: {  	[smem:$0x3FB5] =	sst s7  }
0x10: {  	[smem:$0x3FB6] =	sst s8  }
0x11: {  	[smem:$0x3FB7] =	sst s9;
	s0 =	simm.s32 @!p0 $0x0  }
0x12: {  	s1 =	sld [smem:$0x3F9D];
	s0 =	simm.s32 @p0 $0x1  }
0x13: {  	[smem:$0x3FB8] =	sst s0;
	s0 =	simm.s32 @!p1 $0x0  }
0x14: {  	s2 =	sld [smem:$0x3F9C];
	s0 =	simm.s32 @p1 $0x1  }
0x15: {  	[smem:$0x3FB9] =	sst s0;
	s0 =	simm.s32 @!p2 $0x0  }
0x16: {  	s3 =	sld [smem:$0x3FDB];
	s0 =	simm.s32 @p2 $0x1  }
0x17: {  	s4 =	simm.s32 $0x1BF5;
	[smem:$0x3FBB] =	sst s0  }
0x18: {  	s0 =	sld [smem:$0x3F9E];
	_ =	swait.ge [sflag:s4], $0x0  }
0x19: {  	s7 =	sld [smem:$0x3F9F]  }
0x1a: {  	s8 =	sadd.s32 $0xFFFFE003, lr  }
0x1b: {  	s9 =	sadd.s32 $0xFFFFFEF7, lr;
	s5 =	simm.s32 $0xFFFFFFFF;
	p2 =	slt.u32 s8, $0xFFFFF086  }
0x1c: {  	p1 =	slt.u32 s9, $0xF7A;
	s5 =	simm.s32 @!p2 $0x0  }
0x1d: {  	s5 =	simm.s32 @p1 $0x1;
	p0 =	seq.s32 s7, s2  }
0x1e: {  	s7 =	smul.u32 @!p0 $0xF7A, s2;
	p2 =	seq.s32 @!p0 s5, $0x0  }
0x1f: {  	s9 =	smul.u32 $0xF7A, s1;
	s8 =	simm.s32 @!p0 $0x1BF5;
	p2 =	por !p2, p0  }
0x20: {  	[sflag:s8] =	ssyncset.s32 @!p0 $0xFFFFF086;
	s6 =	sadd.s32 @!p0 s3, s7;
	s7 =	simm.s32 @!p0 $0x108  }
0x21: {  	s3 =	sadd.s32 s3, s9;
	s6 =	sadd.s32 @!p0 $0x88, s6;
	s7 =	simm.s32 @p2 $0x1082  }
0x22: {  	[simem:s7], [sflag:s8] =	dma.local @!p0 [hbm:s6], $0xF7A  }
0x23: {  	s9 =	sor.u32 $0xD0000000, s2;
	s6 =	simm.s32 $0x108;
	_ =	swait.ge @!p0 [sflag:s8], $0x0  }
0x24: {  	s3 =	sadd.s32 $0x88, s3;
	s6 =	simm.s32 @!p1 $0x1082;
	[sflag:s4] =	ssyncset.s32 $0xFFFFF086  }
0x25: {  	[simem:s6], [sflag:s4] =	dma.local [hbm:s3], $0xF7A  }
0x26: {  	[smem:$0x3F9F] =	sst s1;
	(tag) =	ssettag s2;
	_ =	strace s9  }
0x27: {  	s1 =	sld [smem:$0x3FAF]  }
0x28: {  	s2 =	sld [smem:$0x3FB0]  }
0x29: {  	s4 =	sld [smem:$0x3FB2]  }
0x2a: {  	p0 =	seq.s32 s5, $0x0;
	s5 =	sld [smem:$0x3FB3]  }
0x2b: {  	s6 =	sld [smem:$0x3FB4]  }
0x2c: {  	s7 =	sld [smem:$0x3FB5]  }
0x2d: {  	s3 =	simm.s32 $0x108;
	s8 =	sld [smem:$0x3FB6]  }
0x2e: {  	s3 =	simm.s32 @!p0 $0x1082;
	s9 =	sld [smem:$0x3FB7]  }
0x2f: {  	lr =	sadd.s32 s0, s3;
	s0 =	sld [smem:$0x3FAE]  }
0x30: {  	s3 =	sld [smem:$0x3FB1]  }
0x31: {  	[smem:$0x3FBA] =	sst s10  }
0x32: {  	s10 =	sld [smem:$0x3FB8];
	_ =	sdelay $0x3  }
0x33: {  	p0 =	seq.s32 s10, $0x1;
	s10 =	sld [smem:$0x3FBA];
	_ =	sdelay $0x3  }
0x34: {  	[smem:$0x3FBA] =	sst s10  }
0x35: {  	s10 =	sld [smem:$0x3FB9];
	_ =	sdelay $0x3  }
0x36: {  	p1 =	seq.s32 s10, $0x1;
	s10 =	sld [smem:$0x3FBA];
	_ =	sdelay $0x3  }
0x37: {  	[smem:$0x3FBA] =	sst s10  }
0x38: {  	s10 =	sld [smem:$0x3FBB]  }
0x39: {  	_ = 	snop;
	(pc) =	sbr.ind lr, $3  }
0x3a: {  	_ = 	snop  }
0x3b: {  	_ = 	snop  }
0x3c: {  	p2 =	seq.s32 s10, $0x1;
	s10 =	sld [smem:$0x3FBA]  }
0x3d: {  	_ =	shalt  }
0x3e: {  	_ =	shalt  }
0x3f: {  	_ =	shalt  }
0x40: {  	_ =	shalt  }
0x41: {  	_ =	shalt  }
0x42: {  	_ =	shalt  }
0x43: {  	_ =	shalt  }
0x44: {  	_ =	shalt  }
0x45: {  	_ =	shalt  }
0x46: {  	_ =	shalt  }
0x47: {  	_ =	shalt  }
0x48: {  	_ =	shalt  }
0x49: {  	_ =	shalt  }
0x4a: {  	_ =	shalt  }
0x4b: {  	_ =	shalt  }
0x4c: {  	_ =	shalt  }
0x4d: {  	_ =	shalt  }
0x4e: {  	_ =	shalt  }
0x4f: {  	_ =	shalt  }
0x50: {  	_ =	shalt  }
0x51: {  	_ =	shalt  }
0x52: {  	_ =	shalt  }
0x53: {  	_ =	shalt  }
0x54: {  	_ =	shalt  }
0x55: {  	_ =	shalt  }
0x56: {  	_ =	shalt  }
0x57: {  	_ =	shalt  }
0x58: {  	_ =	shalt  }
0x59: {  	_ =	shalt  }
0x5a: {  	_ =	shalt  }
0x5b: {  	_ =	shalt  }
0x5c: {  	_ =	shalt  }
0x5d: {  	_ =	shalt  }
0x5e: {  	_ =	shalt  }
0x5f: {  	_ =	shalt  }
0x60: {  	_ =	shalt  }
0x61: {  	_ =	shalt  }
0x62: {  	_ =	shalt  }
0x63: {  	_ =	shalt  }
0x64: {  	_ =	shalt  }
0x65: {  	_ =	shalt  }
0x66: {  	_ =	shalt  }
0x67: {  	_ =	shalt  }
0x68: {  	_ =	shalt  }
0x69: {  	_ =	shalt  }
0x6a: {  	_ =	shalt  }
0x6b: {  	_ =	shalt  }
0x6c: {  	_ =	shalt  }
0x6d: {  	_ =	shalt  }
0x6e: {  	_ =	shalt  }
0x6f: {  	_ =	shalt  }
0x70: {  	_ =	shalt  }
0x71: {  	_ =	shalt  }
0x72: {  	_ =	shalt  }
0x73: {  	_ =	shalt  }
0x74: {  	_ =	shalt  }
0x75: {  	_ =	shalt  }
0x76: {  	_ =	shalt  }
0x77: {  	_ =	shalt  }
0x78: {  	_ =	shalt  }
0x79: {  	_ =	shalt  }
0x7a: {  	_ =	shalt  }
0x7b: {  	_ =	shalt  }
0x7c: {  	_ =	shalt  }
0x7d: {  	_ =	shalt  }
0x7e: {  	_ =	shalt  }
0x7f: {  	_ =	shalt  }
0x80: {  	_ =	shalt  }
0x81: {  	_ =	shalt  }
0x82: {  	_ =	shalt  }
0x83: {  	_ =	shalt  }
0x84: {  	_ =	shalt  }
0x85: {  	_ =	shalt  }
0x86: {  	_ =	shalt  }
0x87: {  	_ =	shalt  }
.Lfunc_end0:
.L_simem_size_0:
called_computation.1_lowered:
.L_overlay_start_0:
0x88: {  	s2 =	sld [smem:$0x3FD9]  }
0x89: {  	s3 =	sld [smem:$0x3FFE];
	_ =	sdelay $0x1  }
0x8a: {  	s1 =	srdreg.scid  }
0x8b: {  	s0 =	sand.u32 $0x1, s1  }
0x8c: {  	s17 =	sshll.u32 s0, $0xA;
	s2 =	sadd.s32 s3, s2  }
0x8d: {  	s2 =	sadd.s32 s2, s17  }
0x8e: {  	[smem:$0x3FC6] =	sst s2  }
0x8f: {  	_ = 	snop  }
0x90: {  	s2 =	sld [smem:$0x3FD0];
	(tm) =	ssettm $0x1  }
0x91: {  	s18 =	sld [smem:$0x3FFB];
	_ =	sdelay $0x3  }
0x92: {  	_ =	strace s18  }
0x93: {  	s3 =	sld [smem:$0x3FFC];
	_ =	sdelay $0x3  }
0x94: {  	_ =	strace s3  }
0x95: {  	s3 =	sld [smem:$0x3FFD];
	_ =	sdelay $0x3  }
0x96: {  	_ =	strace s3  }
0x97: {  	_ =	strace $0x8FFFFFFF  }
0x98: {  	s19 =	sld [smem:$0x3FDB];
	_ =	sdelay $0x1  }
0x99: {  	s4 =	simm.s32 $_scs_section_size  }
0x9a: {  	s5 =	simm.s32 $_size__tile_overlayer_lowered;
	s6 =	simm.s32 $_tile_overlayer_lowered  }
0x9b: {  	s22 =	simm.s32 $0x1BFF;
	s21 =	sshll.u32 s6, $0x1;
	s3 =	sadd.s32 s4, s19  }
0x9c: {  	s7 =	simm.s32 $0x0;
	s20 =	sshll.u32 s5, $0x1;
	s5 =	sadd.s32 s21, s3  }
0x9d: {  	[timem:s7], [sflag:s22] =	dma.local [hbm:s5], s20  }
0x9e: {  	_ =	swait.ge [sflag:s22], s20  }
0x9f: {  	s4 =	ssub.s32 $0x0, s20;
	[sflag:s22] =	ssyncset.done $0x0  }
0xa0: {  	[sflag:s22] =	ssyncadd.s32 s4;
	_ =	sdelay $0x1  }
0xa1: {  	s23 =	simm.s32 $0x1B8B  }
0xa2: {  	_ =	swait.ge [sflag:s23], $0x1  }
0xa3: {  	[sflag:s23] =	ssyncset.done $0x0  }
0xa4: {  	s25 =	simm.s32 $0x1B8E;
	s24 =	sld [smem:$0x3FFE];
	[sflag:s23] =	ssyncadd.s32 $0xFFFFFFFF  }
0xa5: {  	s26 =	simm.s32 $execute0_lowered;
	[smem:$0x3FD2] =	sst s25  }
0xa6: {  	s5 =	sshll.u32 s26, $0x1;
	_ =	strace $0x80000046;
	[dreg:$0x1] =	wrdreg $0xFFFFFFFF  }
0xa7: {  	s28 =	simm.s32 $_size_execute0_lowered;
	s3 =	sadd.s32 s3, s5;
	[dreg:$0x0] =	wrdreg $0x0  }
0xa8: {  	s5 =	sshll.u32 s28, $0x1;
	[dreg:$0x2] =	wrdreg s3  }
0xa9: {  	[dreg:$0x3] =	wrdreg s5  }
0xaa: {  	[dreg:$0x4] =	wrdreg $0xC0  }
0xab: {  	_ =	task [dreg:s7], $0x5FFFF  }
0xac: {  	[dreg:$0x1] =	wrdreg $0xFFFFFFFF  }
0xad: {  	[dreg:$0x0] =	wrdreg $0x60  }
0xae: {  	[dreg:$0x2] =	wrdreg s24  }
0xaf: {  	[dreg:$0x3] =	wrdreg s2  }
0xb0: {  	[dreg:$0x4] =	wrdreg $0x9  }
0xb1: {  	_ =	task.clear_ibuf [dreg:s7], $0x5FFFF;
	_ =	strace $0x90000046  }
0xb2: {  	s29 =	simm.s32 $0x9;
	_ =	strace $0x80000048  }
0xb3: {  	_ =	swait.ge [sflag:s29], $0x1  }
0xb4: {  	[sflag:s29] =	ssyncadd.s32 $0xFFFFFFFF  }
0xb5: {  	_ =	strace $0x90000048  }
0xb6: {  	_ =	sfence  }
0xb7: {  	s30 =	sld [smem:$0x0];
	_ =	sdelay $0x2  }
0xb8: {  	s31 =	sshll.u32 s1, $0xD;
	s1 =	sshrl.u32 s1, $0x2  }
0xb9: {  	s3 =	sand.u32 $0x4000, s31;
	s1 =	sadd.s32 s1, s30  }
0xba: {  	s0 =	sor.u32 s3, s0;
	s1 =	sshll.u32 s1, $0x11  }
0xbb: {  	s0 =	sor.u32 s1, s0  }
0xbc: {  	s0 =	sadd.s32 $0x8F2B, s0  }
0xbd: {  	[sflag:s0] =	ssyncadd.remote.s32 $0x1  }
0xbe: {  	_ =	sfence.sel $0xFFFF  }
0xbf: {  	[dreg:$0x0] =	wrdreg $0xFFFFFFFF;
	(pc) =	sbr.abs _section_cstart, $3  }
0xc0: {  	[dreg:$0x1] =	wrdreg $0xFFFFFFFF  }
0xc1: {  	_ =	task.clear_ibuf [dreg:s7], $0x2FFFF;
	_ =	strace $0x9FFFFFFF  }
0xc2: {  	(tm) =	ssettm $0x7FFFFFFF  }
0xc3: {  	_ =	shalt  }
tec
execute0_lowered:
.L_overlay_start_1:
0x0: {  	(tag) =	ssettag $0x1  }
0x1: {  	s0 =	srdreg.scid  }
0x2: {  	s2 =	stileid.u32;
	s1 =	rddreg [dreg:$0x0]  }
0x3: {  	s9 =	simm.s32 $0x32;
	s10 =	simm.s32 $0x7000;
	s18 =	simm.s32 $0xA200  }
0x4: {  	s26 =	simm.s32 $0xD400;
	s29 =	simm.s32 $0xE080;
	s31 =	simm.s32 $0xED00  }
0x5: {  	s11 =	simm.s32 $0x1;
	s12 =	simm.s32 $0x10600;
	s13 =	simm.s32 $0x11280  }
0x6: {  	s14 =	simm.s32 $0x11F00;
	s15 =	simm.s32 $0x12B80;
	s16 =	simm.s32 $0x2  }
0x7: {  	s17 =	simm.s32 $0x3;
	s19 =	simm.s32 $0x4;
	s0 =	sand.u32 $0x1, s0  }
0x8: {  	s20 =	simm.s32 $0x5;
	s3 =	sshll.u32 s2, $0xA;
	s4 =	sshll.u32 s0, $0x9  }
0x9: {  	s21 =	simm.s32 $0x6;
	s22 =	simm.s32 $0x7;
	s3 =	sor.u32 s4, s3  }
0xa: {  	s23 =	simm.s32 $0x8;
	s0 =	ssub.s32 $0x2, s0;
	s5 =	smul.u32 $0x7, s3  }
.Ltmp0:
0xb: {  	s24 =	simm.s32 $0x0;
	s7 =	sshrl.u32 s0, $0x1;
	(pc) =	sbr.rel .LBB2_1-.Ltmp0, $4  }
0xc: {  	s2 =	rddreg [dreg:$0x1];
	s4 =	simm.s32 $0x0;
	s0 =	ssub.s32 s0, s7  }
0xd: {  	[smem:$0x7FF] =	sst s4;
	s0 =	smax.u32 s0, $0x1;
	s6 =	sadd.s32 s5, s1  }
0xe: {  	_ =	strace $0x80000047;
	[dreg:$0x4] =	wrdreg s0;
	s30 =	sadd.s32 $0xA00, s6  }
0xf: {  	s5 =	sadd.s32 $0xF42E00, s1;
	s0 =	simm.s32 $0xF980;
	[dreg:$0x3] =	wrdreg s30  }
.LBB2_12:
0x10: {  	_ =	swait.ge [sflag:s20], $0x3200  }
0x11: {  	[sflag:s20] =	ssyncset.done $0x0  }
0x12: {  	[sflag:s20] =	ssyncadd.s32 $0xFFFFCE00  }
0x13: {  	_ =	swait.ge [sflag:s21], $0x3200  }
0x14: {  	[sflag:s21] =	ssyncset.done $0x0  }
0x15: {  	[sflag:s21] =	ssyncadd.s32 $0xFFFFCE00  }
0x16: {  	_ =	swait.ge [sflag:s22], $0x3200  }
0x17: {  	[sflag:s22] =	ssyncset.done $0x0  }
0x18: {  	[sflag:s22] =	ssyncadd.s32 $0xFFFFCE00  }
0x19: {  	_ =	swait.ge [sflag:s23], $0x3200  }
0x1a: {  	s24 =	sadd.s32 $0x1, s24;
	s1 =	rddreg [dreg:$0x4]  }
0x1b: {  	p0 =	sne.s32 s24, s1  }
.Ltmp1:
0x1c: {  	_ = 	snop;
	(pc) =	sbr.rel @!p0 .LBB2_13-.Ltmp1, $3  }
0x1d: {  	_ =	sdelay $0x1  }
0x1e: {  	[sflag:s23] =	ssyncset.done $0x0  }
0x1f: {  	[sflag:s23] =	ssyncadd.s32 $0xFFFFCE00  }
.LBB2_1:
0x20: {  	s1 =	rddreg [dreg:$0x3];
	s6 =	simm.s32 $0x9  }
0x21: {  	[tilespmem:s4], [sflag:$0x9] =	stream.linear.gather [hbm4b:s1+s4], $0x7000, $0x38;
	[tilespmem:$0x13800] =	vst v63  }
0x22: {  	_ =	swait.ge [sflag:s6], $0x7000  }
0x23: {  	[sflag:s6] =	ssyncset.done $0x0  }
0x24: {  	[sflag:s6] =	ssyncadd.s32 $0xFFFF9000  }
0x25: {  	[tilespmem:s10], [sflag:$0x1] =	stream.indirect.gather [hbm4b:s5+s9], $0x40, s4, s9, $0xb8;
	[tilespmem:$0x13800] =	vst v63  }
0x26: {  	s7 =	simm.s32 $0x38;
	s6 =	simm.s32 $0x7C80  }
0x27: {  	[tilespmem:s6], [sflag:$0x1] =	stream.indirect.gather [hbm4b:s5+s9], $0x40, s7, s9, $0xb8;
	[tilespmem:$0x13800] =	vst v63  }
0x28: {  	s8 =	simm.s32 $0x70;
	s25 =	simm.s32 $0x8900  }
0x29: {  	[tilespmem:s25], [sflag:$0x1] =	stream.indirect.gather [hbm4b:s5+s9], $0x40, s8, s9, $0xb8;
	[tilespmem:$0x13800] =	vst v63  }
0x2a: {  	s28 =	simm.s32 $0xA8;
	s30 =	simm.s32 $0x9580  }
0x2b: {  	[tilespmem:s30], [sflag:$0x1] =	stream.indirect.gather [hbm4b:s5+s9], $0x40, s28, s9, $0xb8;
	[tilespmem:$0x13800] =	vst v63  }
0x2c: {  	s7 =	simm.s32 $0xE0  }
0x2d: {  	[tilespmem:s18], [sflag:$0x2] =	stream.indirect.gather [hbm4b:s5+s9], $0x40, s7, s9, $0xb8;
	[tilespmem:$0x13800] =	vst v63  }
0x2e: {  	s8 =	simm.s32 $0x118;
	s25 =	simm.s32 $0xAE80  }
0x2f: {  	[tilespmem:s25], [sflag:$0x2] =	stream.indirect.gather [hbm4b:s5+s9], $0x40, s8, s9, $0xb8;
	[tilespmem:$0x13800] =	vst v63  }
0x30: {  	s28 =	simm.s32 $0x150;
	s30 =	simm.s32 $0xBB00  }
0x31: {  	[tilespmem:s30], [sflag:$0x2] =	stream.indirect.gather [hbm4b:s5+s9], $0x40, s28, s9, $0xb8;
	[tilespmem:$0x13800] =	vst v63  }
0x32: {  	s6 =	simm.s32 $0x188;
	s7 =	simm.s32 $0xC780  }
0x33: {  	[tilespmem:s7], [sflag:$0x2] =	stream.indirect.gather [hbm4b:s5+s9], $0x40, s6, s9, $0xb8;
	[tilespmem:$0x13800] =	vst v63  }
0x34: {  	s8 =	simm.s32 $0x1C0  }
0x35: {  	[tilespmem:s26], [sflag:$0x3] =	stream.indirect.gather [hbm4b:s5+s9], $0x40, s8, s9, $0xb8;
	[tilespmem:$0x13800] =	vst v63  }
0x36: {  	s25 =	simm.s32 $0x1F8  }
0x37: {  	[tilespmem:s29], [sflag:$0x3] =	stream.indirect.gather [hbm4b:s5+s9], $0x40, s25, s9, $0xb8;
	[tilespmem:$0x13800] =	vst v63  }
0x38: {  	s28 =	simm.s32 $0x230  }
0x39: {  	[tilespmem:s31], [sflag:$0x3] =	stream.indirect.gather [hbm4b:s5+s9], $0x40, s28, s9, $0xb8;
	[tilespmem:$0x13800] =	vst v63  }
0x3a: {  	s30 =	simm.s32 $0x268;
	s25 =	simm.s32 $0x0  }
0x3b: {  	[tilespmem:s0], [sflag:$0x3] =	stream.indirect.gather [hbm4b:s5+s9], $0x40, s30, s9, $0xb8;
	[tilespmem:$0x13800] =	vst v63  }
.LBB2_2:
0x3c: {  	_ =	swait.ge [sflag:s11], $0xC80  }
0x3d: {  	[sflag:s11] =	ssyncset.done $0x0  }
0x3e: {  	[sflag:s11] =	ssyncadd.s32 $0xFFFFF380  }
0x3f: {  	_ =	swait.ge [sflag:s11], $0xC80  }
0x40: {  	[sflag:s11] =	ssyncset.done $0x0  }
0x41: {  	[sflag:s11] =	ssyncadd.s32 $0xFFFFF380  }
0x42: {  	_ =	swait.ge [sflag:s11], $0xC80  }
0x43: {  	[sflag:s11] =	ssyncset.done $0x0  }
0x44: {  	[sflag:s11] =	ssyncadd.s32 $0xFFFFF380  }
0x45: {  	_ =	swait.ge [sflag:s11], $0xC80  }
0x46: {  	[sflag:s11] =	ssyncset.done $0x0  }
0x47: {  	s28 =	simm.s32 $0xFFFFF380;
	[sflag:s11] =	ssyncadd.s32 $0xFFFFF380  }
0x48: {  	v0 =	vld [tilespmem:s28+$0x7C80]  }
0x49: {  	v1 =	vld [tilespmem:s28+$0x7C90]  }
0x4a: {  	v2 =	vld [tilespmem:s28+$0x7CA0]  }
0x4b: {  	v3 =	vld [tilespmem:s28+$0x7CB0]  }
0x4c: {  	v4 =	vld [tilespmem:s28+$0x8900]  }
0x4d: {  	v5 =	vld [tilespmem:s28+$0x8910];
	v0 =	vmul.f32 $8.000000000e+00, v0  }
0x4e: {  	v6 =	vld [tilespmem:s28+$0x8920];
	v1 =	vmul.f32 $8.000000000e+00, v1  }
0x4f: {  	v7 =	vld [tilespmem:s28+$0x8930];
	[tilespmem:s28+$0x7C80] =	vst v0;
	v0 =	vmul.f32 $8.000000000e+00, v2  }
0x50: {  	v8 =	vld [tilespmem:s28+$0x9580];
	[tilespmem:s28+$0x7C90] =	vst v1;
	v1 =	vmul.f32 $8.000000000e+00, v3  }
0x51: {  	v9 =	vld [tilespmem:s28+$0x9590];
	[tilespmem:s28+$0x7CA0] =	vst v0;
	v0 =	vmul.f32 $8.000000000e+00, v4  }
0x52: {  	v2 =	vmul.f32 $8.000000000e+00, v5;
	[tilespmem:s28+$0x7CB0] =	vst v1;
	v1 =	vld [tilespmem:s28+$0x95A0]  }
0x53: {  	v3 =	vmul.f32 $8.000000000e+00, v6;
	[tilespmem:s28+$0x8900] =	vst v0;
	v0 =	vld [tilespmem:s28+$0x95B0]  }
0x54: {  	[tilespmem:s28+$0x8910] =	vst v2;
	v2 =	vld [tilespmem:s28+$0xA200];
	v4 =	vmul.f32 $8.000000000e+00, v7  }
0x55: {  	v6 =	vmul.f32 $8.000000000e+00, v8;
	[tilespmem:s28+$0x8920] =	vst v3;
	v3 =	vld [tilespmem:s28+$0xA210]  }
0x56: {  	s1 =	simm.s32 $0xFFFFCF00;
	v5 =	vmul.f32 $8.000000000e+00, v9;
	[tilespmem:s28+$0x8930] =	vst v4;
	v4 =	vld [tilespmem:s28+$0xA220]  }
.LBB2_3:
0x57: {  	s6 =	sshra.s32 s1, $0x2;
	p0 =	sne.s32 s1, $0xFFFFFF00;
	[tilespmem:s28+$0x9580] =	vst v6;
	v1 =	vmul.f32 $8.000000000e+00, v1;
	v6 =	vld [tilespmem:s28+$0xA230]  }
0x58: {  	v7 =	vld [tilespmem:s6+$0x7C80];
	[tilespmem:s28+$0x9590] =	vst v5;
	v0 =	vmul.f32 $8.000000000e+00, v0  }
0x59: {  	v5 =	vld [tilespmem:s6+$0x7C90];
	[tilespmem:s28+$0x95A0] =	vst v1;
	v1 =	vmul.f32 $8.000000000e+00, v2  }
0x5a: {  	v2 =	vld [tilespmem:s6+$0x7CA0];
	[tilespmem:s28+$0x95B0] =	vst v0;
	v0 =	vmul.f32 $8.000000000e+00, v3  }
0x5b: {  	v3 =	vld [tilespmem:s6+$0x7CB0];
	[tilespmem:s28+$0xA200] =	vst v1;
	v1 =	vmul.f32 $8.000000000e+00, v4  }
0x5c: {  	v4 =	vld [tilespmem:s6+$0x8900];
	[tilespmem:s28+$0xA210] =	vst v0;
	v0 =	vmul.f32 $8.000000000e+00, v6  }
0x5d: {  	v6 =	vmul.f32 $8.000000000e+00, v7;
	v7 =	vld [tilespmem:s6+$0x8910];
	[tilespmem:s28+$0xA220] =	vst v1  }
0x5e: {  	v1 =	vmul.f32 $8.000000000e+00, v5;
	v5 =	vld [tilespmem:s6+$0x8920];
	[tilespmem:s28+$0xA230] =	vst v0;
	s28 =	smov.u32 s6  }
0x5f: {  	[tilespmem:s28+$0x7C80] =	vst v6;
	v0 =	vmul.f32 $8.000000000e+00, v2;
	v2 =	vld [tilespmem:s28+$0x8930]  }
0x60: {  	[tilespmem:s28+$0x7C90] =	vst v1;
	v1 =	vmul.f32 $8.000000000e+00, v3;
	v3 =	vld [tilespmem:s28+$0x9580]  }
0x61: {  	[tilespmem:s28+$0x7CA0] =	vst v0;
	v0 =	vmul.f32 $8.000000000e+00, v4;
	v4 =	vld [tilespmem:s28+$0x9590]  }
.Ltmp2:
0x62: {  	[tilespmem:s28+$0x7CB0] =	vst v1;
	v6 =	vmul.f32 $8.000000000e+00, v7;
	v1 =	vld [tilespmem:s28+$0x95A0];
	(pc) =	sbr.rel @p0 .LBB2_3-.Ltmp2, $4  }
0x63: {  	[tilespmem:s28+$0x8900] =	vst v0;
	v5 =	vmul.f32 $8.000000000e+00, v5;
	v0 =	vld [tilespmem:s28+$0x95B0]  }
0x64: {  	[tilespmem:s28+$0x8910] =	vst v6;
	v7 =	vmul.f32 $8.000000000e+00, v2;
	v2 =	vld [tilespmem:s28+$0xA200]  }
0x65: {  	[tilespmem:s28+$0x8920] =	vst v5;
	v6 =	vmul.f32 $8.000000000e+00, v3;
	v3 =	vld [tilespmem:s28+$0xA210]  }
0x66: {  	s1 =	sadd.s32 $0x100, s1;
	[tilespmem:s28+$0x8930] =	vst v7;
	v5 =	vmul.f32 $8.000000000e+00, v4;
	v4 =	vld [tilespmem:s28+$0xA220]  }
0x67: {  	[tilespmem:s28+$0x9580] =	vst v6;
	v1 =	vmul.f32 $8.000000000e+00, v1;
	v6 =	vld [tilespmem:s28+$0xA230]  }
0x68: {  	[tilespmem:s28+$0x9590] =	vst v5;
	v0 =	vmul.f32 $8.000000000e+00, v0  }
0x69: {  	[tilespmem:s28+$0x95A0] =	vst v1;
	v1 =	vmul.f32 $8.000000000e+00, v2  }
0x6a: {  	s1 =	sshll.u32 s25, $0x4;
	[tilespmem:s28+$0x95B0] =	vst v0;
	v0 =	vmul.f32 $8.000000000e+00, v3  }
0x6b: {  	s6 =	sadd.s32 s3, s1;
	[tilespmem:s28+$0xA200] =	vst v1;
	v1 =	vmul.f32 $8.000000000e+00, v4  }
0x6c: {  	s6 =	smul.u32 $0x190, s6;
	[tilespmem:s28+$0xA210] =	vst v0;
	v0 =	vmul.f32 $8.000000000e+00, v6  }
0x6d: {  	[tilespmem:s28+$0xA220] =	vst v1  }
0x6e: {  	p0 =	seq.s32 s25, $0x0;
	s6 =	sadd.s32 s2, s6;
	[tilespmem:s28+$0xA230] =	vst v0  }
0x6f: {  	[hbm4b:s6+s4] =	stream.linear.scatter [tilespmem:s10], [sflag:$0x5], $0x3200, $0x38;
	[tilespmem:$0x13800] =	vst v63  }
0x70: {  	s28 =	sshllo.u32 s25, $0x2;
	s6 =	simm.s32 @!p0 $0x8  }
0x71: {  	s7 =	smul.u32 $0x380, s28;
	_ =	swait.ge @!p0 [sflag:s6], $0x3200  }
0x72: {  	[sflag:s6] =	ssyncset.done @!p0 $0x0  }
0x73: {  	[sflag:s6] =	ssyncadd.s32 @!p0 $0xFFFFCE00;
	s6 =	sshra.s32 s7, $0x2  }
0x74: {  	[tilespmem:s12], [sflag:$0x4] =	stream.indirect.gather [hbm4b:s5+s9], $0x40, s6, s9, $0xb8;
	[tilespmem:$0x13800] =	vst v63  }
0x75: {  	s7 =	sadd.s32 $0x38, s6  }
0x76: {  	[tilespmem:s13], [sflag:$0x4] =	stream.indirect.gather [hbm4b:s5+s9], $0x40, s7, s9, $0xb8;
	[tilespmem:$0x13800] =	vst v63  }
0x77: {  	s8 =	sadd.s32 $0x70, s6  }
0x78: {  	[tilespmem:s14], [sflag:$0x4] =	stream.indirect.gather [hbm4b:s5+s9], $0x40, s8, s9, $0xb8;
	[tilespmem:$0x13800] =	vst v63  }
0x79: {  	s6 =	sadd.s32 $0xA8, s6  }
0x7a: {  	[tilespmem:s15], [sflag:$0x4] =	stream.indirect.gather [hbm4b:s5+s9], $0x40, s6, s9, $0xb8;
	[tilespmem:$0x13800] =	vst v63  }
0x7b: {  	_ =	swait.ge [sflag:s16], $0xC80  }
0x7c: {  	[sflag:s16] =	ssyncset.done $0x0  }
0x7d: {  	[sflag:s16] =	ssyncadd.s32 $0xFFFFF380  }
0x7e: {  	_ =	swait.ge [sflag:s16], $0xC80  }
0x7f: {  	[sflag:s16] =	ssyncset.done $0x0  }
0x80: {  	[sflag:s16] =	ssyncadd.s32 $0xFFFFF380  }
0x81: {  	_ =	swait.ge [sflag:s16], $0xC80  }
0x82: {  	[sflag:s16] =	ssyncset.done $0x0  }
0x83: {  	[sflag:s16] =	ssyncadd.s32 $0xFFFFF380  }
0x84: {  	_ =	swait.ge [sflag:s16], $0xC80  }
0x85: {  	[sflag:s16] =	ssyncset.done $0x0  }
0x86: {  	s30 =	simm.s32 $0x0;
	[sflag:s16] =	ssyncadd.s32 $0xFFFFF380  }
0x87: {  	v0 =	vld [tilespmem:s30+$0xA200]  }
0x88: {  	v1 =	vld [tilespmem:s30+$0xA210]  }
0x89: {  	v2 =	vld [tilespmem:s30+$0xA220]  }
0x8a: {  	v3 =	vld [tilespmem:s30+$0xA230]  }
0x8b: {  	v4 =	vld [tilespmem:s30+$0xAE80]  }
0x8c: {  	v5 =	vld [tilespmem:s30+$0xAE90];
	v0 =	vmul.f32 $8.000000000e+00, v0  }
0x8d: {  	v6 =	vld [tilespmem:s30+$0xAEA0];
	v1 =	vmul.f32 $8.000000000e+00, v1  }
0x8e: {  	v7 =	vld [tilespmem:s30+$0xAEB0];
	[tilespmem:s30+$0xA200] =	vst v0;
	v0 =	vmul.f32 $8.000000000e+00, v2  }
0x8f: {  	v8 =	vld [tilespmem:s30+$0xBB00];
	[tilespmem:s30+$0xA210] =	vst v1;
	v1 =	vmul.f32 $8.000000000e+00, v3  }
0x90: {  	v9 =	vld [tilespmem:s30+$0xBB10];
	[tilespmem:s30+$0xA220] =	vst v0;
	v0 =	vmul.f32 $8.000000000e+00, v4  }
0x91: {  	v2 =	vmul.f32 $8.000000000e+00, v5;
	[tilespmem:s30+$0xA230] =	vst v1;
	v1 =	vld [tilespmem:s30+$0xBB20]  }
0x92: {  	v3 =	vmul.f32 $8.000000000e+00, v6;
	[tilespmem:s30+$0xAE80] =	vst v0;
	v0 =	vld [tilespmem:s30+$0xBB30]  }
0x93: {  	[tilespmem:s30+$0xAE90] =	vst v2;
	v2 =	vld [tilespmem:s30+$0xC780];
	v4 =	vmul.f32 $8.000000000e+00, v7  }
0x94: {  	v6 =	vmul.f32 $8.000000000e+00, v8;
	[tilespmem:s30+$0xAEA0] =	vst v3;
	v3 =	vld [tilespmem:s30+$0xC790]  }
0x95: {  	s6 =	simm.s32 $0x100;
	v5 =	vmul.f32 $8.000000000e+00, v9;
	[tilespmem:s30+$0xAEB0] =	vst v4;
	v4 =	vld [tilespmem:s30+$0xC7A0]  }
.LBB2_5:
0x96: {  	s7 =	sshra.s32 s6, $0x2;
	p0 =	sne.s32 s6, $0x3100;
	[tilespmem:s30+$0xBB00] =	vst v6;
	v1 =	vmul.f32 $8.000000000e+00, v1;
	v6 =	vld [tilespmem:s30+$0xC7B0]  }
0x97: {  	v7 =	vld [tilespmem:s7+$0xA200];
	[tilespmem:s30+$0xBB10] =	vst v5;
	v0 =	vmul.f32 $8.000000000e+00, v0  }
0x98: {  	v5 =	vld [tilespmem:s7+$0xA210];
	[tilespmem:s30+$0xBB20] =	vst v1;
	v1 =	vmul.f32 $8.000000000e+00, v2  }
0x99: {  	v2 =	vld [tilespmem:s7+$0xA220];
	[tilespmem:s30+$0xBB30] =	vst v0;
	v0 =	vmul.f32 $8.000000000e+00, v3  }
0x9a: {  	v3 =	vld [tilespmem:s7+$0xA230];
	[tilespmem:s30+$0xC780] =	vst v1;
	v1 =	vmul.f32 $8.000000000e+00, v4  }
0x9b: {  	v4 =	vld [tilespmem:s7+$0xAE80];
	[tilespmem:s30+$0xC790] =	vst v0;
	v0 =	vmul.f32 $8.000000000e+00, v6  }
0x9c: {  	v6 =	vmul.f32 $8.000000000e+00, v7;
	v7 =	vld [tilespmem:s7+$0xAE90];
	[tilespmem:s30+$0xC7A0] =	vst v1  }
0x9d: {  	v1 =	vmul.f32 $8.000000000e+00, v5;
	v5 =	vld [tilespmem:s7+$0xAEA0];
	[tilespmem:s30+$0xC7B0] =	vst v0;
	s30 =	smov.u32 s7  }
0x9e: {  	[tilespmem:s30+$0xA200] =	vst v6;
	v0 =	vmul.f32 $8.000000000e+00, v2;
	v2 =	vld [tilespmem:s30+$0xAEB0]  }
0x9f: {  	[tilespmem:s30+$0xA210] =	vst v1;
	v1 =	vmul.f32 $8.000000000e+00, v3;
	v3 =	vld [tilespmem:s30+$0xBB00]  }
0xa0: {  	[tilespmem:s30+$0xA220] =	vst v0;
	v0 =	vmul.f32 $8.000000000e+00, v4;
	v4 =	vld [tilespmem:s30+$0xBB10]  }
.Ltmp3:
0xa1: {  	[tilespmem:s30+$0xA230] =	vst v1;
	v6 =	vmul.f32 $8.000000000e+00, v7;
	v1 =	vld [tilespmem:s30+$0xBB20];
	(pc) =	sbr.rel @p0 .LBB2_5-.Ltmp3, $4  }
0xa2: {  	[tilespmem:s30+$0xAE80] =	vst v0;
	v5 =	vmul.f32 $8.000000000e+00, v5;
	v0 =	vld [tilespmem:s30+$0xBB30]  }
0xa3: {  	[tilespmem:s30+$0xAE90] =	vst v6;
	v7 =	vmul.f32 $8.000000000e+00, v2;
	v2 =	vld [tilespmem:s30+$0xC780]  }
0xa4: {  	[tilespmem:s30+$0xAEA0] =	vst v5;
	v6 =	vmul.f32 $8.000000000e+00, v3;
	v3 =	vld [tilespmem:s30+$0xC790]  }
0xa5: {  	s6 =	sadd.s32 $0x100, s6;
	[tilespmem:s30+$0xAEB0] =	vst v7;
	v5 =	vmul.f32 $8.000000000e+00, v4;
	v4 =	vld [tilespmem:s30+$0xC7A0]  }
0xa6: {  	[tilespmem:s30+$0xBB00] =	vst v6;
	v1 =	vmul.f32 $8.000000000e+00, v1;
	v6 =	vld [tilespmem:s30+$0xC7B0]  }
0xa7: {  	[tilespmem:s30+$0xBB10] =	vst v5;
	v0 =	vmul.f32 $8.000000000e+00, v0  }
0xa8: {  	[tilespmem:s30+$0xBB20] =	vst v1;
	v1 =	vmul.f32 $8.000000000e+00, v2  }
0xa9: {  	s1 =	sadd.s32 s1, s3;
	[tilespmem:s30+$0xBB30] =	vst v0;
	v0 =	vmul.f32 $8.000000000e+00, v3  }
0xaa: {  	s1 =	smul.u32 $0x190, s1;
	[tilespmem:s30+$0xC780] =	vst v1;
	v1 =	vmul.f32 $8.000000000e+00, v4  }
0xab: {  	[tilespmem:s30+$0xC790] =	vst v0;
	v0 =	vmul.f32 $8.000000000e+00, v6  }
0xac: {  	s1 =	sadd.s32 s2, s1;
	[tilespmem:s30+$0xC7A0] =	vst v1  }
0xad: {  	p0 =	seq.s32 s25, $0x1F;
	s6 =	sadd.s32 $0x640, s1;
	[tilespmem:s30+$0xC7B0] =	vst v0  }
0xae: {  	[hbm4b:s6+s4] =	stream.linear.scatter [tilespmem:s18], [sflag:$0x6], $0x3200, $0x38;
	[tilespmem:$0x13800] =	vst v63  }
0xaf: {  	s7 =	smul.u32 @!p0 $0xE00, s25;
	s6 =	simm.s32 @!p0 $0x5  }
0xb0: {  	_ =	swait.ge @!p0 [sflag:s6], $0x3200  }
0xb1: {  	s8 =	simm.s32 @!p0 $0x7000;
	s30 =	sshra.s32 @!p0 s7, $0x2;
	[sflag:s6] =	ssyncset.done @!p0 $0x0  }
0xb2: {  	s7 =	simm.s32 @!p0 $0x32;
	[sflag:s6] =	ssyncadd.s32 @!p0 $0xFFFFCE00;
	s6 =	sadd.s32 @!p0 $0x380, s30  }
0xb3: {  	[tilespmem:s8], [sflag:$0x1] =	stream.indirect.gather @!p0 [hbm4b:s5+s7], $0x40, s6, s7, $0xb8;
	[tilespmem:$0x13800] =	vst v63  }
0xb4: {  	s6 =	sadd.s32 @!p0 $0x3B8, s30;
	s8 =	simm.s32 @!p0 $0x7C80  }
0xb5: {  	[tilespmem:s8], [sflag:$0x1] =	stream.indirect.gather @!p0 [hbm4b:s5+s7], $0x40, s6, s7, $0xb8;
	[tilespmem:$0x13800] =	vst v63  }
0xb6: {  	s6 =	sadd.s32 @!p0 $0x3F0, s30;
	s8 =	simm.s32 @!p0 $0x8900  }
0xb7: {  	[tilespmem:s8], [sflag:$0x1] =	stream.indirect.gather @!p0 [hbm4b:s5+s7], $0x40, s6, s7, $0xb8;
	[tilespmem:$0x13800] =	vst v63  }
0xb8: {  	s6 =	sadd.s32 @!p0 $0x428, s30;
	s8 =	simm.s32 @!p0 $0x9580  }
0xb9: {  	[tilespmem:s8], [sflag:$0x1] =	stream.indirect.gather @!p0 [hbm4b:s5+s7], $0x40, s6, s7, $0xb8;
	[tilespmem:$0x13800] =	vst v63  }
0xba: {  	_ =	swait.ge [sflag:s17], $0xC80  }
0xbb: {  	[sflag:s17] =	ssyncset.done $0x0  }
0xbc: {  	[sflag:s17] =	ssyncadd.s32 $0xFFFFF380  }
0xbd: {  	_ =	swait.ge [sflag:s17], $0xC80  }
0xbe: {  	[sflag:s17] =	ssyncset.done $0x0  }
0xbf: {  	[sflag:s17] =	ssyncadd.s32 $0xFFFFF380  }
0xc0: {  	_ =	swait.ge [sflag:s17], $0xC80  }
0xc1: {  	[sflag:s17] =	ssyncset.done $0x0  }
0xc2: {  	[sflag:s17] =	ssyncadd.s32 $0xFFFFF380  }
0xc3: {  	_ =	swait.ge [sflag:s17], $0xC80  }
0xc4: {  	[sflag:s17] =	ssyncset.done $0x0  }
0xc5: {  	s6 =	simm.s32 $0x0;
	[sflag:s17] =	ssyncadd.s32 $0xFFFFF380  }
0xc6: {  	v0 =	vld [tilespmem:s6+$0xD400]  }
0xc7: {  	v1 =	vld [tilespmem:s6+$0xD410]  }
0xc8: {  	v2 =	vld [tilespmem:s6+$0xD420]  }
0xc9: {  	v3 =	vld [tilespmem:s6+$0xD430]  }
0xca: {  	v4 =	vld [tilespmem:s6+$0xE080]  }
0xcb: {  	v5 =	vld [tilespmem:s6+$0xE090];
	v0 =	vmul.f32 $8.000000000e+00, v0  }
0xcc: {  	v6 =	vld [tilespmem:s6+$0xE0A0];
	v1 =	vmul.f32 $8.000000000e+00, v1  }
0xcd: {  	v7 =	vld [tilespmem:s6+$0xE0B0];
	[tilespmem:s6+$0xD400] =	vst v0;
	v0 =	vmul.f32 $8.000000000e+00, v2  }
0xce: {  	v8 =	vld [tilespmem:s6+$0xED00];
	[tilespmem:s6+$0xD410] =	vst v1;
	v1 =	vmul.f32 $8.000000000e+00, v3  }
0xcf: {  	v9 =	vld [tilespmem:s6+$0xED10];
	[tilespmem:s6+$0xD420] =	vst v0;
	v0 =	vmul.f32 $8.000000000e+00, v4  }
0xd0: {  	v2 =	vmul.f32 $8.000000000e+00, v5;
	[tilespmem:s6+$0xD430] =	vst v1;
	v1 =	vld [tilespmem:s6+$0xED20]  }
0xd1: {  	v3 =	vmul.f32 $8.000000000e+00, v6;
	[tilespmem:s6+$0xE080] =	vst v0;
	v0 =	vld [tilespmem:s6+$0xED30]  }
0xd2: {  	[tilespmem:s6+$0xE090] =	vst v2;
	v2 =	vld [tilespmem:s6+$0xF980];
	v4 =	vmul.f32 $8.000000000e+00, v7  }
0xd3: {  	v6 =	vmul.f32 $8.000000000e+00, v8;
	[tilespmem:s6+$0xE0A0] =	vst v3;
	v3 =	vld [tilespmem:s6+$0xF990]  }
0xd4: {  	s7 =	simm.s32 $0x100;
	v5 =	vmul.f32 $8.000000000e+00, v9;
	[tilespmem:s6+$0xE0B0] =	vst v4;
	v4 =	vld [tilespmem:s6+$0xF9A0]  }
.LBB2_7:
0xd5: {  	s8 =	sshra.s32 s7, $0x2;
	p1 =	sne.s32 s7, $0x3100;
	[tilespmem:s6+$0xED00] =	vst v6;
	v1 =	vmul.f32 $8.000000000e+00, v1;
	v6 =	vld [tilespmem:s6+$0xF9B0]  }
0xd6: {  	v7 =	vld [tilespmem:s8+$0xD400];
	[tilespmem:s6+$0xED10] =	vst v5;
	v0 =	vmul.f32 $8.000000000e+00, v0  }
0xd7: {  	v5 =	vld [tilespmem:s8+$0xD410];
	[tilespmem:s6+$0xED20] =	vst v1;
	v1 =	vmul.f32 $8.000000000e+00, v2  }
0xd8: {  	v2 =	vld [tilespmem:s8+$0xD420];
	[tilespmem:s6+$0xED30] =	vst v0;
	v0 =	vmul.f32 $8.000000000e+00, v3  }
0xd9: {  	v3 =	vld [tilespmem:s8+$0xD430];
	[tilespmem:s6+$0xF980] =	vst v1;
	v1 =	vmul.f32 $8.000000000e+00, v4  }
0xda: {  	v4 =	vld [tilespmem:s8+$0xE080];
	[tilespmem:s6+$0xF990] =	vst v0;
	v0 =	vmul.f32 $8.000000000e+00, v6  }
0xdb: {  	v6 =	vmul.f32 $8.000000000e+00, v7;
	v7 =	vld [tilespmem:s8+$0xE090];
	[tilespmem:s6+$0xF9A0] =	vst v1  }
0xdc: {  	v1 =	vmul.f32 $8.000000000e+00, v5;
	v5 =	vld [tilespmem:s8+$0xE0A0];
	[tilespmem:s6+$0xF9B0] =	vst v0;
	s6 =	smov.u32 s8  }
0xdd: {  	[tilespmem:s6+$0xD400] =	vst v6;
	v0 =	vmul.f32 $8.000000000e+00, v2;
	v2 =	vld [tilespmem:s6+$0xE0B0]  }
0xde: {  	[tilespmem:s6+$0xD410] =	vst v1;
	v1 =	vmul.f32 $8.000000000e+00, v3;
	v3 =	vld [tilespmem:s6+$0xED00]  }
0xdf: {  	[tilespmem:s6+$0xD420] =	vst v0;
	v0 =	vmul.f32 $8.000000000e+00, v4;
	v4 =	vld [tilespmem:s6+$0xED10]  }
.Ltmp4:
0xe0: {  	[tilespmem:s6+$0xD430] =	vst v1;
	v6 =	vmul.f32 $8.000000000e+00, v7;
	v1 =	vld [tilespmem:s6+$0xED20];
	(pc) =	sbr.rel @p1 .LBB2_7-.Ltmp4, $4  }
0xe1: {  	[tilespmem:s6+$0xE080] =	vst v0;
	v5 =	vmul.f32 $8.000000000e+00, v5;
	v0 =	vld [tilespmem:s6+$0xED30]  }
0xe2: {  	[tilespmem:s6+$0xE090] =	vst v6;
	v7 =	vmul.f32 $8.000000000e+00, v2;
	v2 =	vld [tilespmem:s6+$0xF980]  }
0xe3: {  	[tilespmem:s6+$0xE0A0] =	vst v5;
	v6 =	vmul.f32 $8.000000000e+00, v3;
	v3 =	vld [tilespmem:s6+$0xF990]  }
0xe4: {  	s7 =	sadd.s32 $0x100, s7;
	[tilespmem:s6+$0xE0B0] =	vst v7;
	v5 =	vmul.f32 $8.000000000e+00, v4;
	v4 =	vld [tilespmem:s6+$0xF9A0]  }
0xe5: {  	[tilespmem:s6+$0xED00] =	vst v6;
	v1 =	vmul.f32 $8.000000000e+00, v1;
	v6 =	vld [tilespmem:s6+$0xF9B0]  }
0xe6: {  	[tilespmem:s6+$0xED10] =	vst v5;
	v0 =	vmul.f32 $8.000000000e+00, v0  }
0xe7: {  	[tilespmem:s6+$0xED20] =	vst v1;
	v1 =	vmul.f32 $8.000000000e+00, v2  }
0xe8: {  	[tilespmem:s6+$0xED30] =	vst v0;
	v0 =	vmul.f32 $8.000000000e+00, v3  }
0xe9: {  	[tilespmem:s6+$0xF980] =	vst v1;
	v1 =	vmul.f32 $8.000000000e+00, v4  }
0xea: {  	[tilespmem:s6+$0xF990] =	vst v0;
	v0 =	vmul.f32 $8.000000000e+00, v6  }
0xeb: {  	[tilespmem:s6+$0xF9A0] =	vst v1  }
0xec: {  	s1 =	sadd.s32 $0xC80, s1;
	[tilespmem:s6+$0xF9B0] =	vst v0  }
0xed: {  	[hbm4b:s1+s4] =	stream.linear.scatter [tilespmem:s26], [sflag:$0x7], $0x3200, $0x38;
	[tilespmem:$0x13800] =	vst v63  }
0xee: {  	s1 =	simm.s32 @!p0 $0x6  }
0xef: {  	_ =	swait.ge @!p0 [sflag:s1], $0x3200  }
0xf0: {  	s7 =	simm.s32 @!p0 $0xA200;
	[sflag:s1] =	ssyncset.done @!p0 $0x0  }
0xf1: {  	s6 =	simm.s32 @!p0 $0x32;
	[sflag:s1] =	ssyncadd.s32 @!p0 $0xFFFFCE00;
	s1 =	sadd.s32 @!p0 $0x460, s30  }
0xf2: {  	[tilespmem:s7], [sflag:$0x2] =	stream.indirect.gather @!p0 [hbm4b:s5+s6], $0x40, s1, s6, $0xb8;
	[tilespmem:$0x13800] =	vst v63  }
0xf3: {  	s1 =	sadd.s32 @!p0 $0x498, s30;
	s7 =	simm.s32 @!p0 $0xAE80  }
0xf4: {  	[tilespmem:s7], [sflag:$0x2] =	stream.indirect.gather @!p0 [hbm4b:s5+s6], $0x40, s1, s6, $0xb8;
	[tilespmem:$0x13800] =	vst v63  }
0xf5: {  	s1 =	sadd.s32 @!p0 $0x4D0, s30;
	s7 =	simm.s32 @!p0 $0xBB00  }
0xf6: {  	[tilespmem:s7], [sflag:$0x2] =	stream.indirect.gather @!p0 [hbm4b:s5+s6], $0x40, s1, s6, $0xb8;
	[tilespmem:$0x13800] =	vst v63  }
0xf7: {  	s1 =	sadd.s32 @!p0 $0x508, s30;
	s7 =	simm.s32 @!p0 $0xC780  }
0xf8: {  	[tilespmem:s7], [sflag:$0x2] =	stream.indirect.gather @!p0 [hbm4b:s5+s6], $0x40, s1, s6, $0xb8;
	[tilespmem:$0x13800] =	vst v63  }
0xf9: {  	_ =	swait.ge [sflag:s19], $0xC80  }
0xfa: {  	[sflag:s19] =	ssyncset.done $0x0  }
0xfb: {  	[sflag:s19] =	ssyncadd.s32 $0xFFFFF380  }
0xfc: {  	_ =	swait.ge [sflag:s19], $0xC80  }
0xfd: {  	[sflag:s19] =	ssyncset.done $0x0  }
0xfe: {  	[sflag:s19] =	ssyncadd.s32 $0xFFFFF380  }
0xff: {  	_ =	swait.ge [sflag:s19], $0xC80  }
0x100: {  	[sflag:s19] =	ssyncset.done $0x0  }
0x101: {  	[sflag:s19] =	ssyncadd.s32 $0xFFFFF380  }
0x102: {  	_ =	swait.ge [sflag:s19], $0xC80  }
0x103: {  	[sflag:s19] =	ssyncset.done $0x0  }
0x104: {  	s1 =	simm.s32 $0x0;
	[sflag:s19] =	ssyncadd.s32 $0xFFFFF380  }
0x105: {  	v0 =	vld [tilespmem:s1+$0x10600]  }
0x106: {  	v1 =	vld [tilespmem:s1+$0x10610]  }
0x107: {  	v2 =	vld [tilespmem:s1+$0x10620]  }
0x108: {  	v3 =	vld [tilespmem:s1+$0x10630]  }
0x109: {  	v4 =	vld [tilespmem:s1+$0x11280]  }
0x10a: {  	v5 =	vld [tilespmem:s1+$0x11290];
	v0 =	vmul.f32 $8.000000000e+00, v0  }
0x10b: {  	v6 =	vld [tilespmem:s1+$0x112A0];
	v1 =	vmul.f32 $8.000000000e+00, v1  }
0x10c: {  	v7 =	vld [tilespmem:s1+$0x112B0];
	[tilespmem:s1+$0x10600] =	vst v0;
	v0 =	vmul.f32 $8.000000000e+00, v2  }
0x10d: {  	v8 =	vld [tilespmem:s1+$0x11F00];
	[tilespmem:s1+$0x10610] =	vst v1;
	v1 =	vmul.f32 $8.000000000e+00, v3  }
0x10e: {  	v9 =	vld [tilespmem:s1+$0x11F10];
	[tilespmem:s1+$0x10620] =	vst v0;
	v0 =	vmul.f32 $8.000000000e+00, v4  }
0x10f: {  	v2 =	vmul.f32 $8.000000000e+00, v5;
	[tilespmem:s1+$0x10630] =	vst v1;
	v1 =	vld [tilespmem:s1+$0x11F20]  }
0x110: {  	v3 =	vmul.f32 $8.000000000e+00, v6;
	[tilespmem:s1+$0x11280] =	vst v0;
	v0 =	vld [tilespmem:s1+$0x11F30]  }
0x111: {  	[tilespmem:s1+$0x11290] =	vst v2;
	v2 =	vld [tilespmem:s1+$0x12B80];
	v4 =	vmul.f32 $8.000000000e+00, v7  }
0x112: {  	v6 =	vmul.f32 $8.000000000e+00, v8;
	[tilespmem:s1+$0x112A0] =	vst v3;
	v3 =	vld [tilespmem:s1+$0x12B90]  }
0x113: {  	s6 =	simm.s32 $0x100;
	v5 =	vmul.f32 $8.000000000e+00, v9;
	[tilespmem:s1+$0x112B0] =	vst v4;
	v4 =	vld [tilespmem:s1+$0x12BA0]  }
.LBB2_9:
0x114: {  	s7 =	sshra.s32 s6, $0x2;
	p1 =	sne.s32 s6, $0x3100;
	[tilespmem:s1+$0x11F00] =	vst v6;
	v1 =	vmul.f32 $8.000000000e+00, v1;
	v6 =	vld [tilespmem:s1+$0x12BB0]  }
0x115: {  	v7 =	vld [tilespmem:s7+$0x10600];
	[tilespmem:s1+$0x11F10] =	vst v5;
	v0 =	vmul.f32 $8.000000000e+00, v0  }
0x116: {  	v5 =	vld [tilespmem:s7+$0x10610];
	[tilespmem:s1+$0x11F20] =	vst v1;
	v1 =	vmul.f32 $8.000000000e+00, v2  }
0x117: {  	v2 =	vld [tilespmem:s7+$0x10620];
	[tilespmem:s1+$0x11F30] =	vst v0;
	v0 =	vmul.f32 $8.000000000e+00, v3  }
0x118: {  	v3 =	vld [tilespmem:s7+$0x10630];
	[tilespmem:s1+$0x12B80] =	vst v1;
	v1 =	vmul.f32 $8.000000000e+00, v4  }
0x119: {  	v4 =	vld [tilespmem:s7+$0x11280];
	[tilespmem:s1+$0x12B90] =	vst v0;
	v0 =	vmul.f32 $8.000000000e+00, v6  }
0x11a: {  	v6 =	vmul.f32 $8.000000000e+00, v7;
	v7 =	vld [tilespmem:s7+$0x11290];
	[tilespmem:s1+$0x12BA0] =	vst v1  }
0x11b: {  	v1 =	vmul.f32 $8.000000000e+00, v5;
	v5 =	vld [tilespmem:s7+$0x112A0];
	[tilespmem:s1+$0x12BB0] =	vst v0;
	s1 =	smov.u32 s7  }
0x11c: {  	[tilespmem:s1+$0x10600] =	vst v6;
	v0 =	vmul.f32 $8.000000000e+00, v2;
	v2 =	vld [tilespmem:s1+$0x112B0]  }
0x11d: {  	[tilespmem:s1+$0x10610] =	vst v1;
	v1 =	vmul.f32 $8.000000000e+00, v3;
	v3 =	vld [tilespmem:s1+$0x11F00]  }
0x11e: {  	[tilespmem:s1+$0x10620] =	vst v0;
	v0 =	vmul.f32 $8.000000000e+00, v4;
	v4 =	vld [tilespmem:s1+$0x11F10]  }
.Ltmp5:
0x11f: {  	[tilespmem:s1+$0x10630] =	vst v1;
	v6 =	vmul.f32 $8.000000000e+00, v7;
	v1 =	vld [tilespmem:s1+$0x11F20];
	(pc) =	sbr.rel @p1 .LBB2_9-.Ltmp5, $4  }
0x120: {  	[tilespmem:s1+$0x11280] =	vst v0;
	v5 =	vmul.f32 $8.000000000e+00, v5;
	v0 =	vld [tilespmem:s1+$0x11F30]  }
0x121: {  	[tilespmem:s1+$0x11290] =	vst v6;
	v7 =	vmul.f32 $8.000000000e+00, v2;
	v2 =	vld [tilespmem:s1+$0x12B80]  }
0x122: {  	[tilespmem:s1+$0x112A0] =	vst v5;
	v6 =	vmul.f32 $8.000000000e+00, v3;
	v3 =	vld [tilespmem:s1+$0x12B90]  }
0x123: {  	s6 =	sadd.s32 $0x100, s6;
	[tilespmem:s1+$0x112B0] =	vst v7;
	v5 =	vmul.f32 $8.000000000e+00, v4;
	v4 =	vld [tilespmem:s1+$0x12BA0]  }
0x124: {  	[tilespmem:s1+$0x11F00] =	vst v6;
	v1 =	vmul.f32 $8.000000000e+00, v1;
	v59 =	vld [tilespmem:s1+$0x12BB0]  }
0x125: {  	[tilespmem:s1+$0x11F10] =	vst v5;
	v0 =	vmul.f32 $8.000000000e+00, v0  }
0x126: {  	[tilespmem:s1+$0x11F20] =	vst v1;
	v60 =	vmul.f32 $8.000000000e+00, v2  }
0x127: {  	s6 =	sshll.u32 s28, $0x2;
	[tilespmem:s1+$0x11F30] =	vst v0;
	v61 =	vmul.f32 $8.000000000e+00, v3  }
.Ltmp6:
0x128: {  	s6 =	sadd.s32 s3, s6;
	[tilespmem:s1+$0x12B80] =	vst v60;
	v62 =	vmul.f32 $8.000000000e+00, v4;
	(pc) =	sbr.rel @p0 .LBB2_12-.Ltmp6, $4  }
0x129: {  	s6 =	smul.u32 $0x190, s6;
	[tilespmem:s1+$0x12B90] =	vst v61;
	v63 =	vmul.f32 $8.000000000e+00, v59  }
0x12a: {  	[tilespmem:s1+$0x12BA0] =	vst v62  }
0x12b: {  	s30 =	sadd.s32 s2, s6;
	[tilespmem:s1+$0x12BB0] =	vst v63  }
0x12c: {  	[hbm4b:s30+s4] =	stream.linear.scatter [tilespmem:s12], [sflag:$0x8], $0x3200, $0x38;
	[tilespmem:$0x13800] =	vst v63  }
0x12d: {  	s1 =	smul.u32 $0xE00, s25  }
0x12e: {  	_ =	swait.ge [sflag:s22], $0x3200  }
0x12f: {  	[sflag:s22] =	ssyncset.done $0x0;
	s1 =	sshra.s32 s1, $0x2  }
0x130: {  	[sflag:s22] =	ssyncadd.s32 $0xFFFFCE00;
	s6 =	sadd.s32 $0x540, s1  }
0x131: {  	[tilespmem:s26], [sflag:$0x3] =	stream.indirect.gather [hbm4b:s5+s9], $0x40, s6, s9, $0xb8;
	[tilespmem:$0x13800] =	vst v63  }
0x132: {  	s28 =	sadd.s32 $0x578, s1  }
0x133: {  	[tilespmem:s29], [sflag:$0x3] =	stream.indirect.gather [hbm4b:s5+s9], $0x40, s28, s9, $0xb8;
	[tilespmem:$0x13800] =	vst v63  }
.Ltmp7:
0x134: {  	_ = 	snop;
	(pc) =	sbr.rel .LBB2_2-.Ltmp7, $4  }
0x135: {  	s30 =	sadd.s32 $0x5B0, s1  }
0x136: {  	[tilespmem:s31], [sflag:$0x3] =	stream.indirect.gather [hbm4b:s5+s9], $0x40, s30, s9, $0xb8;
	[tilespmem:$0x13800] =	vst v63  }
0x137: {  	s25 =	sadd.s32 $0x1, s25;
	s1 =	sadd.s32 $0x5E8, s1  }
0x138: {  	[tilespmem:s0], [sflag:$0x3] =	stream.indirect.gather [hbm4b:s5+s9], $0x40, s1, s9, $0xb8;
	[tilespmem:$0x13800] =	vst v63  }
.LBB2_13:
0x139: {  	_ =	sfence.sel $0x180000  }
0x13a: {  	[bflag:$0x0] =	sbarrier.arrive $0xFFFF  }
0x13b: {  	_ =	strace $0x90000047  }
0x13c: {  	s0 =	stileid.u32;
	[bflag:$0x2] =	sbarrier.arrive $0xFFFF  }
0x13d: {  	p0 =	sne.s32 s0, $0x0;
	s0 =	rddreg [dreg:$0x2]  }
0x13e: {  	s0 =	sadd.s32 @!p0 $0x100000, s0  }
0x13f: {  	[sflag:s0] =	ssyncadd.tile.s32 @!p0 $0x1;
	_ =	shalt  }
.Lfunc_end2:
_tile_overlayer_lowered:
.L_overlay_start_2:
0x140: {  	(tag) =	ssettag $0x2  }
0x141: {  	s0 =	rddreg [dreg:$0x0];
	s2 =	stileid.u32  }
0x142: {  	s1 =	rddreg [dreg:$0x1];
	p0 =	sne.s32 s2, $0x0  }
0x143: {  	s3 =	rddreg [dreg:$0x2];
	[bflag:$0x3] =	sbarrier.arrive $0xFFFF;
	s2 =	simm.s32 @!p0 $0x1C09  }
0x144: {  	[timem:s3], [sflag:s2] =	dma.local @!p0 [hbm:s0], s1  }
0x145: {  	s0 =	simm.s32 @!p0 $0x9  }
0x146: {  	_ =	swait.ge @!p0 [sflag:s0], s1  }
0x147: {  	s1 =	ssub.s32 @!p0 $0x0, s1;
	[sflag:s0] =	ssyncset.done @!p0 $0x0  }
0x148: {  	[sflag:s0] =	ssyncadd.s32 @!p0 s1  }
0x149: {  	[bflag:$0x3] =	sbarrier.arrive $0xFFFF  }
0x14a: {  	_ =	shalt  }

// kernel: sparse-core-data-format-call.cloned.1.call-start
scs
called_computation_lowered:
.L_overlay_start_0:
0x0: {  	s2 =	sld [smem:$0x3FD9]  }
0x1: {  	s3 =	sld [smem:$0x3FFE];
	_ =	sdelay $0x1  }
0x2: {  	s1 =	srdreg.scid  }
0x3: {  	s0 =	sand.u32 $0x1, s1  }
0x4: {  	s18 =	sshll.u32 s0, $0xA;
	s2 =	sadd.s32 s3, s2  }
0x5: {  	s2 =	sadd.s32 s2, s18  }
0x6: {  	[smem:$0x3FC6] =	sst s2  }
0x7: {  	_ = 	snop  }
0x8: {  	s2 =	sld [smem:$0x3FD0];
	(tm) =	ssettm $0x1  }
0x9: {  	s19 =	sld [smem:$0x3FFB];
	_ =	sdelay $0x3  }
0xa: {  	_ =	strace s19  }
0xb: {  	s3 =	sld [smem:$0x3FFC];
	_ =	sdelay $0x3  }
0xc: {  	_ =	strace s3  }
0xd: {  	s3 =	sld [smem:$0x3FFD];
	_ =	sdelay $0x3  }
0xe: {  	_ =	strace s3  }
0xf: {  	_ =	strace $0x8FFFFFFF  }
0x10: {  	s20 =	sld [smem:$0x3FDB];
	_ =	sdelay $0x1  }
0x11: {  	s4 =	simm.s32 $_scs_section_size  }
0x12: {  	s5 =	simm.s32 $_size__tile_overlayer_lowered;
	s6 =	simm.s32 $_tile_overlayer_lowered  }
0x13: {  	s23 =	simm.s32 $0x1BFF;
	s22 =	sshll.u32 s6, $0x1;
	s3 =	sadd.s32 s4, s20  }
0x14: {  	s7 =	simm.s32 $0x0;
	s21 =	sshll.u32 s5, $0x1;
	s5 =	sadd.s32 s22, s3  }
0x15: {  	[timem:s7], [sflag:s23] =	dma.local [hbm:s5], s21  }
0x16: {  	_ =	swait.ge [sflag:s23], s21  }
0x17: {  	s4 =	ssub.s32 $0x0, s21;
	[sflag:s23] =	ssyncset.done $0x0  }
0x18: {  	[sflag:s23] =	ssyncadd.s32 s4;
	_ =	sdelay $0x1  }
0x19: {  	s24 =	simm.s32 $0x1B8B  }
0x1a: {  	_ =	swait.ge [sflag:s24], $0x1  }
0x1b: {  	[sflag:s24] =	ssyncset.done $0x0  }
0x1c: {  	s26 =	simm.s32 $0x1B8E;
	s25 =	sld [smem:$0x3FFE];
	[sflag:s24] =	ssyncadd.s32 $0xFFFFFFFF  }
0x1d: {  	s27 =	simm.s32 $execute0_lowered;
	[smem:$0x3FD2] =	sst s26  }
0x1e: {  	s5 =	sshll.u32 s27, $0x1;
	_ =	strace $0x80000049;
	[dreg:$0x1] =	wrdreg $0xFFFFFFFF  }
0x1f: {  	s28 =	simm.s32 $_size_execute0_lowered;
	s3 =	sadd.s32 s3, s5;
	[dreg:$0x0] =	wrdreg $0x0  }
0x20: {  	s5 =	sshll.u32 s28, $0x1;
	[dreg:$0x2] =	wrdreg s3  }
0x21: {  	[dreg:$0x3] =	wrdreg s5  }
0x22: {  	[dreg:$0x4] =	wrdreg $0xC0  }
0x23: {  	_ =	task [dreg:s7], $0x5FFFF  }
0x24: {  	[dreg:$0x1] =	wrdreg $0xFFFFFFFF  }
0x25: {  	[dreg:$0x0] =	wrdreg $0x60  }
0x26: {  	[dreg:$0x2] =	wrdreg s25  }
0x27: {  	[dreg:$0x3] =	wrdreg s2  }
0x28: {  	[dreg:$0x4] =	wrdreg $0x9  }
0x29: {  	_ =	task.clear_ibuf [dreg:s7], $0x5FFFF;
	_ =	strace $0x90000049  }
0x2a: {  	s29 =	simm.s32 $0x9;
	_ =	strace $0x8000004B  }
0x2b: {  	_ =	swait.ge [sflag:s29], $0x1  }
0x2c: {  	[sflag:s29] =	ssyncadd.s32 $0xFFFFFFFF  }
0x2d: {  	_ =	strace $0x9000004B  }
0x2e: {  	_ =	sfence  }
0x2f: {  	s30 =	sld [smem:$0x0];
	_ =	sdelay $0x2  }
0x30: {  	s31 =	sshll.u32 s1, $0xD;
	s1 =	sshrl.u32 s1, $0x2  }
0x31: {  	s3 =	sand.u32 $0x4000, s31;
	s1 =	sadd.s32 s1, s30  }
0x32: {  	s0 =	sor.u32 s3, s0;
	s1 =	sshll.u32 s1, $0x11  }
0x33: {  	s0 =	sor.u32 s1, s0  }
0x34: {  	s0 =	sadd.s32 $0x8F2B, s0  }
0x35: {  	[sflag:s0] =	ssyncadd.remote.s32 $0x1  }
0x36: {  	_ =	sfence.sel $0xFFFF  }
0x37: {  	[dreg:$0x0] =	wrdreg $0xFFFFFFFF;
	(pc) =	sbr.abs _section_cstart, $3  }
0x38: {  	[dreg:$0x1] =	wrdreg $0xFFFFFFFF  }
0x39: {  	_ =	task.clear_ibuf [dreg:s7], $0x2FFFF;
	_ =	strace $0x9FFFFFFF  }
0x3a: {  	(tm) =	ssettm $0x7FFFFFFF  }
0x3b: {  	_ =	shalt  }
tec
execute0_lowered:
.L_overlay_start_1:
0x0: {  	(tag) =	ssettag $0x1  }
0x1: {  	s0 =	srdreg.scid  }
0x2: {  	s1 =	sshll.u32 s0, $0x4  }
0x3: {  	s0 =	stileid.u32;
	s1 =	sand.u32 $0x10, s1  }
0x4: {  	s1 =	sor.u32 s0, s1  }
0x5: {  	s6 =	rddreg [dreg:$0x0];
	s4 =	simm.s32 $0x1;
	s2 =	sshll.u32 s1, $0x7  }
0x6: {  	s7 =	simm.s32 $0x2;
	s12 =	simm.s32 $0x0;
	s1 =	ssub.s32 $0x4000, s2  }
0x7: {  	s8 =	simm.s32 $0x20000;
	s13 =	simm.s32 $0x0;
	s3 =	sand.u32 $0xF80, s1  }
0x8: {  	s9 =	simm.s32 $0x0;
	s5 =	sshrl.u32 s1, $0xC;
	p0 =	sne.s32 s3, $0x0  }
.Ltmp0:
0x9: {  	s1 =	rddreg [dreg:$0x2];
	s4 =	simm.s32 @!p0 $0x0;
	(pc) =	sbr.rel .LBB1_1-.Ltmp0, $4  }
0xa: {  	s11 =	simm.s32 $0x0;
	s3 =	rddreg [dreg:$0x1];
	s5 =	sadd.s32 s4, s5  }
0xb: {  	_ =	strace $0x8000004A;
	s4 =	simm.s32 $0x1;
	s5 =	smul.u32 $0x32, s5  }
0xc: {  	s6 =	sadd.s32 $0xA00, s6;
	s10 =	smov.u32 s2;
	[sflag:s4] =	ssyncpa.u1 $0x0  }
0xd: {  	p0 =	por $0x0, $0x0;
	[sflag:s7] =	ssyncpa.u1 $0x0;
	s7 =	sor.u32 $0x1, s5  }
.LBB1_4:
0xe: {  	s16 =	sshll.u32 s13, $0x3;
	s17 =	sand.u32 $0x78, s13  }
0xf: {  	s30 =	sand.u32 $0x1F800, s13;
	s12 =	sshll.u32 s12, $0x11;
	s16 =	sand.u32 $0x3C00, s16  }
0x10: {  	[tilespmem:s15+$0x810 ss:$0x81] =	vst.msk $0xffff, v2;
	s31 =	sand.u32 $0x7, s13;
	s16 =	sor.u32 s17, s16;
	s17 =	sadd.s32 s3, s30  }
0x11: {  	[tilespmem:s15+$0x1020 ss:$0x81] =	vst.msk $0xffff, v0;
	s13 =	sshll.u32 s31, $0x12;
	s12 =	sadd.s32 s12, s17;
	s16 =	sshrl.u32 s16, $0x3  }
0x12: {  	[tilespmem:s15+$0x0 ss:$0x81] =	vst.msk $0xffff, v1;
	s13 =	sor.u32 $0x400, s13;
	s12 =	sadd.s32 s16, s12  }
0x13: {  	[hbm4b:s12+s13] =	stream.strided.scatter [tilespmem:s14], [sflag:$0x2], $0x2000, s8, s13, $0x20;
	[tilespmem:$0x8080] =	vst v63  }
.LBB1_5:
0x14: {  	s14 =	sadd.s32 $0x1, s9  }
0x15: {  	s12 =	sadd.s32 $0x1000, s10;
	s16 =	smov.u32 s10;
	p2 =	sgt.s32 s14, $0x31  }
0x16: {  	s16 =	smov.u32 @p2 s12  }
0x17: {  	s14 =	simm.s32 @p2 $0x0;
	p2 =	sgt.s32 s16, $0x3FFF  }
0x18: {  	s16 =	smov.u32 @p2 s2;
	p2 =	sne.s32 s11, s7  }
.Ltmp1:
0x19: {  	p1 =	slt.u32 s11, $0x2;
	(pc) =	sbr.rel @!p2 .LBB1_6-.Ltmp1, $4  }
0x1a: {  	s15 =	simm.s32 @!p1 $0x2  }
0x1b: {  	s13 =	smov.u32 s10;
	p0 =	por !p0, !p0;
	_ =	swait.ge @!p1 [sflag:s15], $0x2000  }
0x1c: {  	s12 =	smov.u32 s9;
	[sflag:s15] =	ssyncset.done @!p1 $0x0;
	s9 =	smov.u32 s14  }
0x1d: {  	s11 =	sadd.s32 $0x1, s11;
	[sflag:s15] =	ssyncadd.s32 @!p1 $0xFFFFE000;
	s10 =	smov.u32 s16  }
.LBB1_1:
0x1e: {  	p1 =	sge.u32 s11, s5  }
0x1f: {  	s14 =	sand.u32 @!p1 $0x1FFFFFF, s9  }
0x20: {  	s15 =	smulhi.u32 @!p1 $0x4924925, s14;
	_ =	sdelay $0x1  }
0x21: {  	s15 =	smul.u32 @!p1 $0x38, s15  }
0x22: {  	s16 =	sxor.u32 @!p1 $0xFFFFFFFF, s11;
	s17 =	smul.u32 @!p1 $0x380, s10  }
0x23: {  	s31 =	sadd.s32 $0xFFFFFFFF, s11;
	s16 =	sshll.u32 @!p1 s16, $0xD;
	s14 =	ssub.s32 @!p1 s14, s15  }
0x24: {  	s15 =	sand.u32 @!p1 $0x2000, s16;
	s16 =	sadd.s32 @!p1 s6, s17;
	s14 =	sshll.u32 @!p1 s14, $0x4  }
0x25: {  	s17 =	simm.s32 @!p1 $0x1C00;
	s14 =	sadd.s32 @!p1 s14, s16;
	s16 =	simm.s32 @!p1 $0x40  }
0x26: {  	[tilespmem:s15], [sflag:$0x1] =	stream.strided.gather @!p1 [hbm4b:s14+s16], $0x2000, s17, s16, $0x38;
	[tilespmem:$0x8080] =	vst v63  }
0x27: {  	p1 =	sge.u32 s31, s5  }
.Ltmp2:
0x28: {  	_ = 	snop;
	(pc) =	sbr.rel @p1 .LBB1_5-.Ltmp2, $1  }
0x29: {  	_ =	sdelay $0x3  }
0x2a: {  	s14 =	simm.s32 $0x1  }
0x2b: {  	_ =	swait.ge [sflag:s4], $0x2000;
	s14 =	simm.s32 @!p0 $0x0  }
0x2c: {  	[sflag:s4] =	ssyncset.done $0x0;
	s15 =	sshll.u32 s14, $0xD  }
0x2d: {  	[sflag:s4] =	ssyncadd.s32 $0xFFFFE000;
	s18 =	sor.u32 $0x20, s15  }
0x2e: {  	s14 =	smul.u32 $0x8100, s14;
	v3 =	vld [tilespmem:s18+$0x10]  }
0x2f: {  	s30 =	sand.u32 $0x1, s11;
	v2 =	vld [tilespmem:s18+$0xFFFFFFF0]  }
0x30: {  	s15 =	smul.u32 $0x8100, s30;
	s14 =	sshrl.u32 s14, $0x2;
	v0 =	vld [tilespmem:s18+$0x0]  }
0x31: {  	v1 =	vld [tilespmem:s18+$0xFFFFFFE0];
	s16 =	sor.u32 $0x4000, s14  }
0x32: {  	s31 =	sshrl.u32 s15, $0x2;
	s15 =	sadd.s32 $0x0, s16  }
0x33: {  	s17 =	simm.s32 $0x4;
	s18 =	sadd.s32 $0x40, s18;
	s14 =	sor.u32 $0x4000, s31;
	[tilespmem:s15+$0x1830 ss:$0x81] =	vst.msk $0xffff, v3  }
.LBB1_3:
0x34: {  	v3 =	vld [tilespmem:s18+$0x10];
	p1 =	sne.s32 s17, $0x1FC;
	[tilespmem:s15+$0x810 ss:$0x81] =	vst.msk $0xffff, v2;
	s19 =	smov.u32 s17;
	s17 =	sadd.s32 $0x4, s17  }
.Ltmp3:
0x35: {  	v2 =	vld [tilespmem:s18+$0xFFFFFFF0];
	[tilespmem:s15+$0x1020 ss:$0x81] =	vst.msk $0xffff, v0;
	(pc) =	sbr.rel @p1 .LBB1_3-.Ltmp3, $4  }
0x36: {  	v0 =	vld [tilespmem:s18+$0x0];
	[tilespmem:s15+$0x0 ss:$0x81] =	vst.msk $0xffff, v1  }
0x37: {  	s15 =	sshra.s32 s19, $0x2;
	v1 =	vld [tilespmem:s18+$0xFFFFFFE0]  }
0x38: {  	s15 =	sadd.s32 s15, s16  }
0x39: {  	s18 =	sadd.s32 $0x40, s18;
	[tilespmem:s15+$0x1830 ss:$0x81] =	vst.msk $0xffff, v3  }
.Ltmp4:
0x3a: {  	_ = 	snop;
	(pc) =	sbr.rel .LBB1_4-.Ltmp4, $1  }
0x3b: {  	_ =	sdelay $0x3  }
.LBB1_6:
0x3c: {  	_ =	sfence.sel $0x180000  }
0x3d: {  	s2 =	simm.s32 $0x1;
	[bflag:$0x0] =	sbarrier.arrive $0xFFFF  }
0x3e: {  	s31 =	simm.s32 $0x2;
	[sflag:s2] =	ssyncpa.u1 $0x1  }
0x3f: {  	[sflag:s31] =	ssyncpa.u1 $0x1  }
0x40: {  	p0 =	sne.s32 s0, $0x0;
	_ =	strace $0x9000004A  }
0x41: {  	s0 =	sadd.s32 @!p0 $0x100000, s1;
	[bflag:$0x2] =	sbarrier.arrive $0xFFFF  }
0x42: {  	[sflag:s0] =	ssyncadd.tile.s32 @!p0 $0x1;
	_ =	shalt  }
.Lfunc_end1:
_tile_overlayer_lowered:
.L_overlay_start_2:
0x43: {  	(tag) =	ssettag $0x2  }
0x44: {  	s0 =	rddreg [dreg:$0x0];
	s2 =	stileid.u32  }
0x45: {  	s1 =	rddreg [dreg:$0x1];
	p0 =	sne.s32 s2, $0x0  }
0x46: {  	s3 =	rddreg [dreg:$0x2];
	[bflag:$0x3] =	sbarrier.arrive $0xFFFF;
	s2 =	simm.s32 @!p0 $0x1C01  }
0x47: {  	[timem:s3], [sflag:s2] =	dma.local @!p0 [hbm:s0], s1  }
0x48: {  	s0 =	simm.s32 @!p0 $0x1  }
0x49: {  	_ =	swait.ge @!p0 [sflag:s0], s1  }
0x4a: {  	s1 =	ssub.s32 @!p0 $0x0, s1;
	[sflag:s0] =	ssyncset.done @!p0 $0x0  }
0x4b: {  	[sflag:s0] =	ssyncadd.s32 @!p0 s1  }
0x4c: {  	[bflag:$0x3] =	sbarrier.arrive $0xFFFF  }
0x4d: {  	_ =	shalt  }

</sc_bundles>
